<compile_context>
chip_gen: v7x
topology: tpu7x:2x2x1
jax: 0.10.2.dev20260603
libtpu: 0.0.44.dev20260713+nightly
codegen_flags: <defaults>
</compile_context>

<pallas_src>
import functools

import jax
import jax.numpy as jnp
from jax import lax
from jax.experimental import pallas as pl
from jax.experimental.pallas import tpu as pltpu
from jax.experimental.pallas import tpu_sc as plsc

N_NODES = 10000
NP = 10240
EP = 327680
EPT = 10240
NCH = 80
CH = 128
RPT = NP // 16
DUMMY = N_NODES

_mesh = plsc.VectorSubcoreMesh(core_axis_name="c", subcore_axis_name="s")


@functools.partial(
    pl.kernel,
    mesh=_mesh,
    out_type=jax.ShapeDtypeStruct((2, NP), jnp.float32),
    scratch_types=[
        pltpu.VMEM((CH,), jnp.int32),
        pltpu.VMEM((CH,), jnp.int32),
        pltpu.VMEM((CH,), jnp.int32),
        pltpu.VMEM((CH,), jnp.int32),
        pltpu.VMEM((EPT,), jnp.int32),
        pltpu.VMEM((CH,), jnp.float32),
        pltpu.VMEM((RPT,), jnp.float32),
        pltpu.VMEM_SHARED((NP,), jnp.float32),
        pltpu.SemaphoreType.DMA,
        pltpu.SemaphoreType.DMA,
        pltpu.SemaphoreType.DMA,
        pltpu.SemaphoreType.DMA,
    ],
)
def _deg_kernel(colf_hbm, out_hbm, cb0, cb1, cb2, cb3, colv, ones_v, stage, acc,
                sm0, sm1, sm2, sm3):
    c = lax.axis_index("c")
    s = lax.axis_index("s")
    wid = c * 16 + s
    cbs = (cb0, cb1, cb2, cb3)
    sms = (sm0, sm1, sm2, sm3)

    def fill_ones(j, carry):
        ones_v[pl.ds(j * 16, 16)] = jnp.ones((16,), jnp.float32)
        return carry

    lax.fori_loop(0, CH // 16, fill_ones, 0)

    def fill_zero(j, carry):
        stage[pl.ds(j * 16, 16)] = jnp.zeros((16,), jnp.float32)
        return carry

    lax.fori_loop(0, RPT // 16, fill_zero, 0)
    pltpu.sync_copy(stage, acc.at[pl.ds(s * RPT, RPT)])
    plsc.subcore_barrier()

    pltpu.sync_copy(colf_hbm.at[pl.ds(wid * EPT, EPT)], colv)

    def unpack(g, cb):
        def cpy(j, cc):
            cb[pl.ds(j * 16, 16)] = colv[pl.ds(g * CH + j * 16, 16)]
            return cc

        lax.fori_loop(0, CH // 16, cpy, 0)

    for k in range(4):
        unpack(k, cbs[k])
        pltpu.async_copy(ones_v, acc.at[cbs[k]], sms[k], add=True)

    def body(t, carry):
        for k in range(4):
            g = 4 * t + k
            pltpu.make_async_copy(
                ones_v, acc.at[pl.ds(0, CH)], sms[k]
            ).wait()

            @pl.when(g + 4 < NCH)
            def _():
                unpack(g + 4, cbs[k])
                pltpu.async_copy(ones_v, acc.at[cbs[k]], sms[k], add=True)

        return carry

    lax.fori_loop(0, NCH // 4, body, 0)
    plsc.subcore_barrier()
    pltpu.sync_copy(acc.at[pl.ds(s * RPT, RPT)], stage)
    pltpu.sync_copy(stage, out_hbm.at[c, pl.ds(s * RPT, RPT)])


@functools.partial(
    pl.kernel,
    mesh=_mesh,
    out_type=jax.ShapeDtypeStruct((2, NP, 128), jnp.float32),
    scratch_types=[
        pltpu.VMEM((CH,), jnp.int32),
        pltpu.VMEM((CH,), jnp.int32),
        pltpu.VMEM((CH,), jnp.int32),
        pltpu.VMEM((CH,), jnp.int32),
        pltpu.VMEM((CH, 128), jnp.float32),
        pltpu.VMEM((CH, 128), jnp.float32),
        pltpu.VMEM_SHARED((NP, 128), jnp.float32),
        pltpu.SemaphoreType.DMA,
        pltpu.SemaphoreType.DMA,
        pltpu.SemaphoreType.DMA,
        pltpu.SemaphoreType.DMA,
    ],
)
def _scatter_kernel(y_hbm, rowf_hbm, colf_hbm, out_hbm,
                    rowa, cola, rowb, colb, bufa, bufb, acc,
                    sema, semb, ssema, ssemb):
    c = lax.axis_index("c")
    s = lax.axis_index("s")
    wid = c * 16 + s

    def fill_zero(i, carry):
        bufa[i // 8, pl.ds((i % 8) * 16, 16)] = jnp.zeros((16,), jnp.float32)
        return carry

    lax.fori_loop(0, CH * 8, fill_zero, 0)
    for i in range(RPT // CH):
        pltpu.async_copy(bufa, acc.at[pl.ds(s * RPT + i * CH, CH)], ssema)
    for i in range(RPT // CH):
        pltpu.make_async_copy(bufa, acc.at[pl.ds(0, CH)], ssema).wait()
    plsc.subcore_barrier()

    base0 = wid * EPT
    pltpu.sync_copy(rowf_hbm.at[pl.ds(base0, CH)], rowa)
    pltpu.sync_copy(colf_hbm.at[pl.ds(base0, CH)], cola)
    pltpu.async_copy(y_hbm.at[rowa], bufa, sema)
    pltpu.sync_copy(rowf_hbm.at[pl.ds(base0 + CH, CH)], rowb)
    pltpu.sync_copy(colf_hbm.at[pl.ds(base0 + CH, CH)], colb)

    def body(t, carry):
        g0 = 2 * t
        pltpu.async_copy(y_hbm.at[rowb], bufb, semb)
        pltpu.make_async_copy(y_hbm.at[pl.ds(0, CH)], bufa, sema).wait()
        pltpu.async_copy(bufa, acc.at[cola], ssema, add=True)

        @pl.when(g0 + 2 < NCH)
        def _():
            pltpu.sync_copy(rowf_hbm.at[pl.ds(base0 + (g0 + 2) * CH, CH)], rowa)
            pltpu.make_async_copy(bufa, acc.at[pl.ds(0, CH)], ssema).wait()
            pltpu.sync_copy(colf_hbm.at[pl.ds(base0 + (g0 + 2) * CH, CH)], cola)
            pltpu.async_copy(y_hbm.at[rowa], bufa, sema)

        @pl.when(g0 + 2 >= NCH)
        def _():
            pltpu.make_async_copy(bufa, acc.at[pl.ds(0, CH)], ssema).wait()

        pltpu.make_async_copy(y_hbm.at[pl.ds(0, CH)], bufb, semb).wait()
        pltpu.async_copy(bufb, acc.at[colb], ssemb, add=True)

        @pl.when(g0 + 3 < NCH)
        def _():
            pltpu.sync_copy(rowf_hbm.at[pl.ds(base0 + (g0 + 3) * CH, CH)], rowb)
            pltpu.make_async_copy(bufb, acc.at[pl.ds(0, CH)], ssemb).wait()
            pltpu.sync_copy(colf_hbm.at[pl.ds(base0 + (g0 + 3) * CH, CH)], colb)

        @pl.when(g0 + 3 >= NCH)
        def _():
            pltpu.make_async_copy(bufb, acc.at[pl.ds(0, CH)], ssemb).wait()

        return carry

    lax.fori_loop(0, NCH // 2, body, 0)
    plsc.subcore_barrier()

    nro = RPT // CH
    bufs = (bufa, bufb)
    rsems = (sema, semb)
    wsems = (ssema, ssemb)
    pltpu.async_copy(acc.at[pl.ds(s * RPT, CH)], bufa, sema)
    for i in range(nro):
        k = i % 2
        if i + 1 < nro:
            if i >= 1:
                pltpu.make_async_copy(
                    bufs[1 - k], out_hbm.at[0, pl.ds(0, CH)], wsems[1 - k]
                ).wait()
            pltpu.async_copy(
                acc.at[pl.ds(s * RPT + (i + 1) * CH, CH)],
                bufs[1 - k], rsems[1 - k],
            )
        pltpu.make_async_copy(
            acc.at[pl.ds(0, CH)], bufs[k], rsems[k]
        ).wait()
        pltpu.async_copy(
            bufs[k], out_hbm.at[c, pl.ds(s * RPT + i * CH, CH)], wsems[k]
        )
    pltpu.make_async_copy(bufs[(nro - 1) % 2], out_hbm.at[0, pl.ds(0, CH)],
                          wsems[(nro - 1) % 2]).wait()
    pltpu.make_async_copy(bufs[(nro - 2) % 2], out_hbm.at[0, pl.ds(0, CH)],
                          wsems[(nro - 2) % 2]).wait()


_BR = 1024


def _mm_scale_body(x_ref, w_ref, dinv_ref, o_ref):
    o_ref[...] = dinv_ref[...] * jnp.dot(
        x_ref[...], w_ref[...], preferred_element_type=jnp.float32
    )


def _mid_body(sa_ref, sb_ref, y_ref, dinv_ref, b_ref, w_ref, o_ref):
    h = dinv_ref[...] * (sa_ref[...] + sb_ref[...] + y_ref[...]) + b_ref[...]
    h = jnp.maximum(h, 0.0)
    o_ref[...] = dinv_ref[...] * jnp.dot(
        h, w_ref[...], preferred_element_type=jnp.float32
    )


def _final_body(sa_ref, sb_ref, y_ref, dinv_ref, b_ref, o_ref):
    o_ref[...] = (
        dinv_ref[...] * (sa_ref[...] + sb_ref[...] + y_ref[...]) + b_ref[...]
    )


def _row_spec():
    return pl.BlockSpec((_BR, 128), lambda i: (i, 0))


def _full_spec():
    return pl.BlockSpec((128, 128), lambda i: (0, 0))


def _dinv_spec():
    return pl.BlockSpec((_BR, 1), lambda i: (i, 0))


def _bias_spec():
    return pl.BlockSpec((1, 128), lambda i: (0, 0))


def _mm_scale(x, w, dinv2):
    return pl.pallas_call(
        _mm_scale_body,
        grid=(NP // _BR,),
        in_specs=[_row_spec(), _full_spec(), _dinv_spec()],
        out_specs=_row_spec(),
        out_shape=jax.ShapeDtypeStruct((NP, 128), jnp.float32),
    )(x, w, dinv2)


def _mid(sa, sb, y, dinv2, b, w):
    return pl.pallas_call(
        _mid_body,
        grid=(NP // _BR,),
        in_specs=[_row_spec(), _row_spec(), _row_spec(), _dinv_spec(),
                  _bias_spec(), _full_spec()],
        out_specs=_row_spec(),
        out_shape=jax.ShapeDtypeStruct((NP, 128), jnp.float32),
    )(sa, sb, y, dinv2, b, w)


def _final(sa, sb, y, dinv2, b):
    return pl.pallas_call(
        _final_body,
        grid=(NP // _BR,),
        in_specs=[_row_spec(), _row_spec(), _row_spec(), _dinv_spec(),
                  _bias_spec()],
        out_specs=_row_spec(),
        out_shape=jax.ShapeDtypeStruct((N_NODES, 128), jnp.float32),
    )(sa, sb, y, dinv2, b)


def kernel(x, edge_index, W1, b1, W2, b2):
    E = edge_index.shape[1]
    row = edge_index[0].astype(jnp.int32)
    col = edge_index[1].astype(jnp.int32)
    npad = EP - E
    pad_src = jnp.arange(npad, dtype=jnp.int32) % N_NODES
    pad_dst = DUMMY + (jnp.arange(npad, dtype=jnp.int32) % (NP - N_NODES))
    row_p = jnp.concatenate([row, pad_src])
    col_p = jnp.concatenate([col, pad_dst])
    b1r = b1.reshape(1, 128)
    b2r = b2.reshape(1, 128)

    deg_p = _deg_kernel(col_p)
    deg = deg_p[0] + deg_p[1] + 1.0
    dinv2 = lax.rsqrt(deg)[:, None]

    y1 = _mm_scale(x, W1, dinv2)
    s1 = _scatter_kernel(y1, row_p, col_p)
    y2 = _mid(s1[0], s1[1], y1, dinv2, b1r, W2)
    s2 = _scatter_kernel(y2, row_p, col_p)
    return _final(s2[0], s2[1], y2, dinv2, b2r)

# --- scband reference (transcript-rebuilt; emitter-appended) ---
"""Pipeline reference for scband-distributed-gcn-5111011083072 (READ-ONLY COPY).

The authoritative reference and input builder live on the scoring server;
editing this copy changes nothing except your own understanding.
"""

import jax, jax.numpy as jnp
import numpy as np

N_NODES = 10000
N_EDGES = 320000
IN_CH = 128
HID_CH = 128
OUT_CH = 128


def gcn_conv(x, edge_index, W, b):
    # PyG GCNConv: add self loops, symmetric normalization, linear transform,
    # scatter-add aggregation of messages from src (row) to dst (col).
    N = x.shape[0]
    loops = jnp.arange(N, dtype=edge_index.dtype)
    ei = jnp.concatenate([edge_index, jnp.stack([loops, loops])], axis=1)
    row, col = ei[0], ei[1]
    lin = x @ W
    deg = jax.ops.segment_sum(jnp.ones(ei.shape[1], dtype=x.dtype), col, num_segments=N)
    dinv = jnp.where(deg > 0, deg ** -0.5, 0.0)
    norm = dinv[row] * dinv[col]
    msgs = norm[:, None] * jnp.take(lin, row, axis=0)
    out = jax.ops.segment_sum(msgs, col, num_segments=N)
    return out + b


def setup_inputs(seed: int = 0) -> dict:
    key = jax.random.key(seed)
    k1, k2, k3, k4, k5, k6 = jax.random.split(key, 6)
    x = jax.random.normal(k1, (N_NODES, IN_CH), dtype=jnp.float32)
    edge_index = jax.random.randint(k2, (2, N_EDGES), 0, N_NODES, dtype=jnp.int32)
    W1 = jax.random.normal(k3, (IN_CH, HID_CH), dtype=jnp.float32) * (1.0 / np.sqrt(IN_CH))
    b1 = jnp.zeros((HID_CH,), dtype=jnp.float32)
    W2 = jax.random.normal(k4, (HID_CH, OUT_CH), dtype=jnp.float32) * (1.0 / np.sqrt(HID_CH))
    b2 = jnp.zeros((OUT_CH,), dtype=jnp.float32)
    return {"x": x, "edge_index": edge_index, "W1": W1, "b1": b1, "W2": W2, "b2": b2}


def reference(x, edge_index, W1, b1, W2, b2):
    # layer 1 + relu (dropout p=0.0 -> identity)
    h = gcn_conv(x, edge_index, W1, b1)
    h = jax.nn.relu(h)
    # layer 2 (final, no activation)
    out = gcn_conv(h, edge_index, W2, b2)
    return out

if __name__ == "__main__":
    import jax
    _d = setup_inputs()
    print(jax.jit(kernel)(*tuple(_d.values())))

</pallas_src>

<mosaic_0001>
#map = affine_map<(d0, d1) -> (0, 0)>
#map1 = affine_map<(d0, d1) -> (0)>
#map2 = affine_map<(d0, d1) -> (0, 0, 0)>
module attributes {stable_mosaic.version = 14 : i64} {
  func.func @_scatter_kernel(%arg0: i32, %arg1: i32, %arg2: memref<10240x128xf32, #tpu.memory_space<hbm>>, %arg3: memref<327680xi32, #tpu.memory_space<hbm>>, %arg4: memref<327680xi32, #tpu.memory_space<hbm>>, %arg5: memref<2x10240x128xf32, #tpu.memory_space<hbm>>, %arg6: memref<128xi32, #tpu.memory_space<vmem>>, %arg7: memref<128xi32, #tpu.memory_space<vmem>>, %arg8: memref<128xi32, #tpu.memory_space<vmem>>, %arg9: memref<128xi32, #tpu.memory_space<vmem>>, %arg10: memref<128x128xf32, #tpu.memory_space<vmem>>, %arg11: memref<128x128xf32, #tpu.memory_space<vmem>>, %arg12: memref<10240x128xf32, #tpu.memory_space<vmem_shared>>, %arg13: memref<!tpu.dma_semaphore, #tpu.memory_space<semaphore_mem>>, %arg14: memref<!tpu.dma_semaphore, #tpu.memory_space<semaphore_mem>>, %arg15: memref<!tpu.dma_semaphore, #tpu.memory_space<semaphore_mem>>, %arg16: memref<!tpu.dma_semaphore, #tpu.memory_space<semaphore_mem>>) attributes {dimension_semantics = [#tpu.dimension_semantics<core_parallel>, #tpu.dimension_semantics<subcore_parallel>], iteration_bounds = array<i64: 2, 16>, scalar_prefetch = 0 : i64, scratch_operands = 11 : i64, tpu.core_type = #tpu.core_type<sc_vector_subcore>, window_params = [{transform_indices = #map}, {transform_indices = #map1}, {transform_indices = #map1}, {transform_indices = #map2}]} {
    %mul3A = arith.constant 16 : i32
    %mul3A_0 = arith.muli %arg0, %mul3A : i32
    %add3A = arith.addi %mul3A_0, %arg1 : i32
    %scan3A = arith.constant 0 : i32
    %scan3A_1 = arith.constant 0 : i32
    %scan3A_2 = arith.constant 1024 : i32
    %scan3A_3 = arith.addi %scan3A_1, %scan3A_2 : i32
    %scan3A_4 = arith.constant 1 : i32
    scf.for %scan3A_253 = %scan3A_1 to %scan3A_3 step %scan3A_4  : i32 {
      %broadcast_in_dim3A = arith.constant 0.000000e+00 : f32
      %broadcast_in_dim3A_254 = vector.broadcast %broadcast_in_dim3A : f32 to vector<16xf32>
      %jit3A = arith.constant 8 : i32
      %div3A = arith.divsi %scan3A_253, %jit3A : i32
      %sign3A = arith.constant 0 : i32
      %sign3A_255 = arith.cmpi sgt, %scan3A_253, %sign3A : i32
      %sign3A_256 = arith.extui %sign3A_255 : i1 to i32
      %sign3A_257 = arith.constant 0 : i32
      %sign3A_258 = arith.cmpi slt, %scan3A_253, %sign3A_257 : i32
      %sign3A_259 = arith.extui %sign3A_258 : i1 to i32
      %sign3A_260 = arith.subi %sign3A_256, %sign3A_259 : i32
      %sign3A_261 = arith.constant 0 : i32
      %sign3A_262 = arith.cmpi sgt, %jit3A, %sign3A_261 : i32
      %sign3A_263 = arith.extui %sign3A_262 : i1 to i32
      %sign3A_264 = arith.constant 0 : i32
      %sign3A_265 = arith.cmpi slt, %jit3A, %sign3A_264 : i32
      %sign3A_266 = arith.extui %sign3A_265 : i1 to i32
      %sign3A_267 = arith.subi %sign3A_263, %sign3A_266 : i32
      %ne3A = arith.cmpi ne, %sign3A_260, %sign3A_267 : i32
      %rem3A = arith.remsi %scan3A_253, %jit3A : i32
      %ne3A_268 = arith.constant 0 : i32
      %ne3A_269 = arith.cmpi ne, %rem3A, %ne3A_268 : i32
      %and3A = arith.andi %ne3A, %ne3A_269 : i1
      %sub3A = arith.constant 1 : i32
      %sub3A_270 = arith.subi %div3A, %sub3A : i32
      %select_n3A = arith.select %and3A, %sub3A_270, %div3A : i32
      %jit3A_271 = arith.constant 8 : i32
      %eq3A = arith.constant 0 : i32
      %eq3A_272 = arith.cmpi eq, %jit3A_271, %eq3A : i32
      %jit3A_273 = arith.constant 1 : i32
      %select_n3A_274 = arith.select %eq3A_272, %jit3A_273, %jit3A_271 : i32
      %rem3A_275 = arith.remsi %scan3A_253, %select_n3A_274 : i32
      %ne3A_276 = arith.constant 0 : i32
      %ne3A_277 = arith.cmpi ne, %rem3A_275, %ne3A_276 : i32
      %lt3A = arith.constant 0 : i32
      %lt3A_278 = arith.cmpi slt, %rem3A_275, %lt3A : i32
      %lt3A_279 = arith.constant 0 : i32
      %lt3A_280 = arith.cmpi slt, %select_n3A_274, %lt3A_279 : i32
      %ne3A_281 = arith.xori %lt3A_278, %lt3A_280 : i1
      %and3A_282 = arith.andi %ne3A_281, %ne3A_277 : i1
      %add3A_283 = arith.addi %rem3A_275, %select_n3A_274 : i32
      %select_n3A_284 = arith.select %and3A_282, %add3A_283, %rem3A_275 : i32
      %mul3A_285 = arith.constant 16 : i32
      %mul3A_286 = arith.muli %select_n3A_284, %mul3A_285 : i32
      %swap3A = arith.index_cast %select_n3A : i32 to index
      %swap3A_287 = arith.index_cast %mul3A_286 : i32 to index
      %swap3A_288 = tpu.vector_load %arg10[%swap3A, %swap3A_287] {strides = array<i32>} : memref<128x128xf32, #tpu.memory_space<vmem>>, vector<1x16xf32>,
      %swap3A_289 = vector.shape_cast %swap3A_288 : vector<1x16xf32> to vector<16xf32>
      %swap3A_290 = vector.shape_cast %broadcast_in_dim3A_254 : vector<16xf32> to vector<1x16xf32>
      tpu.vector_store %arg10[%swap3A, %swap3A_287], %swap3A_290 {strides = array<i32>} : memref<128x128xf32, #tpu.memory_space<vmem>>, vector<1x16xf32>,
    }
    %scan3A_5 = arith.constant 1024 : i32
    %mul3A_6 = arith.constant 640 : i32
    %mul3A_7 = arith.muli %arg1, %mul3A_6 : i32
    %add3A_8 = arith.constant 0 : i32
    %add3A_9 = arith.addi %mul3A_7, %add3A_8 : i32
    %dma_start3A = arith.constant 0 : i32
    %dma_start3A_10 = tpu.memref_slice %arg12[%add3A_9, %dma_start3A] : memref<10240x128xf32, #tpu.memory_space<vmem_shared>> -> memref<128x128xf32, #tpu.memory_space<vmem_shared>>
    %dma_start3A_11 = arith.constant 0 : i32
    %dma_start3A_12 = tpu.memref_slice %arg12[%add3A_9, %dma_start3A_11] : memref<10240x128xf32, #tpu.memory_space<vmem_shared>> -> memref<128x128xf32, #tpu.memory_space<vmem_shared>>
    tpu.enqueue_dma source(%arg10 : memref<128x128xf32, #tpu.memory_space<vmem>>) target(%dma_start3A_12 : memref<128x128xf32, #tpu.memory_space<vmem_shared>>) target_semaphore(%arg15 : memref<!tpu.dma_semaphore, #tpu.memory_space<semaphore_mem>>)
    %mul3A_13 = arith.constant 640 : i32
    %mul3A_14 = arith.muli %arg1, %mul3A_13 : i32
    %add3A_15 = arith.constant 128 : i32
    %add3A_16 = arith.addi %mul3A_14, %add3A_15 : i32
    %dma_start3A_17 = arith.constant 0 : i32
    %dma_start3A_18 = tpu.memref_slice %arg12[%add3A_16, %dma_start3A_17] : memref<10240x128xf32, #tpu.memory_space<vmem_shared>> -> memref<128x128xf32, #tpu.memory_space<vmem_shared>>
    %dma_start3A_19 = arith.constant 0 : i32
    %dma_start3A_20 = tpu.memref_slice %arg12[%add3A_16, %dma_start3A_19] : memref<10240x128xf32, #tpu.memory_space<vmem_shared>> -> memref<128x128xf32, #tpu.memory_space<vmem_shared>>
    tpu.enqueue_dma source(%arg10 : memref<128x128xf32, #tpu.memory_space<vmem>>) target(%dma_start3A_20 : memref<128x128xf32, #tpu.memory_space<vmem_shared>>) target_semaphore(%arg15 : memref<!tpu.dma_semaphore, #tpu.memory_space<semaphore_mem>>)
    %mul3A_21 = arith.constant 640 : i32
    %mul3A_22 = arith.muli %arg1, %mul3A_21 : i32
    %add3A_23 = arith.constant 256 : i32
    %add3A_24 = arith.addi %mul3A_22, %add3A_23 : i32
    %dma_start3A_25 = arith.constant 0 : i32
    %dma_start3A_26 = tpu.memref_slice %arg12[%add3A_24, %dma_start3A_25] : memref<10240x128xf32, #tpu.memory_space<vmem_shared>> -> memref<128x128xf32, #tpu.memory_space<vmem_shared>>
    %dma_start3A_27 = arith.constant 0 : i32
    %dma_start3A_28 = tpu.memref_slice %arg12[%add3A_24, %dma_start3A_27] : memref<10240x128xf32, #tpu.memory_space<vmem_shared>> -> memref<128x128xf32, #tpu.memory_space<vmem_shared>>
    tpu.enqueue_dma source(%arg10 : memref<128x128xf32, #tpu.memory_space<vmem>>) target(%dma_start3A_28 : memref<128x128xf32, #tpu.memory_space<vmem_shared>>) target_semaphore(%arg15 : memref<!tpu.dma_semaphore, #tpu.memory_space<semaphore_mem>>)
    %mul3A_29 = arith.constant 640 : i32
    %mul3A_30 = arith.muli %arg1, %mul3A_29 : i32
    %add3A_31 = arith.constant 384 : i32
    %add3A_32 = arith.addi %mul3A_30, %add3A_31 : i32
    %dma_start3A_33 = arith.constant 0 : i32
    %dma_start3A_34 = tpu.memref_slice %arg12[%add3A_32, %dma_start3A_33] : memref<10240x128xf32, #tpu.memory_space<vmem_shared>> -> memref<128x128xf32, #tpu.memory_space<vmem_shared>>
    %dma_start3A_35 = arith.constant 0 : i32
    %dma_start3A_36 = tpu.memref_slice %arg12[%add3A_32, %dma_start3A_35] : memref<10240x128xf32, #tpu.memory_space<vmem_shared>> -> memref<128x128xf32, #tpu.memory_space<vmem_shared>>
    tpu.enqueue_dma source(%arg10 : memref<128x128xf32, #tpu.memory_space<vmem>>) target(%dma_start3A_36 : memref<128x128xf32, #tpu.memory_space<vmem_shared>>) target_semaphore(%arg15 : memref<!tpu.dma_semaphore, #tpu.memory_space<semaphore_mem>>)
    %mul3A_37 = arith.constant 640 : i32
    %mul3A_38 = arith.muli %arg1, %mul3A_37 : i32
    %add3A_39 = arith.constant 512 : i32
    %add3A_40 = arith.addi %mul3A_38, %add3A_39 : i32
    %dma_start3A_41 = arith.constant 0 : i32
    %dma_start3A_42 = tpu.memref_slice %arg12[%add3A_40, %dma_start3A_41] : memref<10240x128xf32, #tpu.memory_space<vmem_shared>> -> memref<128x128xf32, #tpu.memory_space<vmem_shared>>
    %dma_start3A_43 = arith.constant 0 : i32
    %dma_start3A_44 = tpu.memref_slice %arg12[%add3A_40, %dma_start3A_43] : memref<10240x128xf32, #tpu.memory_space<vmem_shared>> -> memref<128x128xf32, #tpu.memory_space<vmem_shared>>
    tpu.enqueue_dma source(%arg10 : memref<128x128xf32, #tpu.memory_space<vmem>>) target(%dma_start3A_44 : memref<128x128xf32, #tpu.memory_space<vmem_shared>>) target_semaphore(%arg15 : memref<!tpu.dma_semaphore, #tpu.memory_space<semaphore_mem>>)
    %dma_wait3A = arith.constant 0 : i32
    %dma_wait3A_45 = arith.constant 0 : i32
    %dma_wait3A_46 = tpu.memref_slice %arg12[%dma_wait3A, %dma_wait3A_45] : memref<10240x128xf32, #tpu.memory_space<vmem_shared>> -> memref<128x128xf32, #tpu.memory_space<vmem_shared>>
    %dma_wait3A_47 = arith.constant 0 : i32
    %dma_wait3A_48 = arith.constant 0 : i32
    %dma_wait3A_49 = tpu.memref_slice %arg12[%dma_wait3A_47, %dma_wait3A_48] : memref<10240x128xf32, #tpu.memory_space<vmem_shared>> -> memref<128x128xf32, #tpu.memory_space<vmem_shared>>
    tpu.wait_dma2 semaphore(%arg15 : memref<!tpu.dma_semaphore, #tpu.memory_space<semaphore_mem>>) src(%arg10 : memref<128x128xf32, #tpu.memory_space<vmem>>) dst(%dma_wait3A_49 : memref<128x128xf32, #tpu.memory_space<vmem_shared>>)
    %dma_wait3A_50 = arith.constant 0 : i32
    %dma_wait3A_51 = arith.constant 0 : i32
    %dma_wait3A_52 = tpu.memref_slice %arg12[%dma_wait3A_50, %dma_wait3A_51] : memref<10240x128xf32, #tpu.memory_space<vmem_shared>> -> memref<128x128xf32, #tpu.memory_space<vmem_shared>>
    %dma_wait3A_53 = arith.constant 0 : i32
    %dma_wait3A_54 = arith.constant 0 : i32
    %dma_wait3A_55 = tpu.memref_slice %arg12[%dma_wait3A_53, %dma_wait3A_54] : memref<10240x128xf32, #tpu.memory_space<vmem_shared>> -> memref<128x128xf32, #tpu.memory_space<vmem_shared>>
    tpu.wait_dma2 semaphore(%arg15 : memref<!tpu.dma_semaphore, #tpu.memory_space<semaphore_mem>>) src(%arg10 : memref<128x128xf32, #tpu.memory_space<vmem>>) dst(%dma_wait3A_55 : memref<128x128xf32, #tpu.memory_space<vmem_shared>>)
    %dma_wait3A_56 = arith.constant 0 : i32
    %dma_wait3A_57 = arith.constant 0 : i32
    %dma_wait3A_58 = tpu.memref_slice %arg12[%dma_wait3A_56, %dma_wait3A_57] : memref<10240x128xf32, #tpu.memory_space<vmem_shared>> -> memref<128x128xf32, #tpu.memory_space<vmem_shared>>
    %dma_wait3A_59 = arith.constant 0 : i32
    %dma_wait3A_60 = arith.constant 0 : i32
    %dma_wait3A_61 = tpu.memref_slice %arg12[%dma_wait3A_59, %dma_wait3A_60] : memref<10240x128xf32, #tpu.memory_space<vmem_shared>> -> memref<128x128xf32, #tpu.memory_space<vmem_shared>>
    tpu.wait_dma2 semaphore(%arg15 : memref<!tpu.dma_semaphore, #tpu.memory_space<semaphore_mem>>) src(%arg10 : memref<128x128xf32, #tpu.memory_space<vmem>>) dst(%dma_wait3A_61 : memref<128x128xf32, #tpu.memory_space<vmem_shared>>)
    %dma_wait3A_62 = arith.constant 0 : i32
    %dma_wait3A_63 = arith.constant 0 : i32
    %dma_wait3A_64 = tpu.memref_slice %arg12[%dma_wait3A_62, %dma_wait3A_63] : memref<10240x128xf32, #tpu.memory_space<vmem_shared>> -> memref<128x128xf32, #tpu.memory_space<vmem_shared>>
    %dma_wait3A_65 = arith.constant 0 : i32
    %dma_wait3A_66 = arith.constant 0 : i32
    %dma_wait3A_67 = tpu.memref_slice %arg12[%dma_wait3A_65, %dma_wait3A_66] : memref<10240x128xf32, #tpu.memory_space<vmem_shared>> -> memref<128x128xf32, #tpu.memory_space<vmem_shared>>
    tpu.wait_dma2 semaphore(%arg15 : memref<!tpu.dma_semaphore, #tpu.memory_space<semaphore_mem>>) src(%arg10 : memref<128x128xf32, #tpu.memory_space<vmem>>) dst(%dma_wait3A_67 : memref<128x128xf32, #tpu.memory_space<vmem_shared>>)
    %dma_wait3A_68 = arith.constant 0 : i32
    %dma_wait3A_69 = arith.constant 0 : i32
    %dma_wait3A_70 = tpu.memref_slice %arg12[%dma_wait3A_68, %dma_wait3A_69] : memref<10240x128xf32, #tpu.memory_space<vmem_shared>> -> memref<128x128xf32, #tpu.memory_space<vmem_shared>>
    %dma_wait3A_71 = arith.constant 0 : i32
    %dma_wait3A_72 = arith.constant 0 : i32
    %dma_wait3A_73 = tpu.memref_slice %arg12[%dma_wait3A_71, %dma_wait3A_72] : memref<10240x128xf32, #tpu.memory_space<vmem_shared>> -> memref<128x128xf32, #tpu.memory_space<vmem_shared>>
    tpu.wait_dma2 semaphore(%arg15 : memref<!tpu.dma_semaphore, #tpu.memory_space<semaphore_mem>>) src(%arg10 : memref<128x128xf32, #tpu.memory_space<vmem>>) dst(%dma_wait3A_73 : memref<128x128xf32, #tpu.memory_space<vmem_shared>>)
    %barrier3A = arith.constant 0 : index
    tpu.barrier barrier_id(%barrier3A)
    %mul3A_74 = arith.constant 10240 : i32
    %mul3A_75 = arith.muli %add3A, %mul3A_74 : i32
    "tpu.region"() ({
      %run_scoped3A = tpu.sem_alloc : memref<!tpu.dma_semaphore, #tpu.memory_space<semaphore_mem>>
      %dma_start3A_253 = tpu.memref_slice %arg3[%mul3A_75] : memref<327680xi32, #tpu.memory_space<hbm>> -> memref<128xi32, #tpu.memory_space<hbm>>
      %dma_start3A_254 = tpu.memref_slice %arg3[%mul3A_75] : memref<327680xi32, #tpu.memory_space<hbm>> -> memref<128xi32, #tpu.memory_space<hbm>>
      tpu.enqueue_dma source(%dma_start3A_254 : memref<128xi32, #tpu.memory_space<hbm>>) target(%arg6 : memref<128xi32, #tpu.memory_space<vmem>>) target_semaphore(%run_scoped3A : memref<!tpu.dma_semaphore, #tpu.memory_space<semaphore_mem>>)
      %dma_wait3A_255 = tpu.memref_slice %arg3[%mul3A_75] : memref<327680xi32, #tpu.memory_space<hbm>> -> memref<128xi32, #tpu.memory_space<hbm>>
      %dma_wait3A_256 = tpu.memref_slice %arg3[%mul3A_75] : memref<327680xi32, #tpu.memory_space<hbm>> -> memref<128xi32, #tpu.memory_space<hbm>>
      tpu.wait_dma2 semaphore(%run_scoped3A : memref<!tpu.dma_semaphore, #tpu.memory_space<semaphore_mem>>) src(%dma_wait3A_256 : memref<128xi32, #tpu.memory_space<hbm>>) dst(%arg6 : memref<128xi32, #tpu.memory_space<vmem>>)
      tpu.yield
    }) : () -> ()
    "tpu.region"() ({
      %run_scoped3A = tpu.sem_alloc : memref<!tpu.dma_semaphore, #tpu.memory_space<semaphore_mem>>
      %dma_start3A_253 = tpu.memref_slice %arg4[%mul3A_75] : memref<327680xi32, #tpu.memory_space<hbm>> -> memref<128xi32, #tpu.memory_space<hbm>>
      %dma_start3A_254 = tpu.memref_slice %arg4[%mul3A_75] : memref<327680xi32, #tpu.memory_space<hbm>> -> memref<128xi32, #tpu.memory_space<hbm>>
      tpu.enqueue_dma source(%dma_start3A_254 : memref<128xi32, #tpu.memory_space<hbm>>) target(%arg7 : memref<128xi32, #tpu.memory_space<vmem>>) target_semaphore(%run_scoped3A : memref<!tpu.dma_semaphore, #tpu.memory_space<semaphore_mem>>)
      %dma_wait3A_255 = tpu.memref_slice %arg4[%mul3A_75] : memref<327680xi32, #tpu.memory_space<hbm>> -> memref<128xi32, #tpu.memory_space<hbm>>
      %dma_wait3A_256 = tpu.memref_slice %arg4[%mul3A_75] : memref<327680xi32, #tpu.memory_space<hbm>> -> memref<128xi32, #tpu.memory_space<hbm>>
      tpu.wait_dma2 semaphore(%run_scoped3A : memref<!tpu.dma_semaphore, #tpu.memory_space<semaphore_mem>>) src(%dma_wait3A_256 : memref<128xi32, #tpu.memory_space<hbm>>) dst(%arg7 : memref<128xi32, #tpu.memory_space<vmem>>)
      tpu.yield
    }) : () -> ()
    %dma_start3A_76 = arith.constant 0 : i32
    %dma_start3A_77 = arith.constant 0 : i32
    %dma_start3A_78 = tpu.memref_slice %arg2[%dma_start3A_76, %dma_start3A_77] : memref<10240x128xf32, #tpu.memory_space<hbm>> -> memref<10240x128xf32, #tpu.memory_space<hbm>>
    tpu.enqueue_indirect_dma source(%dma_start3A_78 : memref<10240x128xf32, #tpu.memory_space<hbm>>) target(%arg10 : memref<128x128xf32, #tpu.memory_space<vmem>>) offsets(%arg6 : memref<128xi32, #tpu.memory_space<vmem>>) semaphore(%arg13 : memref<!tpu.dma_semaphore, #tpu.memory_space<semaphore_mem>>)
    %add3A_79 = arith.constant 128 : i32
    %add3A_80 = arith.addi %mul3A_75, %add3A_79 : i32
    "tpu.region"() ({
      %run_scoped3A = tpu.sem_alloc : memref<!tpu.dma_semaphore, #tpu.memory_space<semaphore_mem>>
      %dma_start3A_253 = tpu.memref_slice %arg3[%add3A_80] : memref<327680xi32, #tpu.memory_space<hbm>> -> memref<128xi32, #tpu.memory_space<hbm>>
      %dma_start3A_254 = tpu.memref_slice %arg3[%add3A_80] : memref<327680xi32, #tpu.memory_space<hbm>> -> memref<128xi32, #tpu.memory_space<hbm>>
      tpu.enqueue_dma source(%dma_start3A_254 : memref<128xi32, #tpu.memory_space<hbm>>) target(%arg8 : memref<128xi32, #tpu.memory_space<vmem>>) target_semaphore(%run_scoped3A : memref<!tpu.dma_semaphore, #tpu.memory_space<semaphore_mem>>)
      %dma_wait3A_255 = tpu.memref_slice %arg3[%add3A_80] : memref<327680xi32, #tpu.memory_space<hbm>> -> memref<128xi32, #tpu.memory_space<hbm>>
      %dma_wait3A_256 = tpu.memref_slice %arg3[%add3A_80] : memref<327680xi32, #tpu.memory_space<hbm>> -> memref<128xi32, #tpu.memory_space<hbm>>
      tpu.wait_dma2 semaphore(%run_scoped3A : memref<!tpu.dma_semaphore, #tpu.memory_space<semaphore_mem>>) src(%dma_wait3A_256 : memref<128xi32, #tpu.memory_space<hbm>>) dst(%arg8 : memref<128xi32, #tpu.memory_space<vmem>>)
      tpu.yield
    }) : () -> ()
    %add3A_81 = arith.constant 128 : i32
    %add3A_82 = arith.addi %mul3A_75, %add3A_81 : i32
    "tpu.region"() ({
      %run_scoped3A = tpu.sem_alloc : memref<!tpu.dma_semaphore, #tpu.memory_space<semaphore_mem>>
      %dma_start3A_253 = tpu.memref_slice %arg4[%add3A_82] : memref<327680xi32, #tpu.memory_space<hbm>> -> memref<128xi32, #tpu.memory_space<hbm>>
      %dma_start3A_254 = tpu.memref_slice %arg4[%add3A_82] : memref<327680xi32, #tpu.memory_space<hbm>> -> memref<128xi32, #tpu.memory_space<hbm>>
      tpu.enqueue_dma source(%dma_start3A_254 : memref<128xi32, #tpu.memory_space<hbm>>) target(%arg9 : memref<128xi32, #tpu.memory_space<vmem>>) target_semaphore(%run_scoped3A : memref<!tpu.dma_semaphore, #tpu.memory_space<semaphore_mem>>)
      %dma_wait3A_255 = tpu.memref_slice %arg4[%add3A_82] : memref<327680xi32, #tpu.memory_space<hbm>> -> memref<128xi32, #tpu.memory_space<hbm>>
      %dma_wait3A_256 = tpu.memref_slice %arg4[%add3A_82] : memref<327680xi32, #tpu.memory_space<hbm>> -> memref<128xi32, #tpu.memory_space<hbm>>
      tpu.wait_dma2 semaphore(%run_scoped3A : memref<!tpu.dma_semaphore, #tpu.memory_space<semaphore_mem>>) src(%dma_wait3A_256 : memref<128xi32, #tpu.memory_space<hbm>>) dst(%arg9 : memref<128xi32, #tpu.memory_space<vmem>>)
      tpu.yield
    }) : () -> ()
    %scan3A_83 = arith.constant 0 : i32
    %scan3A_84 = arith.constant 0 : i32
    %scan3A_85 = arith.constant 40 : i32
    %scan3A_86 = arith.addi %scan3A_84, %scan3A_85 : i32
    %scan3A_87 = arith.constant 1 : i32
    scf.for %scan3A_253 = %scan3A_84 to %scan3A_86 step %scan3A_87  : i32 {
      %mul3A_254 = arith.constant 2 : i32
      %mul3A_255 = arith.muli %mul3A_254, %scan3A_253 : i32
      %dma_start3A_256 = arith.constant 0 : i32
      %dma_start3A_257 = arith.constant 0 : i32
      %dma_start3A_258 = tpu.memref_slice %arg2[%dma_start3A_256, %dma_start3A_257] : memref<10240x128xf32, #tpu.memory_space<hbm>> -> memref<10240x128xf32, #tpu.memory_space<hbm>>
      tpu.enqueue_indirect_dma source(%dma_start3A_258 : memref<10240x128xf32, #tpu.memory_space<hbm>>) target(%arg11 : memref<128x128xf32, #tpu.memory_space<vmem>>) offsets(%arg8 : memref<128xi32, #tpu.memory_space<vmem>>) semaphore(%arg14 : memref<!tpu.dma_semaphore, #tpu.memory_space<semaphore_mem>>)
      %dma_wait3A_259 = arith.constant 0 : i32
      %dma_wait3A_260 = arith.constant 0 : i32
      %dma_wait3A_261 = tpu.memref_slice %arg2[%dma_wait3A_259, %dma_wait3A_260] : memref<10240x128xf32, #tpu.memory_space<hbm>> -> memref<128x128xf32, #tpu.memory_space<hbm>>
      %dma_wait3A_262 = arith.constant 0 : i32
      %dma_wait3A_263 = arith.constant 0 : i32
      %dma_wait3A_264 = tpu.memref_slice %arg2[%dma_wait3A_262, %dma_wait3A_263] : memref<10240x128xf32, #tpu.memory_space<hbm>> -> memref<128x128xf32, #tpu.memory_space<hbm>>
      tpu.wait_dma2 semaphore(%arg13 : memref<!tpu.dma_semaphore, #tpu.memory_space<semaphore_mem>>) src(%dma_wait3A_264 : memref<128x128xf32, #tpu.memory_space<hbm>>) dst(%arg10 : memref<128x128xf32, #tpu.memory_space<vmem>>)
      %dma_start3A_265 = arith.constant 0 : i32
      %dma_start3A_266 = arith.constant 0 : i32
      %dma_start3A_267 = tpu.memref_slice %arg12[%dma_start3A_265, %dma_start3A_266] : memref<10240x128xf32, #tpu.memory_space<vmem_shared>> -> memref<10240x128xf32, #tpu.memory_space<vmem_shared>>
      tpu.enqueue_indirect_dma source(%arg10 : memref<128x128xf32, #tpu.memory_space<vmem>>) target(%dma_start3A_267 : memref<10240x128xf32, #tpu.memory_space<vmem_shared>>) offsets(%arg7 : memref<128xi32, #tpu.memory_space<vmem>>) semaphore(%arg15 : memref<!tpu.dma_semaphore, #tpu.memory_space<semaphore_mem>>) {add = true}
      %add3A_268 = arith.constant 2 : i32
      %add3A_269 = arith.addi %mul3A_255, %add3A_268 : i32
      %lt3A = arith.constant 80 : i32
      %lt3A_270 = arith.cmpi slt, %add3A_269, %lt3A : i32
      %convert_element_type3A = arith.extui %lt3A_270 : i1 to i32
      %cond3A = arith.constant 0 : i32
      %cond3A_271 = arith.cmpi ne, %convert_element_type3A, %cond3A : i32
      scf.if %cond3A_271 {
        %add3A_301 = arith.constant 2 : i32
        %add3A_302 = arith.addi %mul3A_255, %add3A_301 : i32
        %mul3A_303 = arith.constant 128 : i32
        %mul3A_304 = arith.muli %add3A_302, %mul3A_303 : i32
        %add3A_305 = arith.addi %mul3A_75, %mul3A_304 : i32
        "tpu.region"() ({
          %run_scoped3A = tpu.sem_alloc : memref<!tpu.dma_semaphore, #tpu.memory_space<semaphore_mem>>
          %dma_start3A_320 = tpu.memref_slice %arg3[%add3A_305] : memref<327680xi32, #tpu.memory_space<hbm>> -> memref<128xi32, #tpu.memory_space<hbm>>
          %dma_start3A_321 = tpu.memref_slice %arg3[%add3A_305] : memref<327680xi32, #tpu.memory_space<hbm>> -> memref<128xi32, #tpu.memory_space<hbm>>
          tpu.enqueue_dma source(%dma_start3A_321 : memref<128xi32, #tpu.memory_space<hbm>>) target(%arg6 : memref<128xi32, #tpu.memory_space<vmem>>) target_semaphore(%run_scoped3A : memref<!tpu.dma_semaphore, #tpu.memory_space<semaphore_mem>>)
          %dma_wait3A_322 = tpu.memref_slice %arg3[%add3A_305] : memref<327680xi32, #tpu.memory_space<hbm>> -> memref<128xi32, #tpu.memory_space<hbm>>
          %dma_wait3A_323 = tpu.memref_slice %arg3[%add3A_305] : memref<327680xi32, #tpu.memory_space<hbm>> -> memref<128xi32, #tpu.memory_space<hbm>>
          tpu.wait_dma2 semaphore(%run_scoped3A : memref<!tpu.dma_semaphore, #tpu.memory_space<semaphore_mem>>) src(%dma_wait3A_323 : memref<128xi32, #tpu.memory_space<hbm>>) dst(%arg6 : memref<128xi32, #tpu.memory_space<vmem>>)
          tpu.yield
        }) : () -> ()
        %dma_wait3A_306 = arith.constant 0 : i32
        %dma_wait3A_307 = arith.constant 0 : i32
        %dma_wait3A_308 = tpu.memref_slice %arg12[%dma_wait3A_306, %dma_wait3A_307] : memref<10240x128xf32, #tpu.memory_space<vmem_shared>> -> memref<128x128xf32, #tpu.memory_space<vmem_shared>>
        %dma_wait3A_309 = arith.constant 0 : i32
        %dma_wait3A_310 = arith.constant 0 : i32
        %dma_wait3A_311 = tpu.memref_slice %arg12[%dma_wait3A_309, %dma_wait3A_310] : memref<10240x128xf32, #tpu.memory_space<vmem_shared>> -> memref<128x128xf32, #tpu.memory_space<vmem_shared>>
        tpu.wait_dma2 semaphore(%arg15 : memref<!tpu.dma_semaphore, #tpu.memory_space<semaphore_mem>>) src(%arg10 : memref<128x128xf32, #tpu.memory_space<vmem>>) dst(%dma_wait3A_311 : memref<128x128xf32, #tpu.memory_space<vmem_shared>>)
        %add3A_312 = arith.constant 2 : i32
        %add3A_313 = arith.addi %mul3A_255, %add3A_312 : i32
        %mul3A_314 = arith.constant 128 : i32
        %mul3A_315 = arith.muli %add3A_313, %mul3A_314 : i32
        %add3A_316 = arith.addi %mul3A_75, %mul3A_315 : i32
        "tpu.region"() ({
          %run_scoped3A = tpu.sem_alloc : memref<!tpu.dma_semaphore, #tpu.memory_space<semaphore_mem>>
          %dma_start3A_320 = tpu.memref_slice %arg4[%add3A_316] : memref<327680xi32, #tpu.memory_space<hbm>> -> memref<128xi32, #tpu.memory_space<hbm>>
          %dma_start3A_321 = tpu.memref_slice %arg4[%add3A_316] : memref<327680xi32, #tpu.memory_space<hbm>> -> memref<128xi32, #tpu.memory_space<hbm>>
          tpu.enqueue_dma source(%dma_start3A_321 : memref<128xi32, #tpu.memory_space<hbm>>) target(%arg7 : memref<128xi32, #tpu.memory_space<vmem>>) target_semaphore(%run_scoped3A : memref<!tpu.dma_semaphore, #tpu.memory_space<semaphore_mem>>)
          %dma_wait3A_322 = tpu.memref_slice %arg4[%add3A_316] : memref<327680xi32, #tpu.memory_space<hbm>> -> memref<128xi32, #tpu.memory_space<hbm>>
          %dma_wait3A_323 = tpu.memref_slice %arg4[%add3A_316] : memref<327680xi32, #tpu.memory_space<hbm>> -> memref<128xi32, #tpu.memory_space<hbm>>
          tpu.wait_dma2 semaphore(%run_scoped3A : memref<!tpu.dma_semaphore, #tpu.memory_space<semaphore_mem>>) src(%dma_wait3A_323 : memref<128xi32, #tpu.memory_space<hbm>>) dst(%arg7 : memref<128xi32, #tpu.memory_space<vmem>>)
          tpu.yield
        }) : () -> ()
        %dma_start3A_317 = arith.constant 0 : i32
        %dma_start3A_318 = arith.constant 0 : i32
        %dma_start3A_319 = tpu.memref_slice %arg2[%dma_start3A_317, %dma_start3A_318] : memref<10240x128xf32, #tpu.memory_space<hbm>> -> memref<10240x128xf32, #tpu.memory_space<hbm>>
        tpu.enqueue_indirect_dma source(%dma_start3A_319 : memref<10240x128xf32, #tpu.memory_space<hbm>>) target(%arg10 : memref<128x128xf32, #tpu.memory_space<vmem>>) offsets(%arg6 : memref<128xi32, #tpu.memory_space<vmem>>) semaphore(%arg13 : memref<!tpu.dma_semaphore, #tpu.memory_space<semaphore_mem>>)
      } else {
      }
      %add3A_272 = arith.constant 2 : i32
      %add3A_273 = arith.addi %mul3A_255, %add3A_272 : i32
      %ge3A = arith.constant 80 : i32
      %ge3A_274 = arith.cmpi sge, %add3A_273, %ge3A : i32
      %convert_element_type3A_275 = arith.extui %ge3A_274 : i1 to i32
      %cond3A_276 = arith.constant 0 : i32
      %cond3A_277 = arith.cmpi ne, %convert_element_type3A_275, %cond3A_276 : i32
      scf.if %cond3A_277 {
        %dma_wait3A_301 = arith.constant 0 : i32
        %dma_wait3A_302 = arith.constant 0 : i32
        %dma_wait3A_303 = tpu.memref_slice %arg12[%dma_wait3A_301, %dma_wait3A_302] : memref<10240x128xf32, #tpu.memory_space<vmem_shared>> -> memref<128x128xf32, #tpu.memory_space<vmem_shared>>
        %dma_wait3A_304 = arith.constant 0 : i32
        %dma_wait3A_305 = arith.constant 0 : i32
        %dma_wait3A_306 = tpu.memref_slice %arg12[%dma_wait3A_304, %dma_wait3A_305] : memref<10240x128xf32, #tpu.memory_space<vmem_shared>> -> memref<128x128xf32, #tpu.memory_space<vmem_shared>>
        tpu.wait_dma2 semaphore(%arg15 : memref<!tpu.dma_semaphore, #tpu.memory_space<semaphore_mem>>) src(%arg10 : memref<128x128xf32, #tpu.memory_space<vmem>>) dst(%dma_wait3A_306 : memref<128x128xf32, #tpu.memory_space<vmem_shared>>)
      } else {
      }
      %dma_wait3A_278 = arith.constant 0 : i32
      %dma_wait3A_279 = arith.constant 0 : i32
      %dma_wait3A_280 = tpu.memref_slice %arg2[%dma_wait3A_278, %dma_wait3A_279] : memref<10240x128xf32, #tpu.memory_space<hbm>> -> memref<128x128xf32, #tpu.memory_space<hbm>>
      %dma_wait3A_281 = arith.constant 0 : i32
      %dma_wait3A_282 = arith.constant 0 : i32
      %dma_wait3A_283 = tpu.memref_slice %arg2[%dma_wait3A_281, %dma_wait3A_282] : memref<10240x128xf32, #tpu.memory_space<hbm>> -> memref<128x128xf32, #tpu.memory_space<hbm>>
      tpu.wait_dma2 semaphore(%arg14 : memref<!tpu.dma_semaphore, #tpu.memory_space<semaphore_mem>>) src(%dma_wait3A_283 : memref<128x128xf32, #tpu.memory_space<hbm>>) dst(%arg11 : memref<128x128xf32, #tpu.memory_space<vmem>>)
      %dma_start3A_284 = arith.constant 0 : i32
      %dma_start3A_285 = arith.constant 0 : i32
      %dma_start3A_286 = tpu.memref_slice %arg12[%dma_start3A_284, %dma_start3A_285] : memref<10240x128xf32, #tpu.memory_space<vmem_shared>> -> memref<10240x128xf32, #tpu.memory_space<vmem_shared>>
      tpu.enqueue_indirect_dma source(%arg11 : memref<128x128xf32, #tpu.memory_space<vmem>>) target(%dma_start3A_286 : memref<10240x128xf32, #tpu.memory_space<vmem_shared>>) offsets(%arg9 : memref<128xi32, #tpu.memory_space<vmem>>) semaphore(%arg16 : memref<!tpu.dma_semaphore, #tpu.memory_space<semaphore_mem>>) {add = true}
      %add3A_287 = arith.constant 3 : i32
      %add3A_288 = arith.addi %mul3A_255, %add3A_287 : i32
      %lt3A_289 = arith.constant 80 : i32
      %lt3A_290 = arith.cmpi slt, %add3A_288, %lt3A_289 : i32
      %convert_element_type3A_291 = arith.extui %lt3A_290 : i1 to i32
      %cond3A_292 = arith.constant 0 : i32
      %cond3A_293 = arith.cmpi ne, %convert_element_type3A_291, %cond3A_292 : i32
      scf.if %cond3A_293 {
        %add3A_301 = arith.constant 3 : i32
        %add3A_302 = arith.addi %mul3A_255, %add3A_301 : i32
        %mul3A_303 = arith.constant 128 : i32
        %mul3A_304 = arith.muli %add3A_302, %mul3A_303 : i32
        %add3A_305 = arith.addi %mul3A_75, %mul3A_304 : i32
        "tpu.region"() ({
          %run_scoped3A = tpu.sem_alloc : memref<!tpu.dma_semaphore, #tpu.memory_space<semaphore_mem>>
          %dma_start3A_317 = tpu.memref_slice %arg3[%add3A_305] : memref<327680xi32, #tpu.memory_space<hbm>> -> memref<128xi32, #tpu.memory_space<hbm>>
          %dma_start3A_318 = tpu.memref_slice %arg3[%add3A_305] : memref<327680xi32, #tpu.memory_space<hbm>> -> memref<128xi32, #tpu.memory_space<hbm>>
          tpu.enqueue_dma source(%dma_start3A_318 : memref<128xi32, #tpu.memory_space<hbm>>) target(%arg8 : memref<128xi32, #tpu.memory_space<vmem>>) target_semaphore(%run_scoped3A : memref<!tpu.dma_semaphore, #tpu.memory_space<semaphore_mem>>)
          %dma_wait3A_319 = tpu.memref_slice %arg3[%add3A_305] : memref<327680xi32, #tpu.memory_space<hbm>> -> memref<128xi32, #tpu.memory_space<hbm>>
          %dma_wait3A_320 = tpu.memref_slice %arg3[%add3A_305] : memref<327680xi32, #tpu.memory_space<hbm>> -> memref<128xi32, #tpu.memory_space<hbm>>
          tpu.wait_dma2 semaphore(%run_scoped3A : memref<!tpu.dma_semaphore, #tpu.memory_space<semaphore_mem>>) src(%dma_wait3A_320 : memref<128xi32, #tpu.memory_space<hbm>>) dst(%arg8 : memref<128xi32, #tpu.memory_space<vmem>>)
          tpu.yield
        }) : () -> ()
        %dma_wait3A_306 = arith.constant 0 : i32
        %dma_wait3A_307 = arith.constant 0 : i32
        %dma_wait3A_308 = tpu.memref_slice %arg12[%dma_wait3A_306, %dma_wait3A_307] : memref<10240x128xf32, #tpu.memory_space<vmem_shared>> -> memref<128x128xf32, #tpu.memory_space<vmem_shared>>
        %dma_wait3A_309 = arith.constant 0 : i32
        %dma_wait3A_310 = arith.constant 0 : i32
        %dma_wait3A_311 = tpu.memref_slice %arg12[%dma_wait3A_309, %dma_wait3A_310] : memref<10240x128xf32, #tpu.memory_space<vmem_shared>> -> memref<128x128xf32, #tpu.memory_space<vmem_shared>>
        tpu.wait_dma2 semaphore(%arg16 : memref<!tpu.dma_semaphore, #tpu.memory_space<semaphore_mem>>) src(%arg11 : memref<128x128xf32, #tpu.memory_space<vmem>>) dst(%dma_wait3A_311 : memref<128x128xf32, #tpu.memory_space<vmem_shared>>)
        %add3A_312 = arith.constant 3 : i32
        %add3A_313 = arith.addi %mul3A_255, %add3A_312 : i32
        %mul3A_314 = arith.constant 128 : i32
        %mul3A_315 = arith.muli %add3A_313, %mul3A_314 : i32
        %add3A_316 = arith.addi %mul3A_75, %mul3A_315 : i32
        "tpu.region"() ({
          %run_scoped3A = tpu.sem_alloc : memref<!tpu.dma_semaphore, #tpu.memory_space<semaphore_mem>>
          %dma_start3A_317 = tpu.memref_slice %arg4[%add3A_316] : memref<327680xi32, #tpu.memory_space<hbm>> -> memref<128xi32, #tpu.memory_space<hbm>>
          %dma_start3A_318 = tpu.memref_slice %arg4[%add3A_316] : memref<327680xi32, #tpu.memory_space<hbm>> -> memref<128xi32, #tpu.memory_space<hbm>>
          tpu.enqueue_dma source(%dma_start3A_318 : memref<128xi32, #tpu.memory_space<hbm>>) target(%arg9 : memref<128xi32, #tpu.memory_space<vmem>>) target_semaphore(%run_scoped3A : memref<!tpu.dma_semaphore, #tpu.memory_space<semaphore_mem>>)
          %dma_wait3A_319 = tpu.memref_slice %arg4[%add3A_316] : memref<327680xi32, #tpu.memory_space<hbm>> -> memref<128xi32, #tpu.memory_space<hbm>>
          %dma_wait3A_320 = tpu.memref_slice %arg4[%add3A_316] : memref<327680xi32, #tpu.memory_space<hbm>> -> memref<128xi32, #tpu.memory_space<hbm>>
          tpu.wait_dma2 semaphore(%run_scoped3A : memref<!tpu.dma_semaphore, #tpu.memory_space<semaphore_mem>>) src(%dma_wait3A_320 : memref<128xi32, #tpu.memory_space<hbm>>) dst(%arg9 : memref<128xi32, #tpu.memory_space<vmem>>)
          tpu.yield
        }) : () -> ()
      } else {
      }
      %add3A_294 = arith.constant 3 : i32
      %add3A_295 = arith.addi %mul3A_255, %add3A_294 : i32
      %ge3A_296 = arith.constant 80 : i32
      %ge3A_297 = arith.cmpi sge, %add3A_295, %ge3A_296 : i32
      %convert_element_type3A_298 = arith.extui %ge3A_297 : i1 to i32
      %cond3A_299 = arith.constant 0 : i32
      %cond3A_300 = arith.cmpi ne, %convert_element_type3A_298, %cond3A_299 : i32
      scf.if %cond3A_300 {
        %dma_wait3A_301 = arith.constant 0 : i32
        %dma_wait3A_302 = arith.constant 0 : i32
        %dma_wait3A_303 = tpu.memref_slice %arg12[%dma_wait3A_301, %dma_wait3A_302] : memref<10240x128xf32, #tpu.memory_space<vmem_shared>> -> memref<128x128xf32, #tpu.memory_space<vmem_shared>>
        %dma_wait3A_304 = arith.constant 0 : i32
        %dma_wait3A_305 = arith.constant 0 : i32
        %dma_wait3A_306 = tpu.memref_slice %arg12[%dma_wait3A_304, %dma_wait3A_305] : memref<10240x128xf32, #tpu.memory_space<vmem_shared>> -> memref<128x128xf32, #tpu.memory_space<vmem_shared>>
        tpu.wait_dma2 semaphore(%arg16 : memref<!tpu.dma_semaphore, #tpu.memory_space<semaphore_mem>>) src(%arg11 : memref<128x128xf32, #tpu.memory_space<vmem>>) dst(%dma_wait3A_306 : memref<128x128xf32, #tpu.memory_space<vmem_shared>>)
      } else {
      }
    }
    %scan3A_88 = arith.constant 40 : i32
    %barrier3A_89 = arith.constant 0 : index
    tpu.barrier barrier_id(%barrier3A_89)
    %mul3A_90 = arith.constant 640 : i32
    %mul3A_91 = arith.muli %arg1, %mul3A_90 : i32
    %dma_start3A_92 = arith.constant 0 : i32
    %dma_start3A_93 = tpu.memref_slice %arg12[%mul3A_91, %dma_start3A_92] : memref<10240x128xf32, #tpu.memory_space<vmem_shared>> -> memref<128x128xf32, #tpu.memory_space<vmem_shared>>
    %dma_start3A_94 = arith.constant 0 : i32
    %dma_start3A_95 = tpu.memref_slice %arg12[%mul3A_91, %dma_start3A_94] : memref<10240x128xf32, #tpu.memory_space<vmem_shared>> -> memref<128x128xf32, #tpu.memory_space<vmem_shared>>
    tpu.enqueue_dma source(%dma_start3A_95 : memref<128x128xf32, #tpu.memory_space<vmem_shared>>) target(%arg10 : memref<128x128xf32, #tpu.memory_space<vmem>>) target_semaphore(%arg13 : memref<!tpu.dma_semaphore, #tpu.memory_space<semaphore_mem>>)
    %mul3A_96 = arith.constant 640 : i32
    %mul3A_97 = arith.muli %arg1, %mul3A_96 : i32
    %add3A_98 = arith.constant 128 : i32
    %add3A_99 = arith.addi %mul3A_97, %add3A_98 : i32
    %dma_start3A_100 = arith.constant 0 : i32
    %dma_start3A_101 = tpu.memref_slice %arg12[%add3A_99, %dma_start3A_100] : memref<10240x128xf32, #tpu.memory_space<vmem_shared>> -> memref<128x128xf32, #tpu.memory_space<vmem_shared>>
    %dma_start3A_102 = arith.constant 0 : i32
    %dma_start3A_103 = tpu.memref_slice %arg12[%add3A_99, %dma_start3A_102] : memref<10240x128xf32, #tpu.memory_space<vmem_shared>> -> memref<128x128xf32, #tpu.memory_space<vmem_shared>>
    tpu.enqueue_dma source(%dma_start3A_103 : memref<128x128xf32, #tpu.memory_space<vmem_shared>>) target(%arg11 : memref<128x128xf32, #tpu.memory_space<vmem>>) target_semaphore(%arg14 : memref<!tpu.dma_semaphore, #tpu.memory_space<semaphore_mem>>)
    %dma_wait3A_104 = arith.constant 0 : i32
    %dma_wait3A_105 = arith.constant 0 : i32
    %dma_wait3A_106 = tpu.memref_slice %arg12[%dma_wait3A_104, %dma_wait3A_105] : memref<10240x128xf32, #tpu.memory_space<vmem_shared>> -> memref<128x128xf32, #tpu.memory_space<vmem_shared>>
    %dma_wait3A_107 = arith.constant 0 : i32
    %dma_wait3A_108 = arith.constant 0 : i32
    %dma_wait3A_109 = tpu.memref_slice %arg12[%dma_wait3A_107, %dma_wait3A_108] : memref<10240x128xf32, #tpu.memory_space<vmem_shared>> -> memref<128x128xf32, #tpu.memory_space<vmem_shared>>
    tpu.wait_dma2 semaphore(%arg13 : memref<!tpu.dma_semaphore, #tpu.memory_space<semaphore_mem>>) src(%dma_wait3A_109 : memref<128x128xf32, #tpu.memory_space<vmem_shared>>) dst(%arg10 : memref<128x128xf32, #tpu.memory_space<vmem>>)
    %mul3A_110 = arith.constant 640 : i32
    %mul3A_111 = arith.muli %arg1, %mul3A_110 : i32
    %add3A_112 = arith.constant 0 : i32
    %add3A_113 = arith.addi %mul3A_111, %add3A_112 : i32
    %dma_start3A_114 = arith.constant 0 : i32
    %dma_start3A_115 = tpu.memref_slice %arg5[%arg0, %add3A_113, %dma_start3A_114] : memref<2x10240x128xf32, #tpu.memory_space<hbm>> -> memref<1x128x128xf32, #tpu.memory_space<hbm>>
    %dma_start3A_116 = tpu.memref_squeeze %dma_start3A_115 : memref<1x128x128xf32, #tpu.memory_space<hbm>> -> memref<128x128xf32, #tpu.memory_space<hbm>>
    %dma_start3A_117 = arith.constant 0 : i32
    %dma_start3A_118 = tpu.memref_slice %arg5[%arg0, %add3A_113, %dma_start3A_117] : memref<2x10240x128xf32, #tpu.memory_space<hbm>> -> memref<1x128x128xf32, #tpu.memory_space<hbm>>
    %dma_start3A_119 = tpu.memref_squeeze %dma_start3A_118 : memref<1x128x128xf32, #tpu.memory_space<hbm>> -> memref<128x128xf32, #tpu.memory_space<hbm>>
    tpu.enqueue_dma source(%arg10 : memref<128x128xf32, #tpu.memory_space<vmem>>) target(%dma_start3A_119 : memref<128x128xf32, #tpu.memory_space<hbm>>) target_semaphore(%arg15 : memref<!tpu.dma_semaphore, #tpu.memory_space<semaphore_mem>>)
    %dma_wait3A_120 = arith.constant 0 : i32
    %dma_wait3A_121 = arith.constant 0 : i32
    %dma_wait3A_122 = arith.constant 0 : i32
    %dma_wait3A_123 = tpu.memref_slice %arg5[%dma_wait3A_120, %dma_wait3A_121, %dma_wait3A_122] : memref<2x10240x128xf32, #tpu.memory_space<hbm>> -> memref<1x128x128xf32, #tpu.memory_space<hbm>>
    %dma_wait3A_124 = tpu.memref_squeeze %dma_wait3A_123 : memref<1x128x128xf32, #tpu.memory_space<hbm>> -> memref<128x128xf32, #tpu.memory_space<hbm>>
    %dma_wait3A_125 = arith.constant 0 : i32
    %dma_wait3A_126 = arith.constant 0 : i32
    %dma_wait3A_127 = tpu.memref_slice %arg5[%dma_wait3A_120, %dma_wait3A_125, %dma_wait3A_126] : memref<2x10240x128xf32, #tpu.memory_space<hbm>> -> memref<1x128x128xf32, #tpu.memory_space<hbm>>
    %dma_wait3A_128 = tpu.memref_squeeze %dma_wait3A_127 : memref<1x128x128xf32, #tpu.memory_space<hbm>> -> memref<128x128xf32, #tpu.memory_space<hbm>>
    tpu.wait_dma2 semaphore(%arg15 : memref<!tpu.dma_semaphore, #tpu.memory_space<semaphore_mem>>) src(%arg10 : memref<128x128xf32, #tpu.memory_space<vmem>>) dst(%dma_wait3A_128 : memref<128x128xf32, #tpu.memory_space<hbm>>)
    %mul3A_129 = arith.constant 640 : i32
    %mul3A_130 = arith.muli %arg1, %mul3A_129 : i32
    %add3A_131 = arith.constant 256 : i32
    %add3A_132 = arith.addi %mul3A_130, %add3A_131 : i32
    %dma_start3A_133 = arith.constant 0 : i32
    %dma_start3A_134 = tpu.memref_slice %arg12[%add3A_132, %dma_start3A_133] : memref<10240x128xf32, #tpu.memory_space<vmem_shared>> -> memref<128x128xf32, #tpu.memory_space<vmem_shared>>
    %dma_start3A_135 = arith.constant 0 : i32
    %dma_start3A_136 = tpu.memref_slice %arg12[%add3A_132, %dma_start3A_135] : memref<10240x128xf32, #tpu.memory_space<vmem_shared>> -> memref<128x128xf32, #tpu.memory_space<vmem_shared>>
    tpu.enqueue_dma source(%dma_start3A_136 : memref<128x128xf32, #tpu.memory_space<vmem_shared>>) target(%arg10 : memref<128x128xf32, #tpu.memory_space<vmem>>) target_semaphore(%arg13 : memref<!tpu.dma_semaphore, #tpu.memory_space<semaphore_mem>>)
    %dma_wait3A_137 = arith.constant 0 : i32
    %dma_wait3A_138 = arith.constant 0 : i32
    %dma_wait3A_139 = tpu.memref_slice %arg12[%dma_wait3A_137, %dma_wait3A_138] : memref<10240x128xf32, #tpu.memory_space<vmem_shared>> -> memref<128x128xf32, #tpu.memory_space<vmem_shared>>
    %dma_wait3A_140 = arith.constant 0 : i32
    %dma_wait3A_141 = arith.constant 0 : i32
    %dma_wait3A_142 = tpu.memref_slice %arg12[%dma_wait3A_140, %dma_wait3A_141] : memref<10240x128xf32, #tpu.memory_space<vmem_shared>> -> memref<128x128xf32, #tpu.memory_space<vmem_shared>>
    tpu.wait_dma2 semaphore(%arg14 : memref<!tpu.dma_semaphore, #tpu.memory_space<semaphore_mem>>) src(%dma_wait3A_142 : memref<128x128xf32, #tpu.memory_space<vmem_shared>>) dst(%arg11 : memref<128x128xf32, #tpu.memory_space<vmem>>)
    %mul3A_143 = arith.constant 640 : i32
    %mul3A_144 = arith.muli %arg1, %mul3A_143 : i32
    %add3A_145 = arith.constant 128 : i32
    %add3A_146 = arith.addi %mul3A_144, %add3A_145 : i32
    %dma_start3A_147 = arith.constant 0 : i32
    %dma_start3A_148 = tpu.memref_slice %arg5[%arg0, %add3A_146, %dma_start3A_147] : memref<2x10240x128xf32, #tpu.memory_space<hbm>> -> memref<1x128x128xf32, #tpu.memory_space<hbm>>
    %dma_start3A_149 = tpu.memref_squeeze %dma_start3A_148 : memref<1x128x128xf32, #tpu.memory_space<hbm>> -> memref<128x128xf32, #tpu.memory_space<hbm>>
    %dma_start3A_150 = arith.constant 0 : i32
    %dma_start3A_151 = tpu.memref_slice %arg5[%arg0, %add3A_146, %dma_start3A_150] : memref<2x10240x128xf32, #tpu.memory_space<hbm>> -> memref<1x128x128xf32, #tpu.memory_space<hbm>>
    %dma_start3A_152 = tpu.memref_squeeze %dma_start3A_151 : memref<1x128x128xf32, #tpu.memory_space<hbm>> -> memref<128x128xf32, #tpu.memory_space<hbm>>
    tpu.enqueue_dma source(%arg11 : memref<128x128xf32, #tpu.memory_space<vmem>>) target(%dma_start3A_152 : memref<128x128xf32, #tpu.memory_space<hbm>>) target_semaphore(%arg16 : memref<!tpu.dma_semaphore, #tpu.memory_space<semaphore_mem>>)
    %dma_wait3A_153 = arith.constant 0 : i32
    %dma_wait3A_154 = arith.constant 0 : i32
    %dma_wait3A_155 = arith.constant 0 : i32
    %dma_wait3A_156 = tpu.memref_slice %arg5[%dma_wait3A_153, %dma_wait3A_154, %dma_wait3A_155] : memref<2x10240x128xf32, #tpu.memory_space<hbm>> -> memref<1x128x128xf32, #tpu.memory_space<hbm>>
    %dma_wait3A_157 = tpu.memref_squeeze %dma_wait3A_156 : memref<1x128x128xf32, #tpu.memory_space<hbm>> -> memref<128x128xf32, #tpu.memory_space<hbm>>
    %dma_wait3A_158 = arith.constant 0 : i32
    %dma_wait3A_159 = arith.constant 0 : i32
    %dma_wait3A_160 = tpu.memref_slice %arg5[%dma_wait3A_153, %dma_wait3A_158, %dma_wait3A_159] : memref<2x10240x128xf32, #tpu.memory_space<hbm>> -> memref<1x128x128xf32, #tpu.memory_space<hbm>>
    %dma_wait3A_161 = tpu.memref_squeeze %dma_wait3A_160 : memref<1x128x128xf32, #tpu.memory_space<hbm>> -> memref<128x128xf32, #tpu.memory_space<hbm>>
    tpu.wait_dma2 semaphore(%arg16 : memref<!tpu.dma_semaphore, #tpu.memory_space<semaphore_mem>>) src(%arg11 : memref<128x128xf32, #tpu.memory_space<vmem>>) dst(%dma_wait3A_161 : memref<128x128xf32, #tpu.memory_space<hbm>>)
    %mul3A_162 = arith.constant 640 : i32
    %mul3A_163 = arith.muli %arg1, %mul3A_162 : i32
    %add3A_164 = arith.constant 384 : i32
    %add3A_165 = arith.addi %mul3A_163, %add3A_164 : i32
    %dma_start3A_166 = arith.constant 0 : i32
    %dma_start3A_167 = tpu.memref_slice %arg12[%add3A_165, %dma_start3A_166] : memref<10240x128xf32, #tpu.memory_space<vmem_shared>> -> memref<128x128xf32, #tpu.memory_space<vmem_shared>>
    %dma_start3A_168 = arith.constant 0 : i32
    %dma_start3A_169 = tpu.memref_slice %arg12[%add3A_165, %dma_start3A_168] : memref<10240x128xf32, #tpu.memory_space<vmem_shared>> -> memref<128x128xf32, #tpu.memory_space<vmem_shared>>
    tpu.enqueue_dma source(%dma_start3A_169 : memref<128x128xf32, #tpu.memory_space<vmem_shared>>) target(%arg11 : memref<128x128xf32, #tpu.memory_space<vmem>>) target_semaphore(%arg14 : memref<!tpu.dma_semaphore, #tpu.memory_space<semaphore_mem>>)
    %dma_wait3A_170 = arith.constant 0 : i32
    %dma_wait3A_171 = arith.constant 0 : i32
    %dma_wait3A_172 = tpu.memref_slice %arg12[%dma_wait3A_170, %dma_wait3A_171] : memref<10240x128xf32, #tpu.memory_space<vmem_shared>> -> memref<128x128xf32, #tpu.memory_space<vmem_shared>>
    %dma_wait3A_173 = arith.constant 0 : i32
    %dma_wait3A_174 = arith.constant 0 : i32
    %dma_wait3A_175 = tpu.memref_slice %arg12[%dma_wait3A_173, %dma_wait3A_174] : memref<10240x128xf32, #tpu.memory_space<vmem_shared>> -> memref<128x128xf32, #tpu.memory_space<vmem_shared>>
    tpu.wait_dma2 semaphore(%arg13 : memref<!tpu.dma_semaphore, #tpu.memory_space<semaphore_mem>>) src(%dma_wait3A_175 : memref<128x128xf32, #tpu.memory_space<vmem_shared>>) dst(%arg10 : memref<128x128xf32, #tpu.memory_space<vmem>>)
    %mul3A_176 = arith.constant 640 : i32
    %mul3A_177 = arith.muli %arg1, %mul3A_176 : i32
    %add3A_178 = arith.constant 256 : i32
    %add3A_179 = arith.addi %mul3A_177, %add3A_178 : i32
    %dma_start3A_180 = arith.constant 0 : i32
    %dma_start3A_181 = tpu.memref_slice %arg5[%arg0, %add3A_179, %dma_start3A_180] : memref<2x10240x128xf32, #tpu.memory_space<hbm>> -> memref<1x128x128xf32, #tpu.memory_space<hbm>>
    %dma_start3A_182 = tpu.memref_squeeze %dma_start3A_181 : memref<1x128x128xf32, #tpu.memory_space<hbm>> -> memref<128x128xf32, #tpu.memory_space<hbm>>
    %dma_start3A_183 = arith.constant 0 : i32
    %dma_start3A_184 = tpu.memref_slice %arg5[%arg0, %add3A_179, %dma_start3A_183] : memref<2x10240x128xf32, #tpu.memory_space<hbm>> -> memref<1x128x128xf32, #tpu.memory_space<hbm>>
    %dma_start3A_185 = tpu.memref_squeeze %dma_start3A_184 : memref<1x128x128xf32, #tpu.memory_space<hbm>> -> memref<128x128xf32, #tpu.memory_space<hbm>>
    tpu.enqueue_dma source(%arg10 : memref<128x128xf32, #tpu.memory_space<vmem>>) target(%dma_start3A_185 : memref<128x128xf32, #tpu.memory_space<hbm>>) target_semaphore(%arg15 : memref<!tpu.dma_semaphore, #tpu.memory_space<semaphore_mem>>)
    %dma_wait3A_186 = arith.constant 0 : i32
    %dma_wait3A_187 = arith.constant 0 : i32
    %dma_wait3A_188 = arith.constant 0 : i32
    %dma_wait3A_189 = tpu.memref_slice %arg5[%dma_wait3A_186, %dma_wait3A_187, %dma_wait3A_188] : memref<2x10240x128xf32, #tpu.memory_space<hbm>> -> memref<1x128x128xf32, #tpu.memory_space<hbm>>
    %dma_wait3A_190 = tpu.memref_squeeze %dma_wait3A_189 : memref<1x128x128xf32, #tpu.memory_space<hbm>> -> memref<128x128xf32, #tpu.memory_space<hbm>>
    %dma_wait3A_191 = arith.constant 0 : i32
    %dma_wait3A_192 = arith.constant 0 : i32
    %dma_wait3A_193 = tpu.memref_slice %arg5[%dma_wait3A_186, %dma_wait3A_191, %dma_wait3A_192] : memref<2x10240x128xf32, #tpu.memory_space<hbm>> -> memref<1x128x128xf32, #tpu.memory_space<hbm>>
    %dma_wait3A_194 = tpu.memref_squeeze %dma_wait3A_193 : memref<1x128x128xf32, #tpu.memory_space<hbm>> -> memref<128x128xf32, #tpu.memory_space<hbm>>
    tpu.wait_dma2 semaphore(%arg15 : memref<!tpu.dma_semaphore, #tpu.memory_space<semaphore_mem>>) src(%arg10 : memref<128x128xf32, #tpu.memory_space<vmem>>) dst(%dma_wait3A_194 : memref<128x128xf32, #tpu.memory_space<hbm>>)
    %mul3A_195 = arith.constant 640 : i32
    %mul3A_196 = arith.muli %arg1, %mul3A_195 : i32
    %add3A_197 = arith.constant 512 : i32
    %add3A_198 = arith.addi %mul3A_196, %add3A_197 : i32
    %dma_start3A_199 = arith.constant 0 : i32
    %dma_start3A_200 = tpu.memref_slice %arg12[%add3A_198, %dma_start3A_199] : memref<10240x128xf32, #tpu.memory_space<vmem_shared>> -> memref<128x128xf32, #tpu.memory_space<vmem_shared>>
    %dma_start3A_201 = arith.constant 0 : i32
    %dma_start3A_202 = tpu.memref_slice %arg12[%add3A_198, %dma_start3A_201] : memref<10240x128xf32, #tpu.memory_space<vmem_shared>> -> memref<128x128xf32, #tpu.memory_space<vmem_shared>>
    tpu.enqueue_dma source(%dma_start3A_202 : memref<128x128xf32, #tpu.memory_space<vmem_shared>>) target(%arg10 : memref<128x128xf32, #tpu.memory_space<vmem>>) target_semaphore(%arg13 : memref<!tpu.dma_semaphore, #tpu.memory_space<semaphore_mem>>)
    %dma_wait3A_203 = arith.constant 0 : i32
    %dma_wait3A_204 = arith.constant 0 : i32
    %dma_wait3A_205 = tpu.memref_slice %arg12[%dma_wait3A_203, %dma_wait3A_204] : memref<10240x128xf32, #tpu.memory_space<vmem_shared>> -> memref<128x128xf32, #tpu.memory_space<vmem_shared>>
    %dma_wait3A_206 = arith.constant 0 : i32
    %dma_wait3A_207 = arith.constant 0 : i32
    %dma_wait3A_208 = tpu.memref_slice %arg12[%dma_wait3A_206, %dma_wait3A_207] : memref<10240x128xf32, #tpu.memory_space<vmem_shared>> -> memref<128x128xf32, #tpu.memory_space<vmem_shared>>
    tpu.wait_dma2 semaphore(%arg14 : memref<!tpu.dma_semaphore, #tpu.memory_space<semaphore_mem>>) src(%dma_wait3A_208 : memref<128x128xf32, #tpu.memory_space<vmem_shared>>) dst(%arg11 : memref<128x128xf32, #tpu.memory_space<vmem>>)
    %mul3A_209 = arith.constant 640 : i32
    %mul3A_210 = arith.muli %arg1, %mul3A_209 : i32
    %add3A_211 = arith.constant 384 : i32
    %add3A_212 = arith.addi %mul3A_210, %add3A_211 : i32
    %dma_start3A_213 = arith.constant 0 : i32
    %dma_start3A_214 = tpu.memref_slice %arg5[%arg0, %add3A_212, %dma_start3A_213] : memref<2x10240x128xf32, #tpu.memory_space<hbm>> -> memref<1x128x128xf32, #tpu.memory_space<hbm>>
    %dma_start3A_215 = tpu.memref_squeeze %dma_start3A_214 : memref<1x128x128xf32, #tpu.memory_space<hbm>> -> memref<128x128xf32, #tpu.memory_space<hbm>>
    %dma_start3A_216 = arith.constant 0 : i32
    %dma_start3A_217 = tpu.memref_slice %arg5[%arg0, %add3A_212, %dma_start3A_216] : memref<2x10240x128xf32, #tpu.memory_space<hbm>> -> memref<1x128x128xf32, #tpu.memory_space<hbm>>
    %dma_start3A_218 = tpu.memref_squeeze %dma_start3A_217 : memref<1x128x128xf32, #tpu.memory_space<hbm>> -> memref<128x128xf32, #tpu.memory_space<hbm>>
    tpu.enqueue_dma source(%arg11 : memref<128x128xf32, #tpu.memory_space<vmem>>) target(%dma_start3A_218 : memref<128x128xf32, #tpu.memory_space<hbm>>) target_semaphore(%arg16 : memref<!tpu.dma_semaphore, #tpu.memory_space<semaphore_mem>>)
    %dma_wait3A_219 = arith.constant 0 : i32
    %dma_wait3A_220 = arith.constant 0 : i32
    %dma_wait3A_221 = tpu.memref_slice %arg12[%dma_wait3A_219, %dma_wait3A_220] : memref<10240x128xf32, #tpu.memory_space<vmem_shared>> -> memref<128x128xf32, #tpu.memory_space<vmem_shared>>
    %dma_wait3A_222 = arith.constant 0 : i32
    %dma_wait3A_223 = arith.constant 0 : i32
    %dma_wait3A_224 = tpu.memref_slice %arg12[%dma_wait3A_222, %dma_wait3A_223] : memref<10240x128xf32, #tpu.memory_space<vmem_shared>> -> memref<128x128xf32, #tpu.memory_space<vmem_shared>>
    tpu.wait_dma2 semaphore(%arg13 : memref<!tpu.dma_semaphore, #tpu.memory_space<semaphore_mem>>) src(%dma_wait3A_224 : memref<128x128xf32, #tpu.memory_space<vmem_shared>>) dst(%arg10 : memref<128x128xf32, #tpu.memory_space<vmem>>)
    %mul3A_225 = arith.constant 640 : i32
    %mul3A_226 = arith.muli %arg1, %mul3A_225 : i32
    %add3A_227 = arith.constant 512 : i32
    %add3A_228 = arith.addi %mul3A_226, %add3A_227 : i32
    %dma_start3A_229 = arith.constant 0 : i32
    %dma_start3A_230 = tpu.memref_slice %arg5[%arg0, %add3A_228, %dma_start3A_229] : memref<2x10240x128xf32, #tpu.memory_space<hbm>> -> memref<1x128x128xf32, #tpu.memory_space<hbm>>
    %dma_start3A_231 = tpu.memref_squeeze %dma_start3A_230 : memref<1x128x128xf32, #tpu.memory_space<hbm>> -> memref<128x128xf32, #tpu.memory_space<hbm>>
    %dma_start3A_232 = arith.constant 0 : i32
    %dma_start3A_233 = tpu.memref_slice %arg5[%arg0, %add3A_228, %dma_start3A_232] : memref<2x10240x128xf32, #tpu.memory_space<hbm>> -> memref<1x128x128xf32, #tpu.memory_space<hbm>>
    %dma_start3A_234 = tpu.memref_squeeze %dma_start3A_233 : memref<1x128x128xf32, #tpu.memory_space<hbm>> -> memref<128x128xf32, #tpu.memory_space<hbm>>
    tpu.enqueue_dma source(%arg10 : memref<128x128xf32, #tpu.memory_space<vmem>>) target(%dma_start3A_234 : memref<128x128xf32, #tpu.memory_space<hbm>>) target_semaphore(%arg15 : memref<!tpu.dma_semaphore, #tpu.memory_space<semaphore_mem>>)
    %dma_wait3A_235 = arith.constant 0 : i32
    %dma_wait3A_236 = arith.constant 0 : i32
    %dma_wait3A_237 = arith.constant 0 : i32
    %dma_wait3A_238 = tpu.memref_slice %arg5[%dma_wait3A_235, %dma_wait3A_236, %dma_wait3A_237] : memref<2x10240x128xf32, #tpu.memory_space<hbm>> -> memref<1x128x128xf32, #tpu.memory_space<hbm>>
    %dma_wait3A_239 = tpu.memref_squeeze %dma_wait3A_238 : memref<1x128x128xf32, #tpu.memory_space<hbm>> -> memref<128x128xf32, #tpu.memory_space<hbm>>
    %dma_wait3A_240 = arith.constant 0 : i32
    %dma_wait3A_241 = arith.constant 0 : i32
    %dma_wait3A_242 = tpu.memref_slice %arg5[%dma_wait3A_235, %dma_wait3A_240, %dma_wait3A_241] : memref<2x10240x128xf32, #tpu.memory_space<hbm>> -> memref<1x128x128xf32, #tpu.memory_space<hbm>>
    %dma_wait3A_243 = tpu.memref_squeeze %dma_wait3A_242 : memref<1x128x128xf32, #tpu.memory_space<hbm>> -> memref<128x128xf32, #tpu.memory_space<hbm>>
    tpu.wait_dma2 semaphore(%arg15 : memref<!tpu.dma_semaphore, #tpu.memory_space<semaphore_mem>>) src(%arg10 : memref<128x128xf32, #tpu.memory_space<vmem>>) dst(%dma_wait3A_243 : memref<128x128xf32, #tpu.memory_space<hbm>>)
    %dma_wait3A_244 = arith.constant 0 : i32
    %dma_wait3A_245 = arith.constant 0 : i32
    %dma_wait3A_246 = arith.constant 0 : i32
    %dma_wait3A_247 = tpu.memref_slice %arg5[%dma_wait3A_244, %dma_wait3A_245, %dma_wait3A_246] : memref<2x10240x128xf32, #tpu.memory_space<hbm>> -> memref<1x128x128xf32, #tpu.memory_space<hbm>>
    %dma_wait3A_248 = tpu.memref_squeeze %dma_wait3A_247 : memref<1x128x128xf32, #tpu.memory_space<hbm>> -> memref<128x128xf32, #tpu.memory_space<hbm>>
    %dma_wait3A_249 = arith.constant 0 : i32
    %dma_wait3A_250 = arith.constant 0 : i32
    %dma_wait3A_251 = tpu.memref_slice %arg5[%dma_wait3A_244, %dma_wait3A_249, %dma_wait3A_250] : memref<2x10240x128xf32, #tpu.memory_space<hbm>> -> memref<1x128x128xf32, #tpu.memory_space<hbm>>
    %dma_wait3A_252 = tpu.memref_squeeze %dma_wait3A_251 : memref<1x128x128xf32, #tpu.memory_space<hbm>> -> memref<128x128xf32, #tpu.memory_space<hbm>>
    tpu.wait_dma2 semaphore(%arg16 : memref<!tpu.dma_semaphore, #tpu.memory_space<semaphore_mem>>) src(%arg11 : memref<128x128xf32, #tpu.memory_space<vmem>>) dst(%dma_wait3A_252 : memref<128x128xf32, #tpu.memory_space<hbm>>)
    return
  }
}

#map = affine_map<(d0, d1) -> (0)>
#map1 = affine_map<(d0, d1) -> (0, 0)>
module attributes {stable_mosaic.version = 14 : i64} {
  func.func @_deg_kernel(%arg0: i32, %arg1: i32, %arg2: memref<327680xi32, #tpu.memory_space<hbm>>, %arg3: memref<2x10240xf32, #tpu.memory_space<hbm>>, %arg4: memref<128xi32, #tpu.memory_space<vmem>>, %arg5: memref<128xi32, #tpu.memory_space<vmem>>, %arg6: memref<128xi32, #tpu.memory_space<vmem>>, %arg7: memref<128xi32, #tpu.memory_space<vmem>>, %arg8: memref<10240xi32, #tpu.memory_space<vmem>>, %arg9: memref<128xf32, #tpu.memory_space<vmem>>, %arg10: memref<640xf32, #tpu.memory_space<vmem>>, %arg11: memref<10240xf32, #tpu.memory_space<vmem_shared>>, %arg12: memref<!tpu.dma_semaphore, #tpu.memory_space<semaphore_mem>>, %arg13: memref<!tpu.dma_semaphore, #tpu.memory_space<semaphore_mem>>, %arg14: memref<!tpu.dma_semaphore, #tpu.memory_space<semaphore_mem>>, %arg15: memref<!tpu.dma_semaphore, #tpu.memory_space<semaphore_mem>>) attributes {dimension_semantics = [#tpu.dimension_semantics<core_parallel>, #tpu.dimension_semantics<subcore_parallel>], iteration_bounds = array<i64: 2, 16>, scalar_prefetch = 0 : i64, scratch_operands = 12 : i64, tpu.core_type = #tpu.core_type<sc_vector_subcore>, window_params = [{transform_indices = #map}, {transform_indices = #map1}]} {
    %mul3A = arith.constant 16 : i32
    %mul3A_0 = arith.muli %arg0, %mul3A : i32
    %add3A = arith.addi %mul3A_0, %arg1 : i32
    %scan3A = arith.constant 0 : i32
    %scan3A_1 = arith.constant 0 : i32
    %scan3A_2 = arith.constant 8 : i32
    %scan3A_3 = arith.addi %scan3A_1, %scan3A_2 : i32
    %scan3A_4 = arith.constant 1 : i32
    scf.for %scan3A_58 = %scan3A_1 to %scan3A_3 step %scan3A_4  : i32 {
      %broadcast_in_dim3A = arith.constant 1.000000e+00 : f32
      %broadcast_in_dim3A_59 = vector.broadcast %broadcast_in_dim3A : f32 to vector<16xf32>
      %mul3A_60 = arith.constant 16 : i32
      %mul3A_61 = arith.muli %scan3A_58, %mul3A_60 : i32
      %swap3A = arith.index_cast %mul3A_61 : i32 to index
      %swap3A_62 = tpu.vector_load %arg9[%swap3A] {strides = array<i32>} : memref<128xf32, #tpu.memory_space<vmem>>, vector<16xf32>,
      %swap3A_63 = vector.shape_cast %swap3A_62 : vector<16xf32> to vector<16xf32>
      %swap3A_64 = vector.shape_cast %broadcast_in_dim3A_59 : vector<16xf32> to vector<16xf32>
      tpu.vector_store %arg9[%swap3A], %swap3A_64 {strides = array<i32>} : memref<128xf32, #tpu.memory_space<vmem>>, vector<16xf32>,
    }
    %scan3A_5 = arith.constant 8 : i32
    %scan3A_6 = arith.constant 0 : i32
    %scan3A_7 = arith.constant 0 : i32
    %scan3A_8 = arith.constant 40 : i32
    %scan3A_9 = arith.addi %scan3A_7, %scan3A_8 : i32
    %scan3A_10 = arith.constant 1 : i32
    scf.for %scan3A_58 = %scan3A_7 to %scan3A_9 step %scan3A_10  : i32 {
      %broadcast_in_dim3A = arith.constant 0.000000e+00 : f32
      %broadcast_in_dim3A_59 = vector.broadcast %broadcast_in_dim3A : f32 to vector<16xf32>
      %mul3A_60 = arith.constant 16 : i32
      %mul3A_61 = arith.muli %scan3A_58, %mul3A_60 : i32
      %swap3A = arith.index_cast %mul3A_61 : i32 to index
      %swap3A_62 = tpu.vector_load %arg10[%swap3A] {strides = array<i32>} : memref<640xf32, #tpu.memory_space<vmem>>, vector<16xf32>,
      %swap3A_63 = vector.shape_cast %swap3A_62 : vector<16xf32> to vector<16xf32>
      %swap3A_64 = vector.shape_cast %broadcast_in_dim3A_59 : vector<16xf32> to vector<16xf32>
      tpu.vector_store %arg10[%swap3A], %swap3A_64 {strides = array<i32>} : memref<640xf32, #tpu.memory_space<vmem>>, vector<16xf32>,
    }
    %scan3A_11 = arith.constant 40 : i32
    %mul3A_12 = arith.constant 640 : i32
    %mul3A_13 = arith.muli %arg1, %mul3A_12 : i32
    "tpu.region"() ({
      %run_scoped3A = tpu.sem_alloc : memref<!tpu.dma_semaphore, #tpu.memory_space<semaphore_mem>>
      %dma_start3A_58 = tpu.memref_slice %arg11[%mul3A_13] : memref<10240xf32, #tpu.memory_space<vmem_shared>> -> memref<640xf32, #tpu.memory_space<vmem_shared>>
      %dma_start3A_59 = tpu.memref_slice %arg11[%mul3A_13] : memref<10240xf32, #tpu.memory_space<vmem_shared>> -> memref<640xf32, #tpu.memory_space<vmem_shared>>
      tpu.enqueue_dma source(%arg10 : memref<640xf32, #tpu.memory_space<vmem>>) target(%dma_start3A_59 : memref<640xf32, #tpu.memory_space<vmem_shared>>) target_semaphore(%run_scoped3A : memref<!tpu.dma_semaphore, #tpu.memory_space<semaphore_mem>>)
      %dma_wait3A = tpu.memref_slice %arg11[%mul3A_13] : memref<10240xf32, #tpu.memory_space<vmem_shared>> -> memref<640xf32, #tpu.memory_space<vmem_shared>>
      %dma_wait3A_60 = tpu.memref_slice %arg11[%mul3A_13] : memref<10240xf32, #tpu.memory_space<vmem_shared>> -> memref<640xf32, #tpu.memory_space<vmem_shared>>
      tpu.wait_dma2 semaphore(%run_scoped3A : memref<!tpu.dma_semaphore, #tpu.memory_space<semaphore_mem>>) src(%arg10 : memref<640xf32, #tpu.memory_space<vmem>>) dst(%dma_wait3A_60 : memref<640xf32, #tpu.memory_space<vmem_shared>>)
      tpu.yield
    }) : () -> ()
    %barrier3A = arith.constant 0 : index
    tpu.barrier barrier_id(%barrier3A)
    %mul3A_14 = arith.constant 10240 : i32
    %mul3A_15 = arith.muli %add3A, %mul3A_14 : i32
    "tpu.region"() ({
      %run_scoped3A = tpu.sem_alloc : memref<!tpu.dma_semaphore, #tpu.memory_space<semaphore_mem>>
      %dma_start3A_58 = tpu.memref_slice %arg2[%mul3A_15] : memref<327680xi32, #tpu.memory_space<hbm>> -> memref<10240xi32, #tpu.memory_space<hbm>>
      %dma_start3A_59 = tpu.memref_slice %arg2[%mul3A_15] : memref<327680xi32, #tpu.memory_space<hbm>> -> memref<10240xi32, #tpu.memory_space<hbm>>
      tpu.enqueue_dma source(%dma_start3A_59 : memref<10240xi32, #tpu.memory_space<hbm>>) target(%arg8 : memref<10240xi32, #tpu.memory_space<vmem>>) target_semaphore(%run_scoped3A : memref<!tpu.dma_semaphore, #tpu.memory_space<semaphore_mem>>)
      %dma_wait3A = tpu.memref_slice %arg2[%mul3A_15] : memref<327680xi32, #tpu.memory_space<hbm>> -> memref<10240xi32, #tpu.memory_space<hbm>>
      %dma_wait3A_60 = tpu.memref_slice %arg2[%mul3A_15] : memref<327680xi32, #tpu.memory_space<hbm>> -> memref<10240xi32, #tpu.memory_space<hbm>>
      tpu.wait_dma2 semaphore(%run_scoped3A : memref<!tpu.dma_semaphore, #tpu.memory_space<semaphore_mem>>) src(%dma_wait3A_60 : memref<10240xi32, #tpu.memory_space<hbm>>) dst(%arg8 : memref<10240xi32, #tpu.memory_space<vmem>>)
      tpu.yield
    }) : () -> ()
    %scan3A_16 = arith.constant 0 : i32
    %scan3A_17 = arith.constant 0 : i32
    %scan3A_18 = arith.constant 8 : i32
    %scan3A_19 = arith.addi %scan3A_17, %scan3A_18 : i32
    %scan3A_20 = arith.constant 1 : i32
    scf.for %scan3A_58 = %scan3A_17 to %scan3A_19 step %scan3A_20  : i32 {
      %mul3A_59 = arith.constant 16 : i32
      %mul3A_60 = arith.muli %scan3A_58, %mul3A_59 : i32
      %add3A_61 = arith.constant 0 : i32
      %add3A_62 = arith.addi %add3A_61, %mul3A_60 : i32
      %get3A = arith.index_cast %add3A_62 : i32 to index
      %get3A_63 = tpu.vector_load %arg8[%get3A] {strides = array<i32>} : memref<10240xi32, #tpu.memory_space<vmem>>, vector<16xi32>,
      %get3A_64 = vector.shape_cast %get3A_63 : vector<16xi32> to vector<16xi32>
      %mul3A_65 = arith.constant 16 : i32
      %mul3A_66 = arith.muli %scan3A_58, %mul3A_65 : i32
      %swap3A = arith.index_cast %mul3A_66 : i32 to index
      %swap3A_67 = tpu.vector_load %arg4[%swap3A] {strides = array<i32>} : memref<128xi32, #tpu.memory_space<vmem>>, vector<16xi32>,
      %swap3A_68 = vector.shape_cast %swap3A_67 : vector<16xi32> to vector<16xi32>
      %swap3A_69 = vector.shape_cast %get3A_64 : vector<16xi32> to vector<16xi32>
      tpu.vector_store %arg4[%swap3A], %swap3A_69 {strides = array<i32>} : memref<128xi32, #tpu.memory_space<vmem>>, vector<16xi32>,
    }
    %scan3A_21 = arith.constant 8 : i32
    %dma_start3A = arith.constant 0 : i32
    %dma_start3A_22 = tpu.memref_slice %arg11[%dma_start3A] : memref<10240xf32, #tpu.memory_space<vmem_shared>> -> memref<10240xf32, #tpu.memory_space<vmem_shared>>
    tpu.enqueue_indirect_dma source(%arg9 : memref<128xf32, #tpu.memory_space<vmem>>) target(%dma_start3A_22 : memref<10240xf32, #tpu.memory_space<vmem_shared>>) offsets(%arg4 : memref<128xi32, #tpu.memory_space<vmem>>) semaphore(%arg12 : memref<!tpu.dma_semaphore, #tpu.memory_space<semaphore_mem>>) {add = true}
    %scan3A_23 = arith.constant 0 : i32
    %scan3A_24 = arith.constant 0 : i32
    %scan3A_25 = arith.constant 8 : i32
    %scan3A_26 = arith.addi %scan3A_24, %scan3A_25 : i32
    %scan3A_27 = arith.constant 1 : i32
    scf.for %scan3A_58 = %scan3A_24 to %scan3A_26 step %scan3A_27  : i32 {
      %mul3A_59 = arith.constant 16 : i32
      %mul3A_60 = arith.muli %scan3A_58, %mul3A_59 : i32
      %add3A_61 = arith.constant 128 : i32
      %add3A_62 = arith.addi %add3A_61, %mul3A_60 : i32
      %get3A = arith.index_cast %add3A_62 : i32 to index
      %get3A_63 = tpu.vector_load %arg8[%get3A] {strides = array<i32>} : memref<10240xi32, #tpu.memory_space<vmem>>, vector<16xi32>,
      %get3A_64 = vector.shape_cast %get3A_63 : vector<16xi32> to vector<16xi32>
      %mul3A_65 = arith.constant 16 : i32
      %mul3A_66 = arith.muli %scan3A_58, %mul3A_65 : i32
      %swap3A = arith.index_cast %mul3A_66 : i32 to index
      %swap3A_67 = tpu.vector_load %arg5[%swap3A] {strides = array<i32>} : memref<128xi32, #tpu.memory_space<vmem>>, vector<16xi32>,
      %swap3A_68 = vector.shape_cast %swap3A_67 : vector<16xi32> to vector<16xi32>
      %swap3A_69 = vector.shape_cast %get3A_64 : vector<16xi32> to vector<16xi32>
      tpu.vector_store %arg5[%swap3A], %swap3A_69 {strides = array<i32>} : memref<128xi32, #tpu.memory_space<vmem>>, vector<16xi32>,
    }
    %scan3A_28 = arith.constant 8 : i32
    %dma_start3A_29 = arith.constant 0 : i32
    %dma_start3A_30 = tpu.memref_slice %arg11[%dma_start3A_29] : memref<10240xf32, #tpu.memory_space<vmem_shared>> -> memref<10240xf32, #tpu.memory_space<vmem_shared>>
    tpu.enqueue_indirect_dma source(%arg9 : memref<128xf32, #tpu.memory_space<vmem>>) target(%dma_start3A_30 : memref<10240xf32, #tpu.memory_space<vmem_shared>>) offsets(%arg5 : memref<128xi32, #tpu.memory_space<vmem>>) semaphore(%arg13 : memref<!tpu.dma_semaphore, #tpu.memory_space<semaphore_mem>>) {add = true}
    %scan3A_31 = arith.constant 0 : i32
    %scan3A_32 = arith.constant 0 : i32
    %scan3A_33 = arith.constant 8 : i32
    %scan3A_34 = arith.addi %scan3A_32, %scan3A_33 : i32
    %scan3A_35 = arith.constant 1 : i32
    scf.for %scan3A_58 = %scan3A_32 to %scan3A_34 step %scan3A_35  : i32 {
      %mul3A_59 = arith.constant 16 : i32
      %mul3A_60 = arith.muli %scan3A_58, %mul3A_59 : i32
      %add3A_61 = arith.constant 256 : i32
      %add3A_62 = arith.addi %add3A_61, %mul3A_60 : i32
      %get3A = arith.index_cast %add3A_62 : i32 to index
      %get3A_63 = tpu.vector_load %arg8[%get3A] {strides = array<i32>} : memref<10240xi32, #tpu.memory_space<vmem>>, vector<16xi32>,
      %get3A_64 = vector.shape_cast %get3A_63 : vector<16xi32> to vector<16xi32>
      %mul3A_65 = arith.constant 16 : i32
      %mul3A_66 = arith.muli %scan3A_58, %mul3A_65 : i32
      %swap3A = arith.index_cast %mul3A_66 : i32 to index
      %swap3A_67 = tpu.vector_load %arg6[%swap3A] {strides = array<i32>} : memref<128xi32, #tpu.memory_space<vmem>>, vector<16xi32>,
      %swap3A_68 = vector.shape_cast %swap3A_67 : vector<16xi32> to vector<16xi32>
      %swap3A_69 = vector.shape_cast %get3A_64 : vector<16xi32> to vector<16xi32>
      tpu.vector_store %arg6[%swap3A], %swap3A_69 {strides = array<i32>} : memref<128xi32, #tpu.memory_space<vmem>>, vector<16xi32>,
    }
    %scan3A_36 = arith.constant 8 : i32
    %dma_start3A_37 = arith.constant 0 : i32
    %dma_start3A_38 = tpu.memref_slice %arg11[%dma_start3A_37] : memref<10240xf32, #tpu.memory_space<vmem_shared>> -> memref<10240xf32, #tpu.memory_space<vmem_shared>>
    tpu.enqueue_indirect_dma source(%arg9 : memref<128xf32, #tpu.memory_space<vmem>>) target(%dma_start3A_38 : memref<10240xf32, #tpu.memory_space<vmem_shared>>) offsets(%arg6 : memref<128xi32, #tpu.memory_space<vmem>>) semaphore(%arg14 : memref<!tpu.dma_semaphore, #tpu.memory_space<semaphore_mem>>) {add = true}
    %scan3A_39 = arith.constant 0 : i32
    %scan3A_40 = arith.constant 0 : i32
    %scan3A_41 = arith.constant 8 : i32
    %scan3A_42 = arith.addi %scan3A_40, %scan3A_41 : i32
    %scan3A_43 = arith.constant 1 : i32
    scf.for %scan3A_58 = %scan3A_40 to %scan3A_42 step %scan3A_43  : i32 {
      %mul3A_59 = arith.constant 16 : i32
      %mul3A_60 = arith.muli %scan3A_58, %mul3A_59 : i32
      %add3A_61 = arith.constant 384 : i32
      %add3A_62 = arith.addi %add3A_61, %mul3A_60 : i32
      %get3A = arith.index_cast %add3A_62 : i32 to index
      %get3A_63 = tpu.vector_load %arg8[%get3A] {strides = array<i32>} : memref<10240xi32, #tpu.memory_space<vmem>>, vector<16xi32>,
      %get3A_64 = vector.shape_cast %get3A_63 : vector<16xi32> to vector<16xi32>
      %mul3A_65 = arith.constant 16 : i32
      %mul3A_66 = arith.muli %scan3A_58, %mul3A_65 : i32
      %swap3A = arith.index_cast %mul3A_66 : i32 to index
      %swap3A_67 = tpu.vector_load %arg7[%swap3A] {strides = array<i32>} : memref<128xi32, #tpu.memory_space<vmem>>, vector<16xi32>,
      %swap3A_68 = vector.shape_cast %swap3A_67 : vector<16xi32> to vector<16xi32>
      %swap3A_69 = vector.shape_cast %get3A_64 : vector<16xi32> to vector<16xi32>
      tpu.vector_store %arg7[%swap3A], %swap3A_69 {strides = array<i32>} : memref<128xi32, #tpu.memory_space<vmem>>, vector<16xi32>,
    }
    %scan3A_44 = arith.constant 8 : i32
    %dma_start3A_45 = arith.constant 0 : i32
    %dma_start3A_46 = tpu.memref_slice %arg11[%dma_start3A_45] : memref<10240xf32, #tpu.memory_space<vmem_shared>> -> memref<10240xf32, #tpu.memory_space<vmem_shared>>
    tpu.enqueue_indirect_dma source(%arg9 : memref<128xf32, #tpu.memory_space<vmem>>) target(%dma_start3A_46 : memref<10240xf32, #tpu.memory_space<vmem_shared>>) offsets(%arg7 : memref<128xi32, #tpu.memory_space<vmem>>) semaphore(%arg15 : memref<!tpu.dma_semaphore, #tpu.memory_space<semaphore_mem>>) {add = true}
    %scan3A_47 = arith.constant 0 : i32
    %scan3A_48 = arith.constant 0 : i32
    %scan3A_49 = arith.constant 20 : i32
    %scan3A_50 = arith.addi %scan3A_48, %scan3A_49 : i32
    %scan3A_51 = arith.constant 1 : i32
    scf.for %scan3A_58 = %scan3A_48 to %scan3A_50 step %scan3A_51  : i32 {
      %mul3A_59 = arith.constant 4 : i32
      %mul3A_60 = arith.muli %mul3A_59, %scan3A_58 : i32
      %add3A_61 = arith.constant 0 : i32
      %add3A_62 = arith.addi %mul3A_60, %add3A_61 : i32
      %dma_wait3A = arith.constant 0 : i32
      %dma_wait3A_63 = tpu.memref_slice %arg11[%dma_wait3A] : memref<10240xf32, #tpu.memory_space<vmem_shared>> -> memref<128xf32, #tpu.memory_space<vmem_shared>>
      %dma_wait3A_64 = arith.constant 0 : i32
      %dma_wait3A_65 = tpu.memref_slice %arg11[%dma_wait3A_64] : memref<10240xf32, #tpu.memory_space<vmem_shared>> -> memref<128xf32, #tpu.memory_space<vmem_shared>>
      tpu.wait_dma2 semaphore(%arg12 : memref<!tpu.dma_semaphore, #tpu.memory_space<semaphore_mem>>) src(%arg9 : memref<128xf32, #tpu.memory_space<vmem>>) dst(%dma_wait3A_65 : memref<128xf32, #tpu.memory_space<vmem_shared>>)
      %add3A_66 = arith.constant 4 : i32
      %add3A_67 = arith.addi %add3A_62, %add3A_66 : i32
      %lt3A = arith.constant 80 : i32
      %lt3A_68 = arith.cmpi slt, %add3A_67, %lt3A : i32
      %convert_element_type3A = arith.extui %lt3A_68 : i1 to i32
      %cond3A = arith.constant 0 : i32
      %cond3A_69 = arith.cmpi ne, %convert_element_type3A, %cond3A : i32
      scf.if %cond3A_69 {
        %add3A_115 = arith.constant 4 : i32
        %add3A_116 = arith.addi %add3A_62, %add3A_115 : i32
        %scan3A_117 = arith.constant 0 : i32
        %scan3A_118 = arith.constant 0 : i32
        %scan3A_119 = arith.constant 8 : i32
        %scan3A_120 = arith.addi %scan3A_118, %scan3A_119 : i32
        %scan3A_121 = arith.constant 1 : i32
        scf.for %scan3A_125 = %scan3A_118 to %scan3A_120 step %scan3A_121  : i32 {
          %mul3A_126 = arith.constant 128 : i32
          %mul3A_127 = arith.muli %add3A_116, %mul3A_126 : i32
          %mul3A_128 = arith.constant 16 : i32
          %mul3A_129 = arith.muli %scan3A_125, %mul3A_128 : i32
          %add3A_130 = arith.addi %mul3A_127, %mul3A_129 : i32
          %get3A = arith.index_cast %add3A_130 : i32 to index
          %get3A_131 = tpu.vector_load %arg8[%get3A] {strides = array<i32>} : memref<10240xi32, #tpu.memory_space<vmem>>, vector<16xi32>,
          %get3A_132 = vector.shape_cast %get3A_131 : vector<16xi32> to vector<16xi32>
          %mul3A_133 = arith.constant 16 : i32
          %mul3A_134 = arith.muli %scan3A_125, %mul3A_133 : i32
          %swap3A = arith.index_cast %mul3A_134 : i32 to index
          %swap3A_135 = tpu.vector_load %arg4[%swap3A] {strides = array<i32>} : memref<128xi32, #tpu.memory_space<vmem>>, vector<16xi32>,
          %swap3A_136 = vector.shape_cast %swap3A_135 : vector<16xi32> to vector<16xi32>
          %swap3A_137 = vector.shape_cast %get3A_132 : vector<16xi32> to vector<16xi32>
          tpu.vector_store %arg4[%swap3A], %swap3A_137 {strides = array<i32>} : memref<128xi32, #tpu.memory_space<vmem>>, vector<16xi32>,
        }
        %scan3A_122 = arith.constant 8 : i32
        %dma_start3A_123 = arith.constant 0 : i32
        %dma_start3A_124 = tpu.memref_slice %arg11[%dma_start3A_123] : memref<10240xf32, #tpu.memory_space<vmem_shared>> -> memref<10240xf32, #tpu.memory_space<vmem_shared>>
        tpu.enqueue_indirect_dma source(%arg9 : memref<128xf32, #tpu.memory_space<vmem>>) target(%dma_start3A_124 : memref<10240xf32, #tpu.memory_space<vmem_shared>>) offsets(%arg4 : memref<128xi32, #tpu.memory_space<vmem>>) semaphore(%arg12 : memref<!tpu.dma_semaphore, #tpu.memory_space<semaphore_mem>>) {add = true}
      } else {
      }
      %mul3A_70 = arith.constant 4 : i32
      %mul3A_71 = arith.muli %mul3A_70, %scan3A_58 : i32
      %add3A_72 = arith.constant 1 : i32
      %add3A_73 = arith.addi %mul3A_71, %add3A_72 : i32
      %dma_wait3A_74 = arith.constant 0 : i32
      %dma_wait3A_75 = tpu.memref_slice %arg11[%dma_wait3A_74] : memref<10240xf32, #tpu.memory_space<vmem_shared>> -> memref<128xf32, #tpu.memory_space<vmem_shared>>
      %dma_wait3A_76 = arith.constant 0 : i32
      %dma_wait3A_77 = tpu.memref_slice %arg11[%dma_wait3A_76] : memref<10240xf32, #tpu.memory_space<vmem_shared>> -> memref<128xf32, #tpu.memory_space<vmem_shared>>
      tpu.wait_dma2 semaphore(%arg13 : memref<!tpu.dma_semaphore, #tpu.memory_space<semaphore_mem>>) src(%arg9 : memref<128xf32, #tpu.memory_space<vmem>>) dst(%dma_wait3A_77 : memref<128xf32, #tpu.memory_space<vmem_shared>>)
      %add3A_78 = arith.constant 4 : i32
      %add3A_79 = arith.addi %add3A_73, %add3A_78 : i32
      %lt3A_80 = arith.constant 80 : i32
      %lt3A_81 = arith.cmpi slt, %add3A_79, %lt3A_80 : i32
      %convert_element_type3A_82 = arith.extui %lt3A_81 : i1 to i32
      %cond3A_83 = arith.constant 0 : i32
      %cond3A_84 = arith.cmpi ne, %convert_element_type3A_82, %cond3A_83 : i32
      scf.if %cond3A_84 {
        %add3A_115 = arith.constant 4 : i32
        %add3A_116 = arith.addi %add3A_73, %add3A_115 : i32
        %scan3A_117 = arith.constant 0 : i32
        %scan3A_118 = arith.constant 0 : i32
        %scan3A_119 = arith.constant 8 : i32
        %scan3A_120 = arith.addi %scan3A_118, %scan3A_119 : i32
        %scan3A_121 = arith.constant 1 : i32
        scf.for %scan3A_125 = %scan3A_118 to %scan3A_120 step %scan3A_121  : i32 {
          %mul3A_126 = arith.constant 128 : i32
          %mul3A_127 = arith.muli %add3A_116, %mul3A_126 : i32
          %mul3A_128 = arith.constant 16 : i32
          %mul3A_129 = arith.muli %scan3A_125, %mul3A_128 : i32
          %add3A_130 = arith.addi %mul3A_127, %mul3A_129 : i32
          %get3A = arith.index_cast %add3A_130 : i32 to index
          %get3A_131 = tpu.vector_load %arg8[%get3A] {strides = array<i32>} : memref<10240xi32, #tpu.memory_space<vmem>>, vector<16xi32>,
          %get3A_132 = vector.shape_cast %get3A_131 : vector<16xi32> to vector<16xi32>
          %mul3A_133 = arith.constant 16 : i32
          %mul3A_134 = arith.muli %scan3A_125, %mul3A_133 : i32
          %swap3A = arith.index_cast %mul3A_134 : i32 to index
          %swap3A_135 = tpu.vector_load %arg5[%swap3A] {strides = array<i32>} : memref<128xi32, #tpu.memory_space<vmem>>, vector<16xi32>,
          %swap3A_136 = vector.shape_cast %swap3A_135 : vector<16xi32> to vector<16xi32>
          %swap3A_137 = vector.shape_cast %get3A_132 : vector<16xi32> to vector<16xi32>
          tpu.vector_store %arg5[%swap3A], %swap3A_137 {strides = array<i32>} : memref<128xi32, #tpu.memory_space<vmem>>, vector<16xi32>,
        }
        %scan3A_122 = arith.constant 8 : i32
        %dma_start3A_123 = arith.constant 0 : i32
        %dma_start3A_124 = tpu.memref_slice %arg11[%dma_start3A_123] : memref<10240xf32, #tpu.memory_space<vmem_shared>> -> memref<10240xf32, #tpu.memory_space<vmem_shared>>
        tpu.enqueue_indirect_dma source(%arg9 : memref<128xf32, #tpu.memory_space<vmem>>) target(%dma_start3A_124 : memref<10240xf32, #tpu.memory_space<vmem_shared>>) offsets(%arg5 : memref<128xi32, #tpu.memory_space<vmem>>) semaphore(%arg13 : memref<!tpu.dma_semaphore, #tpu.memory_space<semaphore_mem>>) {add = true}
      } else {
      }
      %mul3A_85 = arith.constant 4 : i32
      %mul3A_86 = arith.muli %mul3A_85, %scan3A_58 : i32
      %add3A_87 = arith.constant 2 : i32
      %add3A_88 = arith.addi %mul3A_86, %add3A_87 : i32
      %dma_wait3A_89 = arith.constant 0 : i32
      %dma_wait3A_90 = tpu.memref_slice %arg11[%dma_wait3A_89] : memref<10240xf32, #tpu.memory_space<vmem_shared>> -> memref<128xf32, #tpu.memory_space<vmem_shared>>
      %dma_wait3A_91 = arith.constant 0 : i32
      %dma_wait3A_92 = tpu.memref_slice %arg11[%dma_wait3A_91] : memref<10240xf32, #tpu.memory_space<vmem_shared>> -> memref<128xf32, #tpu.memory_space<vmem_shared>>
      tpu.wait_dma2 semaphore(%arg14 : memref<!tpu.dma_semaphore, #tpu.memory_space<semaphore_mem>>) src(%arg9 : memref<128xf32, #tpu.memory_space<vmem>>) dst(%dma_wait3A_92 : memref<128xf32, #tpu.memory_space<vmem_shared>>)
      %add3A_93 = arith.constant 4 : i32
      %add3A_94 = arith.addi %add3A_88, %add3A_93 : i32
      %lt3A_95 = arith.constant 80 : i32
      %lt3A_96 = arith.cmpi slt, %add3A_94, %lt3A_95 : i32
      %convert_element_type3A_97 = arith.extui %lt3A_96 : i1 to i32
      %cond3A_98 = arith.constant 0 : i32
      %cond3A_99 = arith.cmpi ne, %convert_element_type3A_97, %cond3A_98 : i32
      scf.if %cond3A_99 {
        %add3A_115 = arith.constant 4 : i32
        %add3A_116 = arith.addi %add3A_88, %add3A_115 : i32
        %scan3A_117 = arith.constant 0 : i32
        %scan3A_118 = arith.constant 0 : i32
        %scan3A_119 = arith.constant 8 : i32
        %scan3A_120 = arith.addi %scan3A_118, %scan3A_119 : i32
        %scan3A_121 = arith.constant 1 : i32
        scf.for %scan3A_125 = %scan3A_118 to %scan3A_120 step %scan3A_121  : i32 {
          %mul3A_126 = arith.constant 128 : i32
          %mul3A_127 = arith.muli %add3A_116, %mul3A_126 : i32
          %mul3A_128 = arith.constant 16 : i32
          %mul3A_129 = arith.muli %scan3A_125, %mul3A_128 : i32
          %add3A_130 = arith.addi %mul3A_127, %mul3A_129 : i32
          %get3A = arith.index_cast %add3A_130 : i32 to index
          %get3A_131 = tpu.vector_load %arg8[%get3A] {strides = array<i32>} : memref<10240xi32, #tpu.memory_space<vmem>>, vector<16xi32>,
          %get3A_132 = vector.shape_cast %get3A_131 : vector<16xi32> to vector<16xi32>
          %mul3A_133 = arith.constant 16 : i32
          %mul3A_134 = arith.muli %scan3A_125, %mul3A_133 : i32
          %swap3A = arith.index_cast %mul3A_134 : i32 to index
          %swap3A_135 = tpu.vector_load %arg6[%swap3A] {strides = array<i32>} : memref<128xi32, #tpu.memory_space<vmem>>, vector<16xi32>,
          %swap3A_136 = vector.shape_cast %swap3A_135 : vector<16xi32> to vector<16xi32>
          %swap3A_137 = vector.shape_cast %get3A_132 : vector<16xi32> to vector<16xi32>
          tpu.vector_store %arg6[%swap3A], %swap3A_137 {strides = array<i32>} : memref<128xi32, #tpu.memory_space<vmem>>, vector<16xi32>,
        }
        %scan3A_122 = arith.constant 8 : i32
        %dma_start3A_123 = arith.constant 0 : i32
        %dma_start3A_124 = tpu.memref_slice %arg11[%dma_start3A_123] : memref<10240xf32, #tpu.memory_space<vmem_shared>> -> memref<10240xf32, #tpu.memory_space<vmem_shared>>
        tpu.enqueue_indirect_dma source(%arg9 : memref<128xf32, #tpu.memory_space<vmem>>) target(%dma_start3A_124 : memref<10240xf32, #tpu.memory_space<vmem_shared>>) offsets(%arg6 : memref<128xi32, #tpu.memory_space<vmem>>) semaphore(%arg14 : memref<!tpu.dma_semaphore, #tpu.memory_space<semaphore_mem>>) {add = true}
      } else {
      }
      %mul3A_100 = arith.constant 4 : i32
      %mul3A_101 = arith.muli %mul3A_100, %scan3A_58 : i32
      %add3A_102 = arith.constant 3 : i32
      %add3A_103 = arith.addi %mul3A_101, %add3A_102 : i32
      %dma_wait3A_104 = arith.constant 0 : i32
      %dma_wait3A_105 = tpu.memref_slice %arg11[%dma_wait3A_104] : memref<10240xf32, #tpu.memory_space<vmem_shared>> -> memref<128xf32, #tpu.memory_space<vmem_shared>>
      %dma_wait3A_106 = arith.constant 0 : i32
      %dma_wait3A_107 = tpu.memref_slice %arg11[%dma_wait3A_106] : memref<10240xf32, #tpu.memory_space<vmem_shared>> -> memref<128xf32, #tpu.memory_space<vmem_shared>>
      tpu.wait_dma2 semaphore(%arg15 : memref<!tpu.dma_semaphore, #tpu.memory_space<semaphore_mem>>) src(%arg9 : memref<128xf32, #tpu.memory_space<vmem>>) dst(%dma_wait3A_107 : memref<128xf32, #tpu.memory_space<vmem_shared>>)
      %add3A_108 = arith.constant 4 : i32
      %add3A_109 = arith.addi %add3A_103, %add3A_108 : i32
      %lt3A_110 = arith.constant 80 : i32
      %lt3A_111 = arith.cmpi slt, %add3A_109, %lt3A_110 : i32
      %convert_element_type3A_112 = arith.extui %lt3A_111 : i1 to i32
      %cond3A_113 = arith.constant 0 : i32
      %cond3A_114 = arith.cmpi ne, %convert_element_type3A_112, %cond3A_113 : i32
      scf.if %cond3A_114 {
        %add3A_115 = arith.constant 4 : i32
        %add3A_116 = arith.addi %add3A_103, %add3A_115 : i32
        %scan3A_117 = arith.constant 0 : i32
        %scan3A_118 = arith.constant 0 : i32
        %scan3A_119 = arith.constant 8 : i32
        %scan3A_120 = arith.addi %scan3A_118, %scan3A_119 : i32
        %scan3A_121 = arith.constant 1 : i32
        scf.for %scan3A_125 = %scan3A_118 to %scan3A_120 step %scan3A_121  : i32 {
          %mul3A_126 = arith.constant 128 : i32
          %mul3A_127 = arith.muli %add3A_116, %mul3A_126 : i32
          %mul3A_128 = arith.constant 16 : i32
          %mul3A_129 = arith.muli %scan3A_125, %mul3A_128 : i32
          %add3A_130 = arith.addi %mul3A_127, %mul3A_129 : i32
          %get3A = arith.index_cast %add3A_130 : i32 to index
          %get3A_131 = tpu.vector_load %arg8[%get3A] {strides = array<i32>} : memref<10240xi32, #tpu.memory_space<vmem>>, vector<16xi32>,
          %get3A_132 = vector.shape_cast %get3A_131 : vector<16xi32> to vector<16xi32>
          %mul3A_133 = arith.constant 16 : i32
          %mul3A_134 = arith.muli %scan3A_125, %mul3A_133 : i32
          %swap3A = arith.index_cast %mul3A_134 : i32 to index
          %swap3A_135 = tpu.vector_load %arg7[%swap3A] {strides = array<i32>} : memref<128xi32, #tpu.memory_space<vmem>>, vector<16xi32>,
          %swap3A_136 = vector.shape_cast %swap3A_135 : vector<16xi32> to vector<16xi32>
          %swap3A_137 = vector.shape_cast %get3A_132 : vector<16xi32> to vector<16xi32>
          tpu.vector_store %arg7[%swap3A], %swap3A_137 {strides = array<i32>} : memref<128xi32, #tpu.memory_space<vmem>>, vector<16xi32>,
        }
        %scan3A_122 = arith.constant 8 : i32
        %dma_start3A_123 = arith.constant 0 : i32
        %dma_start3A_124 = tpu.memref_slice %arg11[%dma_start3A_123] : memref<10240xf32, #tpu.memory_space<vmem_shared>> -> memref<10240xf32, #tpu.memory_space<vmem_shared>>
        tpu.enqueue_indirect_dma source(%arg9 : memref<128xf32, #tpu.memory_space<vmem>>) target(%dma_start3A_124 : memref<10240xf32, #tpu.memory_space<vmem_shared>>) offsets(%arg7 : memref<128xi32, #tpu.memory_space<vmem>>) semaphore(%arg15 : memref<!tpu.dma_semaphore, #tpu.memory_space<semaphore_mem>>) {add = true}
      } else {
      }
    }
    %scan3A_52 = arith.constant 20 : i32
    %barrier3A_53 = arith.constant 0 : index
    tpu.barrier barrier_id(%barrier3A_53)
    %mul3A_54 = arith.constant 640 : i32
    %mul3A_55 = arith.muli %arg1, %mul3A_54 : i32
    "tpu.region"() ({
      %run_scoped3A = tpu.sem_alloc : memref<!tpu.dma_semaphore, #tpu.memory_space<semaphore_mem>>
      %dma_start3A_58 = tpu.memref_slice %arg11[%mul3A_55] : memref<10240xf32, #tpu.memory_space<vmem_shared>> -> memref<640xf32, #tpu.memory_space<vmem_shared>>
      %dma_start3A_59 = tpu.memref_slice %arg11[%mul3A_55] : memref<10240xf32, #tpu.memory_space<vmem_shared>> -> memref<640xf32, #tpu.memory_space<vmem_shared>>
      tpu.enqueue_dma source(%dma_start3A_59 : memref<640xf32, #tpu.memory_space<vmem_shared>>) target(%arg10 : memref<640xf32, #tpu.memory_space<vmem>>) target_semaphore(%run_scoped3A : memref<!tpu.dma_semaphore, #tpu.memory_space<semaphore_mem>>)
      %dma_wait3A = tpu.memref_slice %arg11[%mul3A_55] : memref<10240xf32, #tpu.memory_space<vmem_shared>> -> memref<640xf32, #tpu.memory_space<vmem_shared>>
      %dma_wait3A_60 = tpu.memref_slice %arg11[%mul3A_55] : memref<10240xf32, #tpu.memory_space<vmem_shared>> -> memref<640xf32, #tpu.memory_space<vmem_shared>>
      tpu.wait_dma2 semaphore(%run_scoped3A : memref<!tpu.dma_semaphore, #tpu.memory_space<semaphore_mem>>) src(%dma_wait3A_60 : memref<640xf32, #tpu.memory_space<vmem_shared>>) dst(%arg10 : memref<640xf32, #tpu.memory_space<vmem>>)
      tpu.yield
    }) : () -> ()
    %mul3A_56 = arith.constant 640 : i32
    %mul3A_57 = arith.muli %arg1, %mul3A_56 : i32
    "tpu.region"() ({
      %run_scoped3A = tpu.sem_alloc : memref<!tpu.dma_semaphore, #tpu.memory_space<semaphore_mem>>
      %dma_start3A_58 = tpu.memref_slice %arg3[%arg0, %mul3A_57] : memref<2x10240xf32, #tpu.memory_space<hbm>> -> memref<1x640xf32, #tpu.memory_space<hbm>>
      %dma_start3A_59 = tpu.memref_squeeze %dma_start3A_58 : memref<1x640xf32, #tpu.memory_space<hbm>> -> memref<640xf32, #tpu.memory_space<hbm>>
      %dma_start3A_60 = tpu.memref_slice %arg3[%arg0, %mul3A_57] : memref<2x10240xf32, #tpu.memory_space<hbm>> -> memref<1x640xf32, #tpu.memory_space<hbm>>
      %dma_start3A_61 = tpu.memref_squeeze %dma_start3A_60 : memref<1x640xf32, #tpu.memory_space<hbm>> -> memref<640xf32, #tpu.memory_space<hbm>>
      tpu.enqueue_dma source(%arg10 : memref<640xf32, #tpu.memory_space<vmem>>) target(%dma_start3A_61 : memref<640xf32, #tpu.memory_space<hbm>>) target_semaphore(%run_scoped3A : memref<!tpu.dma_semaphore, #tpu.memory_space<semaphore_mem>>)
      %dma_wait3A = tpu.memref_slice %arg3[%arg0, %mul3A_57] : memref<2x10240xf32, #tpu.memory_space<hbm>> -> memref<1x640xf32, #tpu.memory_space<hbm>>
      %dma_wait3A_62 = tpu.memref_squeeze %dma_wait3A : memref<1x640xf32, #tpu.memory_space<hbm>> -> memref<640xf32, #tpu.memory_space<hbm>>
      %dma_wait3A_63 = tpu.memref_slice %arg3[%arg0, %mul3A_57] : memref<2x10240xf32, #tpu.memory_space<hbm>> -> memref<1x640xf32, #tpu.memory_space<hbm>>
      %dma_wait3A_64 = tpu.memref_squeeze %dma_wait3A_63 : memref<1x640xf32, #tpu.memory_space<hbm>> -> memref<640xf32, #tpu.memory_space<hbm>>
      tpu.wait_dma2 semaphore(%run_scoped3A : memref<!tpu.dma_semaphore, #tpu.memory_space<semaphore_mem>>) src(%arg10 : memref<640xf32, #tpu.memory_space<vmem>>) dst(%dma_wait3A_64 : memref<640xf32, #tpu.memory_space<hbm>>)
      tpu.yield
    }) : () -> ()
    return
  }
}

#map = affine_map<(d0, d1) -> (0, 0)>
#map1 = affine_map<(d0, d1) -> (0)>
#map2 = affine_map<(d0, d1) -> (0, 0, 0)>
module attributes {stable_mosaic.version = 14 : i64} {
  func.func @_scatter_kernel(%arg0: i32, %arg1: i32, %arg2: memref<10240x128xf32, #tpu.memory_space<hbm>>, %arg3: memref<327680xi32, #tpu.memory_space<hbm>>, %arg4: memref<327680xi32, #tpu.memory_space<hbm>>, %arg5: memref<2x10240x128xf32, #tpu.memory_space<hbm>>, %arg6: memref<128xi32, #tpu.memory_space<vmem>>, %arg7: memref<128xi32, #tpu.memory_space<vmem>>, %arg8: memref<128xi32, #tpu.memory_space<vmem>>, %arg9: memref<128xi32, #tpu.memory_space<vmem>>, %arg10: memref<128x128xf32, #tpu.memory_space<vmem>>, %arg11: memref<128x128xf32, #tpu.memory_space<vmem>>, %arg12: memref<10240x128xf32, #tpu.memory_space<vmem_shared>>, %arg13: memref<!tpu.dma_semaphore, #tpu.memory_space<semaphore_mem>>, %arg14: memref<!tpu.dma_semaphore, #tpu.memory_space<semaphore_mem>>, %arg15: memref<!tpu.dma_semaphore, #tpu.memory_space<semaphore_mem>>, %arg16: memref<!tpu.dma_semaphore, #tpu.memory_space<semaphore_mem>>) attributes {dimension_semantics = [#tpu.dimension_semantics<core_parallel>, #tpu.dimension_semantics<subcore_parallel>], iteration_bounds = array<i64: 2, 16>, scalar_prefetch = 0 : i64, scratch_operands = 11 : i64, tpu.core_type = #tpu.core_type<sc_vector_subcore>, window_params = [{transform_indices = #map}, {transform_indices = #map1}, {transform_indices = #map1}, {transform_indices = #map2}]} {
    %mul3A = arith.constant 16 : i32
    %mul3A_0 = arith.muli %arg0, %mul3A : i32
    %add3A = arith.addi %mul3A_0, %arg1 : i32
    %scan3A = arith.constant 0 : i32
    %scan3A_1 = arith.constant 0 : i32
    %scan3A_2 = arith.constant 1024 : i32
    %scan3A_3 = arith.addi %scan3A_1, %scan3A_2 : i32
    %scan3A_4 = arith.constant 1 : i32
    scf.for %scan3A_253 = %scan3A_1 to %scan3A_3 step %scan3A_4  : i32 {
      %broadcast_in_dim3A = arith.constant 0.000000e+00 : f32
      %broadcast_in_dim3A_254 = vector.broadcast %broadcast_in_dim3A : f32 to vector<16xf32>
      %jit3A = arith.constant 8 : i32
      %div3A = arith.divsi %scan3A_253, %jit3A : i32
      %sign3A = arith.constant 0 : i32
      %sign3A_255 = arith.cmpi sgt, %scan3A_253, %sign3A : i32
      %sign3A_256 = arith.extui %sign3A_255 : i1 to i32
      %sign3A_257 = arith.constant 0 : i32
      %sign3A_258 = arith.cmpi slt, %scan3A_253, %sign3A_257 : i32
      %sign3A_259 = arith.extui %sign3A_258 : i1 to i32
      %sign3A_260 = arith.subi %sign3A_256, %sign3A_259 : i32
      %sign3A_261 = arith.constant 0 : i32
      %sign3A_262 = arith.cmpi sgt, %jit3A, %sign3A_261 : i32
      %sign3A_263 = arith.extui %sign3A_262 : i1 to i32
      %sign3A_264 = arith.constant 0 : i32
      %sign3A_265 = arith.cmpi slt, %jit3A, %sign3A_264 : i32
      %sign3A_266 = arith.extui %sign3A_265 : i1 to i32
      %sign3A_267 = arith.subi %sign3A_263, %sign3A_266 : i32
      %ne3A = arith.cmpi ne, %sign3A_260, %sign3A_267 : i32
      %rem3A = arith.remsi %scan3A_253, %jit3A : i32
      %ne3A_268 = arith.constant 0 : i32
      %ne3A_269 = arith.cmpi ne, %rem3A, %ne3A_268 : i32
      %and3A = arith.andi %ne3A, %ne3A_269 : i1
      %sub3A = arith.constant 1 : i32
      %sub3A_270 = arith.subi %div3A, %sub3A : i32
      %select_n3A = arith.select %and3A, %sub3A_270, %div3A : i32
      %jit3A_271 = arith.constant 8 : i32
      %eq3A = arith.constant 0 : i32
      %eq3A_272 = arith.cmpi eq, %jit3A_271, %eq3A : i32
      %jit3A_273 = arith.constant 1 : i32
      %select_n3A_274 = arith.select %eq3A_272, %jit3A_273, %jit3A_271 : i32
      %rem3A_275 = arith.remsi %scan3A_253, %select_n3A_274 : i32
      %ne3A_276 = arith.constant 0 : i32
      %ne3A_277 = arith.cmpi ne, %rem3A_275, %ne3A_276 : i32
      %lt3A = arith.constant 0 : i32
      %lt3A_278 = arith.cmpi slt, %rem3A_275, %lt3A : i32
      %lt3A_279 = arith.constant 0 : i32
      %lt3A_280 = arith.cmpi slt, %select_n3A_274, %lt3A_279 : i32
      %ne3A_281 = arith.xori %lt3A_278, %lt3A_280 : i1
      %and3A_282 = arith.andi %ne3A_281, %ne3A_277 : i1
      %add3A_283 = arith.addi %rem3A_275, %select_n3A_274 : i32
      %select_n3A_284 = arith.select %and3A_282, %add3A_283, %rem3A_275 : i32
      %mul3A_285 = arith.constant 16 : i32
      %mul3A_286 = arith.muli %select_n3A_284, %mul3A_285 : i32
      %swap3A = arith.index_cast %select_n3A : i32 to index
      %swap3A_287 = arith.index_cast %mul3A_286 : i32 to index
      %swap3A_288 = tpu.vector_load %arg10[%swap3A, %swap3A_287] {strides = array<i32>} : memref<128x128xf32, #tpu.memory_space<vmem>>, vector<1x16xf32>,
      %swap3A_289 = vector.shape_cast %swap3A_288 : vector<1x16xf32> to vector<16xf32>
      %swap3A_290 = vector.shape_cast %broadcast_in_dim3A_254 : vector<16xf32> to vector<1x16xf32>
      tpu.vector_store %arg10[%swap3A, %swap3A_287], %swap3A_290 {strides = array<i32>} : memref<128x128xf32, #tpu.memory_space<vmem>>, vector<1x16xf32>,
    }
    %scan3A_5 = arith.constant 1024 : i32
    %mul3A_6 = arith.constant 640 : i32
    %mul3A_7 = arith.muli %arg1, %mul3A_6 : i32
    %add3A_8 = arith.constant 0 : i32
    %add3A_9 = arith.addi %mul3A_7, %add3A_8 : i32
    %dma_start3A = arith.constant 0 : i32
    %dma_start3A_10 = tpu.memref_slice %arg12[%add3A_9, %dma_start3A] : memref<10240x128xf32, #tpu.memory_space<vmem_shared>> -> memref<128x128xf32, #tpu.memory_space<vmem_shared>>
    %dma_start3A_11 = arith.constant 0 : i32
    %dma_start3A_12 = tpu.memref_slice %arg12[%add3A_9, %dma_start3A_11] : memref<10240x128xf32, #tpu.memory_space<vmem_shared>> -> memref<128x128xf32, #tpu.memory_space<vmem_shared>>
    tpu.enqueue_dma source(%arg10 : memref<128x128xf32, #tpu.memory_space<vmem>>) target(%dma_start3A_12 : memref<128x128xf32, #tpu.memory_space<vmem_shared>>) target_semaphore(%arg15 : memref<!tpu.dma_semaphore, #tpu.memory_space<semaphore_mem>>)
    %mul3A_13 = arith.constant 640 : i32
    %mul3A_14 = arith.muli %arg1, %mul3A_13 : i32
    %add3A_15 = arith.constant 128 : i32
    %add3A_16 = arith.addi %mul3A_14, %add3A_15 : i32
    %dma_start3A_17 = arith.constant 0 : i32
    %dma_start3A_18 = tpu.memref_slice %arg12[%add3A_16, %dma_start3A_17] : memref<10240x128xf32, #tpu.memory_space<vmem_shared>> -> memref<128x128xf32, #tpu.memory_space<vmem_shared>>
    %dma_start3A_19 = arith.constant 0 : i32
    %dma_start3A_20 = tpu.memref_slice %arg12[%add3A_16, %dma_start3A_19] : memref<10240x128xf32, #tpu.memory_space<vmem_shared>> -> memref<128x128xf32, #tpu.memory_space<vmem_shared>>
    tpu.enqueue_dma source(%arg10 : memref<128x128xf32, #tpu.memory_space<vmem>>) target(%dma_start3A_20 : memref<128x128xf32, #tpu.memory_space<vmem_shared>>) target_semaphore(%arg15 : memref<!tpu.dma_semaphore, #tpu.memory_space<semaphore_mem>>)
    %mul3A_21 = arith.constant 640 : i32
    %mul3A_22 = arith.muli %arg1, %mul3A_21 : i32
    %add3A_23 = arith.constant 256 : i32
    %add3A_24 = arith.addi %mul3A_22, %add3A_23 : i32
    %dma_start3A_25 = arith.constant 0 : i32
    %dma_start3A_26 = tpu.memref_slice %arg12[%add3A_24, %dma_start3A_25] : memref<10240x128xf32, #tpu.memory_space<vmem_shared>> -> memref<128x128xf32, #tpu.memory_space<vmem_shared>>
    %dma_start3A_27 = arith.constant 0 : i32
    %dma_start3A_28 = tpu.memref_slice %arg12[%add3A_24, %dma_start3A_27] : memref<10240x128xf32, #tpu.memory_space<vmem_shared>> -> memref<128x128xf32, #tpu.memory_space<vmem_shared>>
    tpu.enqueue_dma source(%arg10 : memref<128x128xf32, #tpu.memory_space<vmem>>) target(%dma_start3A_28 : memref<128x128xf32, #tpu.memory_space<vmem_shared>>) target_semaphore(%arg15 : memref<!tpu.dma_semaphore, #tpu.memory_space<semaphore_mem>>)
    %mul3A_29 = arith.constant 640 : i32
    %mul3A_30 = arith.muli %arg1, %mul3A_29 : i32
    %add3A_31 = arith.constant 384 : i32
    %add3A_32 = arith.addi %mul3A_30, %add3A_31 : i32
    %dma_start3A_33 = arith.constant 0 : i32
    %dma_start3A_34 = tpu.memref_slice %arg12[%add3A_32, %dma_start3A_33] : memref<10240x128xf32, #tpu.memory_space<vmem_shared>> -> memref<128x128xf32, #tpu.memory_space<vmem_shared>>
    %dma_start3A_35 = arith.constant 0 : i32
    %dma_start3A_36 = tpu.memref_slice %arg12[%add3A_32, %dma_start3A_35] : memref<10240x128xf32, #tpu.memory_space<vmem_shared>> -> memref<128x128xf32, #tpu.memory_space<vmem_shared>>
    tpu.enqueue_dma source(%arg10 : memref<128x128xf32, #tpu.memory_space<vmem>>) target(%dma_start3A_36 : memref<128x128xf32, #tpu.memory_space<vmem_shared>>) target_semaphore(%arg15 : memref<!tpu.dma_semaphore, #tpu.memory_space<semaphore_mem>>)
    %mul3A_37 = arith.constant 640 : i32
    %mul3A_38 = arith.muli %arg1, %mul3A_37 : i32
    %add3A_39 = arith.constant 512 : i32
    %add3A_40 = arith.addi %mul3A_38, %add3A_39 : i32
    %dma_start3A_41 = arith.constant 0 : i32
    %dma_start3A_42 = tpu.memref_slice %arg12[%add3A_40, %dma_start3A_41] : memref<10240x128xf32, #tpu.memory_space<vmem_shared>> -> memref<128x128xf32, #tpu.memory_space<vmem_shared>>
    %dma_start3A_43 = arith.constant 0 : i32
    %dma_start3A_44 = tpu.memref_slice %arg12[%add3A_40, %dma_start3A_43] : memref<10240x128xf32, #tpu.memory_space<vmem_shared>> -> memref<128x128xf32, #tpu.memory_space<vmem_shared>>
    tpu.enqueue_dma source(%arg10 : memref<128x128xf32, #tpu.memory_space<vmem>>) target(%dma_start3A_44 : memref<128x128xf32, #tpu.memory_space<vmem_shared>>) target_semaphore(%arg15 : memref<!tpu.dma_semaphore, #tpu.memory_space<semaphore_mem>>)
    %dma_wait3A = arith.constant 0 : i32
    %dma_wait3A_45 = arith.constant 0 : i32
    %dma_wait3A_46 = tpu.memref_slice %arg12[%dma_wait3A, %dma_wait3A_45] : memref<10240x128xf32, #tpu.memory_space<vmem_shared>> -> memref<128x128xf32, #tpu.memory_space<vmem_shared>>
    %dma_wait3A_47 = arith.constant 0 : i32
    %dma_wait3A_48 = arith.constant 0 : i32
    %dma_wait3A_49 = tpu.memref_slice %arg12[%dma_wait3A_47, %dma_wait3A_48] : memref<10240x128xf32, #tpu.memory_space<vmem_shared>> -> memref<128x128xf32, #tpu.memory_space<vmem_shared>>
    tpu.wait_dma2 semaphore(%arg15 : memref<!tpu.dma_semaphore, #tpu.memory_space<semaphore_mem>>) src(%arg10 : memref<128x128xf32, #tpu.memory_space<vmem>>) dst(%dma_wait3A_49 : memref<128x128xf32, #tpu.memory_space<vmem_shared>>)
    %dma_wait3A_50 = arith.constant 0 : i32
    %dma_wait3A_51 = arith.constant 0 : i32
    %dma_wait3A_52 = tpu.memref_slice %arg12[%dma_wait3A_50, %dma_wait3A_51] : memref<10240x128xf32, #tpu.memory_space<vmem_shared>> -> memref<128x128xf32, #tpu.memory_space<vmem_shared>>
    %dma_wait3A_53 = arith.constant 0 : i32
    %dma_wait3A_54 = arith.constant 0 : i32
    %dma_wait3A_55 = tpu.memref_slice %arg12[%dma_wait3A_53, %dma_wait3A_54] : memref<10240x128xf32, #tpu.memory_space<vmem_shared>> -> memref<128x128xf32, #tpu.memory_space<vmem_shared>>
    tpu.wait_dma2 semaphore(%arg15 : memref<!tpu.dma_semaphore, #tpu.memory_space<semaphore_mem>>) src(%arg10 : memref<128x128xf32, #tpu.memory_space<vmem>>) dst(%dma_wait3A_55 : memref<128x128xf32, #tpu.memory_space<vmem_shared>>)
    %dma_wait3A_56 = arith.constant 0 : i32
    %dma_wait3A_57 = arith.constant 0 : i32
    %dma_wait3A_58 = tpu.memref_slice %arg12[%dma_wait3A_56, %dma_wait3A_57] : memref<10240x128xf32, #tpu.memory_space<vmem_shared>> -> memref<128x128xf32, #tpu.memory_space<vmem_shared>>
    %dma_wait3A_59 = arith.constant 0 : i32
    %dma_wait3A_60 = arith.constant 0 : i32
    %dma_wait3A_61 = tpu.memref_slice %arg12[%dma_wait3A_59, %dma_wait3A_60] : memref<10240x128xf32, #tpu.memory_space<vmem_shared>> -> memref<128x128xf32, #tpu.memory_space<vmem_shared>>
    tpu.wait_dma2 semaphore(%arg15 : memref<!tpu.dma_semaphore, #tpu.memory_space<semaphore_mem>>) src(%arg10 : memref<128x128xf32, #tpu.memory_space<vmem>>) dst(%dma_wait3A_61 : memref<128x128xf32, #tpu.memory_space<vmem_shared>>)
    %dma_wait3A_62 = arith.constant 0 : i32
    %dma_wait3A_63 = arith.constant 0 : i32
    %dma_wait3A_64 = tpu.memref_slice %arg12[%dma_wait3A_62, %dma_wait3A_63] : memref<10240x128xf32, #tpu.memory_space<vmem_shared>> -> memref<128x128xf32, #tpu.memory_space<vmem_shared>>
    %dma_wait3A_65 = arith.constant 0 : i32
    %dma_wait3A_66 = arith.constant 0 : i32
    %dma_wait3A_67 = tpu.memref_slice %arg12[%dma_wait3A_65, %dma_wait3A_66] : memref<10240x128xf32, #tpu.memory_space<vmem_shared>> -> memref<128x128xf32, #tpu.memory_space<vmem_shared>>
    tpu.wait_dma2 semaphore(%arg15 : memref<!tpu.dma_semaphore, #tpu.memory_space<semaphore_mem>>) src(%arg10 : memref<128x128xf32, #tpu.memory_space<vmem>>) dst(%dma_wait3A_67 : memref<128x128xf32, #tpu.memory_space<vmem_shared>>)
    %dma_wait3A_68 = arith.constant 0 : i32
    %dma_wait3A_69 = arith.constant 0 : i32
    %dma_wait3A_70 = tpu.memref_slice %arg12[%dma_wait3A_68, %dma_wait3A_69] : memref<10240x128xf32, #tpu.memory_space<vmem_shared>> -> memref<128x128xf32, #tpu.memory_space<vmem_shared>>
    %dma_wait3A_71 = arith.constant 0 : i32
    %dma_wait3A_72 = arith.constant 0 : i32
    %dma_wait3A_73 = tpu.memref_slice %arg12[%dma_wait3A_71, %dma_wait3A_72] : memref<10240x128xf32, #tpu.memory_space<vmem_shared>> -> memref<128x128xf32, #tpu.memory_space<vmem_shared>>
    tpu.wait_dma2 semaphore(%arg15 : memref<!tpu.dma_semaphore, #tpu.memory_space<semaphore_mem>>) src(%arg10 : memref<128x128xf32, #tpu.memory_space<vmem>>) dst(%dma_wait3A_73 : memref<128x128xf32, #tpu.memory_space<vmem_shared>>)
    %barrier3A = arith.constant 0 : index
    tpu.barrier barrier_id(%barrier3A)
    %mul3A_74 = arith.constant 10240 : i32
    %mul3A_75 = arith.muli %add3A, %mul3A_74 : i32
    "tpu.region"() ({
      %run_scoped3A = tpu.sem_alloc : memref<!tpu.dma_semaphore, #tpu.memory_space<semaphore_mem>>
      %dma_start3A_253 = tpu.memref_slice %arg3[%mul3A_75] : memref<327680xi32, #tpu.memory_space<hbm>> -> memref<128xi32, #tpu.memory_space<hbm>>
      %dma_start3A_254 = tpu.memref_slice %arg3[%mul3A_75] : memref<327680xi32, #tpu.memory_space<hbm>> -> memref<128xi32, #tpu.memory_space<hbm>>
      tpu.enqueue_dma source(%dma_start3A_254 : memref<128xi32, #tpu.memory_space<hbm>>) target(%arg6 : memref<128xi32, #tpu.memory_space<vmem>>) target_semaphore(%run_scoped3A : memref<!tpu.dma_semaphore, #tpu.memory_space<semaphore_mem>>)
      %dma_wait3A_255 = tpu.memref_slice %arg3[%mul3A_75] : memref<327680xi32, #tpu.memory_space<hbm>> -> memref<128xi32, #tpu.memory_space<hbm>>
      %dma_wait3A_256 = tpu.memref_slice %arg3[%mul3A_75] : memref<327680xi32, #tpu.memory_space<hbm>> -> memref<128xi32, #tpu.memory_space<hbm>>
      tpu.wait_dma2 semaphore(%run_scoped3A : memref<!tpu.dma_semaphore, #tpu.memory_space<semaphore_mem>>) src(%dma_wait3A_256 : memref<128xi32, #tpu.memory_space<hbm>>) dst(%arg6 : memref<128xi32, #tpu.memory_space<vmem>>)
      tpu.yield
    }) : () -> ()
    "tpu.region"() ({
      %run_scoped3A = tpu.sem_alloc : memref<!tpu.dma_semaphore, #tpu.memory_space<semaphore_mem>>
      %dma_start3A_253 = tpu.memref_slice %arg4[%mul3A_75] : memref<327680xi32, #tpu.memory_space<hbm>> -> memref<128xi32, #tpu.memory_space<hbm>>
      %dma_start3A_254 = tpu.memref_slice %arg4[%mul3A_75] : memref<327680xi32, #tpu.memory_space<hbm>> -> memref<128xi32, #tpu.memory_space<hbm>>
      tpu.enqueue_dma source(%dma_start3A_254 : memref<128xi32, #tpu.memory_space<hbm>>) target(%arg7 : memref<128xi32, #tpu.memory_space<vmem>>) target_semaphore(%run_scoped3A : memref<!tpu.dma_semaphore, #tpu.memory_space<semaphore_mem>>)
      %dma_wait3A_255 = tpu.memref_slice %arg4[%mul3A_75] : memref<327680xi32, #tpu.memory_space<hbm>> -> memref<128xi32, #tpu.memory_space<hbm>>
      %dma_wait3A_256 = tpu.memref_slice %arg4[%mul3A_75] : memref<327680xi32, #tpu.memory_space<hbm>> -> memref<128xi32, #tpu.memory_space<hbm>>
      tpu.wait_dma2 semaphore(%run_scoped3A : memref<!tpu.dma_semaphore, #tpu.memory_space<semaphore_mem>>) src(%dma_wait3A_256 : memref<128xi32, #tpu.memory_space<hbm>>) dst(%arg7 : memref<128xi32, #tpu.memory_space<vmem>>)
      tpu.yield
    }) : () -> ()
    %dma_start3A_76 = arith.constant 0 : i32
    %dma_start3A_77 = arith.constant 0 : i32
    %dma_start3A_78 = tpu.memref_slice %arg2[%dma_start3A_76, %dma_start3A_77] : memref<10240x128xf32, #tpu.memory_space<hbm>> -> memref<10240x128xf32, #tpu.memory_space<hbm>>
    tpu.enqueue_indirect_dma source(%dma_start3A_78 : memref<10240x128xf32, #tpu.memory_space<hbm>>) target(%arg10 : memref<128x128xf32, #tpu.memory_space<vmem>>) offsets(%arg6 : memref<128xi32, #tpu.memory_space<vmem>>) semaphore(%arg13 : memref<!tpu.dma_semaphore, #tpu.memory_space<semaphore_mem>>)
    %add3A_79 = arith.constant 128 : i32
    %add3A_80 = arith.addi %mul3A_75, %add3A_79 : i32
    "tpu.region"() ({
      %run_scoped3A = tpu.sem_alloc : memref<!tpu.dma_semaphore, #tpu.memory_space<semaphore_mem>>
      %dma_start3A_253 = tpu.memref_slice %arg3[%add3A_80] : memref<327680xi32, #tpu.memory_space<hbm>> -> memref<128xi32, #tpu.memory_space<hbm>>
      %dma_start3A_254 = tpu.memref_slice %arg3[%add3A_80] : memref<327680xi32, #tpu.memory_space<hbm>> -> memref<128xi32, #tpu.memory_space<hbm>>
      tpu.enqueue_dma source(%dma_start3A_254 : memref<128xi32, #tpu.memory_space<hbm>>) target(%arg8 : memref<128xi32, #tpu.memory_space<vmem>>) target_semaphore(%run_scoped3A : memref<!tpu.dma_semaphore, #tpu.memory_space<semaphore_mem>>)
      %dma_wait3A_255 = tpu.memref_slice %arg3[%add3A_80] : memref<327680xi32, #tpu.memory_space<hbm>> -> memref<128xi32, #tpu.memory_space<hbm>>
      %dma_wait3A_256 = tpu.memref_slice %arg3[%add3A_80] : memref<327680xi32, #tpu.memory_space<hbm>> -> memref<128xi32, #tpu.memory_space<hbm>>
      tpu.wait_dma2 semaphore(%run_scoped3A : memref<!tpu.dma_semaphore, #tpu.memory_space<semaphore_mem>>) src(%dma_wait3A_256 : memref<128xi32, #tpu.memory_space<hbm>>) dst(%arg8 : memref<128xi32, #tpu.memory_space<vmem>>)
      tpu.yield
    }) : () -> ()
    %add3A_81 = arith.constant 128 : i32
    %add3A_82 = arith.addi %mul3A_75, %add3A_81 : i32
    "tpu.region"() ({
      %run_scoped3A = tpu.sem_alloc : memref<!tpu.dma_semaphore, #tpu.memory_space<semaphore_mem>>
      %dma_start3A_253 = tpu.memref_slice %arg4[%add3A_82] : memref<327680xi32, #tpu.memory_space<hbm>> -> memref<128xi32, #tpu.memory_space<hbm>>
      %dma_start3A_254 = tpu.memref_slice %arg4[%add3A_82] : memref<327680xi32, #tpu.memory_space<hbm>> -> memref<128xi32, #tpu.memory_space<hbm>>
      tpu.enqueue_dma source(%dma_start3A_254 : memref<128xi32, #tpu.memory_space<hbm>>) target(%arg9 : memref<128xi32, #tpu.memory_space<vmem>>) target_semaphore(%run_scoped3A : memref<!tpu.dma_semaphore, #tpu.memory_space<semaphore_mem>>)
      %dma_wait3A_255 = tpu.memref_slice %arg4[%add3A_82] : memref<327680xi32, #tpu.memory_space<hbm>> -> memref<128xi32, #tpu.memory_space<hbm>>
      %dma_wait3A_256 = tpu.memref_slice %arg4[%add3A_82] : memref<327680xi32, #tpu.memory_space<hbm>> -> memref<128xi32, #tpu.memory_space<hbm>>
      tpu.wait_dma2 semaphore(%run_scoped3A : memref<!tpu.dma_semaphore, #tpu.memory_space<semaphore_mem>>) src(%dma_wait3A_256 : memref<128xi32, #tpu.memory_space<hbm>>) dst(%arg9 : memref<128xi32, #tpu.memory_space<vmem>>)
      tpu.yield
    }) : () -> ()
    %scan3A_83 = arith.constant 0 : i32
    %scan3A_84 = arith.constant 0 : i32
    %scan3A_85 = arith.constant 40 : i32
    %scan3A_86 = arith.addi %scan3A_84, %scan3A_85 : i32
    %scan3A_87 = arith.constant 1 : i32
    scf.for %scan3A_253 = %scan3A_84 to %scan3A_86 step %scan3A_87  : i32 {
      %mul3A_254 = arith.constant 2 : i32
      %mul3A_255 = arith.muli %mul3A_254, %scan3A_253 : i32
      %dma_start3A_256 = arith.constant 0 : i32
      %dma_start3A_257 = arith.constant 0 : i32
      %dma_start3A_258 = tpu.memref_slice %arg2[%dma_start3A_256, %dma_start3A_257] : memref<10240x128xf32, #tpu.memory_space<hbm>> -> memref<10240x128xf32, #tpu.memory_space<hbm>>
      tpu.enqueue_indirect_dma source(%dma_start3A_258 : memref<10240x128xf32, #tpu.memory_space<hbm>>) target(%arg11 : memref<128x128xf32, #tpu.memory_space<vmem>>) offsets(%arg8 : memref<128xi32, #tpu.memory_space<vmem>>) semaphore(%arg14 : memref<!tpu.dma_semaphore, #tpu.memory_space<semaphore_mem>>)
      %dma_wait3A_259 = arith.constant 0 : i32
      %dma_wait3A_260 = arith.constant 0 : i32
      %dma_wait3A_261 = tpu.memref_slice %arg2[%dma_wait3A_259, %dma_wait3A_260] : memref<10240x128xf32, #tpu.memory_space<hbm>> -> memref<128x128xf32, #tpu.memory_space<hbm>>
      %dma_wait3A_262 = arith.constant 0 : i32
      %dma_wait3A_263 = arith.constant 0 : i32
      %dma_wait3A_264 = tpu.memref_slice %arg2[%dma_wait3A_262, %dma_wait3A_263] : memref<10240x128xf32, #tpu.memory_space<hbm>> -> memref<128x128xf32, #tpu.memory_space<hbm>>
      tpu.wait_dma2 semaphore(%arg13 : memref<!tpu.dma_semaphore, #tpu.memory_space<semaphore_mem>>) src(%dma_wait3A_264 : memref<128x128xf32, #tpu.memory_space<hbm>>) dst(%arg10 : memref<128x128xf32, #tpu.memory_space<vmem>>)
      %dma_start3A_265 = arith.constant 0 : i32
      %dma_start3A_266 = arith.constant 0 : i32
      %dma_start3A_267 = tpu.memref_slice %arg12[%dma_start3A_265, %dma_start3A_266] : memref<10240x128xf32, #tpu.memory_space<vmem_shared>> -> memref<10240x128xf32, #tpu.memory_space<vmem_shared>>
      tpu.enqueue_indirect_dma source(%arg10 : memref<128x128xf32, #tpu.memory_space<vmem>>) target(%dma_start3A_267 : memref<10240x128xf32, #tpu.memory_space<vmem_shared>>) offsets(%arg7 : memref<128xi32, #tpu.memory_space<vmem>>) semaphore(%arg15 : memref<!tpu.dma_semaphore, #tpu.memory_space<semaphore_mem>>) {add = true}
      %add3A_268 = arith.constant 2 : i32
      %add3A_269 = arith.addi %mul3A_255, %add3A_268 : i32
      %lt3A = arith.constant 80 : i32
      %lt3A_270 = arith.cmpi slt, %add3A_269, %lt3A : i32
      %convert_element_type3A = arith.extui %lt3A_270 : i1 to i32
      %cond3A = arith.constant 0 : i32
      %cond3A_271 = arith.cmpi ne, %convert_element_type3A, %cond3A : i32
      scf.if %cond3A_271 {
        %add3A_301 = arith.constant 2 : i32
        %add3A_302 = arith.addi %mul3A_255, %add3A_301 : i32
        %mul3A_303 = arith.constant 128 : i32
        %mul3A_304 = arith.muli %add3A_302, %mul3A_303 : i32
        %add3A_305 = arith.addi %mul3A_75, %mul3A_304 : i32
        "tpu.region"() ({
          %run_scoped3A = tpu.sem_alloc : memref<!tpu.dma_semaphore, #tpu.memory_space<semaphore_mem>>
          %dma_start3A_320 = tpu.memref_slice %arg3[%add3A_305] : memref<327680xi32, #tpu.memory_space<hbm>> -> memref<128xi32, #tpu.memory_space<hbm>>
          %dma_start3A_321 = tpu.memref_slice %arg3[%add3A_305] : memref<327680xi32, #tpu.memory_space<hbm>> -> memref<128xi32, #tpu.memory_space<hbm>>
          tpu.enqueue_dma source(%dma_start3A_321 : memref<128xi32, #tpu.memory_space<hbm>>) target(%arg6 : memref<128xi32, #tpu.memory_space<vmem>>) target_semaphore(%run_scoped3A : memref<!tpu.dma_semaphore, #tpu.memory_space<semaphore_mem>>)
          %dma_wait3A_322 = tpu.memref_slice %arg3[%add3A_305] : memref<327680xi32, #tpu.memory_space<hbm>> -> memref<128xi32, #tpu.memory_space<hbm>>
          %dma_wait3A_323 = tpu.memref_slice %arg3[%add3A_305] : memref<327680xi32, #tpu.memory_space<hbm>> -> memref<128xi32, #tpu.memory_space<hbm>>
          tpu.wait_dma2 semaphore(%run_scoped3A : memref<!tpu.dma_semaphore, #tpu.memory_space<semaphore_mem>>) src(%dma_wait3A_323 : memref<128xi32, #tpu.memory_space<hbm>>) dst(%arg6 : memref<128xi32, #tpu.memory_space<vmem>>)
          tpu.yield
        }) : () -> ()
        %dma_wait3A_306 = arith.constant 0 : i32
        %dma_wait3A_307 = arith.constant 0 : i32
        %dma_wait3A_308 = tpu.memref_slice %arg12[%dma_wait3A_306, %dma_wait3A_307] : memref<10240x128xf32, #tpu.memory_space<vmem_shared>> -> memref<128x128xf32, #tpu.memory_space<vmem_shared>>
        %dma_wait3A_309 = arith.constant 0 : i32
        %dma_wait3A_310 = arith.constant 0 : i32
        %dma_wait3A_311 = tpu.memref_slice %arg12[%dma_wait3A_309, %dma_wait3A_310] : memref<10240x128xf32, #tpu.memory_space<vmem_shared>> -> memref<128x128xf32, #tpu.memory_space<vmem_shared>>
        tpu.wait_dma2 semaphore(%arg15 : memref<!tpu.dma_semaphore, #tpu.memory_space<semaphore_mem>>) src(%arg10 : memref<128x128xf32, #tpu.memory_space<vmem>>) dst(%dma_wait3A_311 : memref<128x128xf32, #tpu.memory_space<vmem_shared>>)
        %add3A_312 = arith.constant 2 : i32
        %add3A_313 = arith.addi %mul3A_255, %add3A_312 : i32
        %mul3A_314 = arith.constant 128 : i32
        %mul3A_315 = arith.muli %add3A_313, %mul3A_314 : i32
        %add3A_316 = arith.addi %mul3A_75, %mul3A_315 : i32
        "tpu.region"() ({
          %run_scoped3A = tpu.sem_alloc : memref<!tpu.dma_semaphore, #tpu.memory_space<semaphore_mem>>
          %dma_start3A_320 = tpu.memref_slice %arg4[%add3A_316] : memref<327680xi32, #tpu.memory_space<hbm>> -> memref<128xi32, #tpu.memory_space<hbm>>
          %dma_start3A_321 = tpu.memref_slice %arg4[%add3A_316] : memref<327680xi32, #tpu.memory_space<hbm>> -> memref<128xi32, #tpu.memory_space<hbm>>
          tpu.enqueue_dma source(%dma_start3A_321 : memref<128xi32, #tpu.memory_space<hbm>>) target(%arg7 : memref<128xi32, #tpu.memory_space<vmem>>) target_semaphore(%run_scoped3A : memref<!tpu.dma_semaphore, #tpu.memory_space<semaphore_mem>>)
          %dma_wait3A_322 = tpu.memref_slice %arg4[%add3A_316] : memref<327680xi32, #tpu.memory_space<hbm>> -> memref<128xi32, #tpu.memory_space<hbm>>
          %dma_wait3A_323 = tpu.memref_slice %arg4[%add3A_316] : memref<327680xi32, #tpu.memory_space<hbm>> -> memref<128xi32, #tpu.memory_space<hbm>>
          tpu.wait_dma2 semaphore(%run_scoped3A : memref<!tpu.dma_semaphore, #tpu.memory_space<semaphore_mem>>) src(%dma_wait3A_323 : memref<128xi32, #tpu.memory_space<hbm>>) dst(%arg7 : memref<128xi32, #tpu.memory_space<vmem>>)
          tpu.yield
        }) : () -> ()
        %dma_start3A_317 = arith.constant 0 : i32
        %dma_start3A_318 = arith.constant 0 : i32
        %dma_start3A_319 = tpu.memref_slice %arg2[%dma_start3A_317, %dma_start3A_318] : memref<10240x128xf32, #tpu.memory_space<hbm>> -> memref<10240x128xf32, #tpu.memory_space<hbm>>
        tpu.enqueue_indirect_dma source(%dma_start3A_319 : memref<10240x128xf32, #tpu.memory_space<hbm>>) target(%arg10 : memref<128x128xf32, #tpu.memory_space<vmem>>) offsets(%arg6 : memref<128xi32, #tpu.memory_space<vmem>>) semaphore(%arg13 : memref<!tpu.dma_semaphore, #tpu.memory_space<semaphore_mem>>)
      } else {
      }
      %add3A_272 = arith.constant 2 : i32
      %add3A_273 = arith.addi %mul3A_255, %add3A_272 : i32
      %ge3A = arith.constant 80 : i32
      %ge3A_274 = arith.cmpi sge, %add3A_273, %ge3A : i32
      %convert_element_type3A_275 = arith.extui %ge3A_274 : i1 to i32
      %cond3A_276 = arith.constant 0 : i32
      %cond3A_277 = arith.cmpi ne, %convert_element_type3A_275, %cond3A_276 : i32
      scf.if %cond3A_277 {
        %dma_wait3A_301 = arith.constant 0 : i32
        %dma_wait3A_302 = arith.constant 0 : i32
        %dma_wait3A_303 = tpu.memref_slice %arg12[%dma_wait3A_301, %dma_wait3A_302] : memref<10240x128xf32, #tpu.memory_space<vmem_shared>> -> memref<128x128xf32, #tpu.memory_space<vmem_shared>>
        %dma_wait3A_304 = arith.constant 0 : i32
        %dma_wait3A_305 = arith.constant 0 : i32
        %dma_wait3A_306 = tpu.memref_slice %arg12[%dma_wait3A_304, %dma_wait3A_305] : memref<10240x128xf32, #tpu.memory_space<vmem_shared>> -> memref<128x128xf32, #tpu.memory_space<vmem_shared>>
        tpu.wait_dma2 semaphore(%arg15 : memref<!tpu.dma_semaphore, #tpu.memory_space<semaphore_mem>>) src(%arg10 : memref<128x128xf32, #tpu.memory_space<vmem>>) dst(%dma_wait3A_306 : memref<128x128xf32, #tpu.memory_space<vmem_shared>>)
      } else {
      }
      %dma_wait3A_278 = arith.constant 0 : i32
      %dma_wait3A_279 = arith.constant 0 : i32
      %dma_wait3A_280 = tpu.memref_slice %arg2[%dma_wait3A_278, %dma_wait3A_279] : memref<10240x128xf32, #tpu.memory_space<hbm>> -> memref<128x128xf32, #tpu.memory_space<hbm>>
      %dma_wait3A_281 = arith.constant 0 : i32
      %dma_wait3A_282 = arith.constant 0 : i32
      %dma_wait3A_283 = tpu.memref_slice %arg2[%dma_wait3A_281, %dma_wait3A_282] : memref<10240x128xf32, #tpu.memory_space<hbm>> -> memref<128x128xf32, #tpu.memory_space<hbm>>
      tpu.wait_dma2 semaphore(%arg14 : memref<!tpu.dma_semaphore, #tpu.memory_space<semaphore_mem>>) src(%dma_wait3A_283 : memref<128x128xf32, #tpu.memory_space<hbm>>) dst(%arg11 : memref<128x128xf32, #tpu.memory_space<vmem>>)
      %dma_start3A_284 = arith.constant 0 : i32
      %dma_start3A_285 = arith.constant 0 : i32
      %dma_start3A_286 = tpu.memref_slice %arg12[%dma_start3A_284, %dma_start3A_285] : memref<10240x128xf32, #tpu.memory_space<vmem_shared>> -> memref<10240x128xf32, #tpu.memory_space<vmem_shared>>
      tpu.enqueue_indirect_dma source(%arg11 : memref<128x128xf32, #tpu.memory_space<vmem>>) target(%dma_start3A_286 : memref<10240x128xf32, #tpu.memory_space<vmem_shared>>) offsets(%arg9 : memref<128xi32, #tpu.memory_space<vmem>>) semaphore(%arg16 : memref<!tpu.dma_semaphore, #tpu.memory_space<semaphore_mem>>) {add = true}
      %add3A_287 = arith.constant 3 : i32
      %add3A_288 = arith.addi %mul3A_255, %add3A_287 : i32
      %lt3A_289 = arith.constant 80 : i32
      %lt3A_290 = arith.cmpi slt, %add3A_288, %lt3A_289 : i32
      %convert_element_type3A_291 = arith.extui %lt3A_290 : i1 to i32
      %cond3A_292 = arith.constant 0 : i32
      %cond3A_293 = arith.cmpi ne, %convert_element_type3A_291, %cond3A_292 : i32
      scf.if %cond3A_293 {
        %add3A_301 = arith.constant 3 : i32
        %add3A_302 = arith.addi %mul3A_255, %add3A_301 : i32
        %mul3A_303 = arith.constant 128 : i32
        %mul3A_304 = arith.muli %add3A_302, %mul3A_303 : i32
        %add3A_305 = arith.addi %mul3A_75, %mul3A_304 : i32
        "tpu.region"() ({
          %run_scoped3A = tpu.sem_alloc : memref<!tpu.dma_semaphore, #tpu.memory_space<semaphore_mem>>
          %dma_start3A_317 = tpu.memref_slice %arg3[%add3A_305] : memref<327680xi32, #tpu.memory_space<hbm>> -> memref<128xi32, #tpu.memory_space<hbm>>
          %dma_start3A_318 = tpu.memref_slice %arg3[%add3A_305] : memref<327680xi32, #tpu.memory_space<hbm>> -> memref<128xi32, #tpu.memory_space<hbm>>
          tpu.enqueue_dma source(%dma_start3A_318 : memref<128xi32, #tpu.memory_space<hbm>>) target(%arg8 : memref<128xi32, #tpu.memory_space<vmem>>) target_semaphore(%run_scoped3A : memref<!tpu.dma_semaphore, #tpu.memory_space<semaphore_mem>>)
          %dma_wait3A_319 = tpu.memref_slice %arg3[%add3A_305] : memref<327680xi32, #tpu.memory_space<hbm>> -> memref<128xi32, #tpu.memory_space<hbm>>
          %dma_wait3A_320 = tpu.memref_slice %arg3[%add3A_305] : memref<327680xi32, #tpu.memory_space<hbm>> -> memref<128xi32, #tpu.memory_space<hbm>>
          tpu.wait_dma2 semaphore(%run_scoped3A : memref<!tpu.dma_semaphore, #tpu.memory_space<semaphore_mem>>) src(%dma_wait3A_320 : memref<128xi32, #tpu.memory_space<hbm>>) dst(%arg8 : memref<128xi32, #tpu.memory_space<vmem>>)
          tpu.yield
        }) : () -> ()
        %dma_wait3A_306 = arith.constant 0 : i32
        %dma_wait3A_307 = arith.constant 0 : i32
        %dma_wait3A_308 = tpu.memref_slice %arg12[%dma_wait3A_306, %dma_wait3A_307] : memref<10240x128xf32, #tpu.memory_space<vmem_shared>> -> memref<128x128xf32, #tpu.memory_space<vmem_shared>>
        %dma_wait3A_309 = arith.constant 0 : i32
        %dma_wait3A_310 = arith.constant 0 : i32
        %dma_wait3A_311 = tpu.memref_slice %arg12[%dma_wait3A_309, %dma_wait3A_310] : memref<10240x128xf32, #tpu.memory_space<vmem_shared>> -> memref<128x128xf32, #tpu.memory_space<vmem_shared>>
        tpu.wait_dma2 semaphore(%arg16 : memref<!tpu.dma_semaphore, #tpu.memory_space<semaphore_mem>>) src(%arg11 : memref<128x128xf32, #tpu.memory_space<vmem>>) dst(%dma_wait3A_311 : memref<128x128xf32, #tpu.memory_space<vmem_shared>>)
        %add3A_312 = arith.constant 3 : i32
        %add3A_313 = arith.addi %mul3A_255, %add3A_312 : i32
        %mul3A_314 = arith.constant 128 : i32
        %mul3A_315 = arith.muli %add3A_313, %mul3A_314 : i32
        %add3A_316 = arith.addi %mul3A_75, %mul3A_315 : i32
        "tpu.region"() ({
          %run_scoped3A = tpu.sem_alloc : memref<!tpu.dma_semaphore, #tpu.memory_space<semaphore_mem>>
          %dma_start3A_317 = tpu.memref_slice %arg4[%add3A_316] : memref<327680xi32, #tpu.memory_space<hbm>> -> memref<128xi32, #tpu.memory_space<hbm>>
          %dma_start3A_318 = tpu.memref_slice %arg4[%add3A_316] : memref<327680xi32, #tpu.memory_space<hbm>> -> memref<128xi32, #tpu.memory_space<hbm>>
          tpu.enqueue_dma source(%dma_start3A_318 : memref<128xi32, #tpu.memory_space<hbm>>) target(%arg9 : memref<128xi32, #tpu.memory_space<vmem>>) target_semaphore(%run_scoped3A : memref<!tpu.dma_semaphore, #tpu.memory_space<semaphore_mem>>)
          %dma_wait3A_319 = tpu.memref_slice %arg4[%add3A_316] : memref<327680xi32, #tpu.memory_space<hbm>> -> memref<128xi32, #tpu.memory_space<hbm>>
          %dma_wait3A_320 = tpu.memref_slice %arg4[%add3A_316] : memref<327680xi32, #tpu.memory_space<hbm>> -> memref<128xi32, #tpu.memory_space<hbm>>
          tpu.wait_dma2 semaphore(%run_scoped3A : memref<!tpu.dma_semaphore, #tpu.memory_space<semaphore_mem>>) src(%dma_wait3A_320 : memref<128xi32, #tpu.memory_space<hbm>>) dst(%arg9 : memref<128xi32, #tpu.memory_space<vmem>>)
          tpu.yield
        }) : () -> ()
      } else {
      }
      %add3A_294 = arith.constant 3 : i32
      %add3A_295 = arith.addi %mul3A_255, %add3A_294 : i32
      %ge3A_296 = arith.constant 80 : i32
      %ge3A_297 = arith.cmpi sge, %add3A_295, %ge3A_296 : i32
      %convert_element_type3A_298 = arith.extui %ge3A_297 : i1 to i32
      %cond3A_299 = arith.constant 0 : i32
      %cond3A_300 = arith.cmpi ne, %convert_element_type3A_298, %cond3A_299 : i32
      scf.if %cond3A_300 {
        %dma_wait3A_301 = arith.constant 0 : i32
        %dma_wait3A_302 = arith.constant 0 : i32
        %dma_wait3A_303 = tpu.memref_slice %arg12[%dma_wait3A_301, %dma_wait3A_302] : memref<10240x128xf32, #tpu.memory_space<vmem_shared>> -> memref<128x128xf32, #tpu.memory_space<vmem_shared>>
        %dma_wait3A_304 = arith.constant 0 : i32
        %dma_wait3A_305 = arith.constant 0 : i32
        %dma_wait3A_306 = tpu.memref_slice %arg12[%dma_wait3A_304, %dma_wait3A_305] : memref<10240x128xf32, #tpu.memory_space<vmem_shared>> -> memref<128x128xf32, #tpu.memory_space<vmem_shared>>
        tpu.wait_dma2 semaphore(%arg16 : memref<!tpu.dma_semaphore, #tpu.memory_space<semaphore_mem>>) src(%arg11 : memref<128x128xf32, #tpu.memory_space<vmem>>) dst(%dma_wait3A_306 : memref<128x128xf32, #tpu.memory_space<vmem_shared>>)
      } else {
      }
    }
    %scan3A_88 = arith.constant 40 : i32
    %barrier3A_89 = arith.constant 0 : index
    tpu.barrier barrier_id(%barrier3A_89)
    %mul3A_90 = arith.constant 640 : i32
    %mul3A_91 = arith.muli %arg1, %mul3A_90 : i32
    %dma_start3A_92 = arith.constant 0 : i32
    %dma_start3A_93 = tpu.memref_slice %arg12[%mul3A_91, %dma_start3A_92] : memref<10240x128xf32, #tpu.memory_space<vmem_shared>> -> memref<128x128xf32, #tpu.memory_space<vmem_shared>>
    %dma_start3A_94 = arith.constant 0 : i32
    %dma_start3A_95 = tpu.memref_slice %arg12[%mul3A_91, %dma_start3A_94] : memref<10240x128xf32, #tpu.memory_space<vmem_shared>> -> memref<128x128xf32, #tpu.memory_space<vmem_shared>>
    tpu.enqueue_dma source(%dma_start3A_95 : memref<128x128xf32, #tpu.memory_space<vmem_shared>>) target(%arg10 : memref<128x128xf32, #tpu.memory_space<vmem>>) target_semaphore(%arg13 : memref<!tpu.dma_semaphore, #tpu.memory_space<semaphore_mem>>)
    %mul3A_96 = arith.constant 640 : i32
    %mul3A_97 = arith.muli %arg1, %mul3A_96 : i32
    %add3A_98 = arith.constant 128 : i32
    %add3A_99 = arith.addi %mul3A_97, %add3A_98 : i32
    %dma_start3A_100 = arith.constant 0 : i32
    %dma_start3A_101 = tpu.memref_slice %arg12[%add3A_99, %dma_start3A_100] : memref<10240x128xf32, #tpu.memory_space<vmem_shared>> -> memref<128x128xf32, #tpu.memory_space<vmem_shared>>
    %dma_start3A_102 = arith.constant 0 : i32
    %dma_start3A_103 = tpu.memref_slice %arg12[%add3A_99, %dma_start3A_102] : memref<10240x128xf32, #tpu.memory_space<vmem_shared>> -> memref<128x128xf32, #tpu.memory_space<vmem_shared>>
    tpu.enqueue_dma source(%dma_start3A_103 : memref<128x128xf32, #tpu.memory_space<vmem_shared>>) target(%arg11 : memref<128x128xf32, #tpu.memory_space<vmem>>) target_semaphore(%arg14 : memref<!tpu.dma_semaphore, #tpu.memory_space<semaphore_mem>>)
    %dma_wait3A_104 = arith.constant 0 : i32
    %dma_wait3A_105 = arith.constant 0 : i32
    %dma_wait3A_106 = tpu.memref_slice %arg12[%dma_wait3A_104, %dma_wait3A_105] : memref<10240x128xf32, #tpu.memory_space<vmem_shared>> -> memref<128x128xf32, #tpu.memory_space<vmem_shared>>
    %dma_wait3A_107 = arith.constant 0 : i32
    %dma_wait3A_108 = arith.constant 0 : i32
    %dma_wait3A_109 = tpu.memref_slice %arg12[%dma_wait3A_107, %dma_wait3A_108] : memref<10240x128xf32, #tpu.memory_space<vmem_shared>> -> memref<128x128xf32, #tpu.memory_space<vmem_shared>>
    tpu.wait_dma2 semaphore(%arg13 : memref<!tpu.dma_semaphore, #tpu.memory_space<semaphore_mem>>) src(%dma_wait3A_109 : memref<128x128xf32, #tpu.memory_space<vmem_shared>>) dst(%arg10 : memref<128x128xf32, #tpu.memory_space<vmem>>)
    %mul3A_110 = arith.constant 640 : i32
    %mul3A_111 = arith.muli %arg1, %mul3A_110 : i32
    %add3A_112 = arith.constant 0 : i32
    %add3A_113 = arith.addi %mul3A_111, %add3A_112 : i32
    %dma_start3A_114 = arith.constant 0 : i32
    %dma_start3A_115 = tpu.memref_slice %arg5[%arg0, %add3A_113, %dma_start3A_114] : memref<2x10240x128xf32, #tpu.memory_space<hbm>> -> memref<1x128x128xf32, #tpu.memory_space<hbm>>
    %dma_start3A_116 = tpu.memref_squeeze %dma_start3A_115 : memref<1x128x128xf32, #tpu.memory_space<hbm>> -> memref<128x128xf32, #tpu.memory_space<hbm>>
    %dma_start3A_117 = arith.constant 0 : i32
    %dma_start3A_118 = tpu.memref_slice %arg5[%arg0, %add3A_113, %dma_start3A_117] : memref<2x10240x128xf32, #tpu.memory_space<hbm>> -> memref<1x128x128xf32, #tpu.memory_space<hbm>>
    %dma_start3A_119 = tpu.memref_squeeze %dma_start3A_118 : memref<1x128x128xf32, #tpu.memory_space<hbm>> -> memref<128x128xf32, #tpu.memory_space<hbm>>
    tpu.enqueue_dma source(%arg10 : memref<128x128xf32, #tpu.memory_space<vmem>>) target(%dma_start3A_119 : memref<128x128xf32, #tpu.memory_space<hbm>>) target_semaphore(%arg15 : memref<!tpu.dma_semaphore, #tpu.memory_space<semaphore_mem>>)
    %dma_wait3A_120 = arith.constant 0 : i32
    %dma_wait3A_121 = arith.constant 0 : i32
    %dma_wait3A_122 = arith.constant 0 : i32
    %dma_wait3A_123 = tpu.memref_slice %arg5[%dma_wait3A_120, %dma_wait3A_121, %dma_wait3A_122] : memref<2x10240x128xf32, #tpu.memory_space<hbm>> -> memref<1x128x128xf32, #tpu.memory_space<hbm>>
    %dma_wait3A_124 = tpu.memref_squeeze %dma_wait3A_123 : memref<1x128x128xf32, #tpu.memory_space<hbm>> -> memref<128x128xf32, #tpu.memory_space<hbm>>
    %dma_wait3A_125 = arith.constant 0 : i32
    %dma_wait3A_126 = arith.constant 0 : i32
    %dma_wait3A_127 = tpu.memref_slice %arg5[%dma_wait3A_120, %dma_wait3A_125, %dma_wait3A_126] : memref<2x10240x128xf32, #tpu.memory_space<hbm>> -> memref<1x128x128xf32, #tpu.memory_space<hbm>>
    %dma_wait3A_128 = tpu.memref_squeeze %dma_wait3A_127 : memref<1x128x128xf32, #tpu.memory_space<hbm>> -> memref<128x128xf32, #tpu.memory_space<hbm>>
    tpu.wait_dma2 semaphore(%arg15 : memref<!tpu.dma_semaphore, #tpu.memory_space<semaphore_mem>>) src(%arg10 : memref<128x128xf32, #tpu.memory_space<vmem>>) dst(%dma_wait3A_128 : memref<128x128xf32, #tpu.memory_space<hbm>>)
    %mul3A_129 = arith.constant 640 : i32
    %mul3A_130 = arith.muli %arg1, %mul3A_129 : i32
    %add3A_131 = arith.constant 256 : i32
    %add3A_132 = arith.addi %mul3A_130, %add3A_131 : i32
    %dma_start3A_133 = arith.constant 0 : i32
    %dma_start3A_134 = tpu.memref_slice %arg12[%add3A_132, %dma_start3A_133] : memref<10240x128xf32, #tpu.memory_space<vmem_shared>> -> memref<128x128xf32, #tpu.memory_space<vmem_shared>>
    %dma_start3A_135 = arith.constant 0 : i32
    %dma_start3A_136 = tpu.memref_slice %arg12[%add3A_132, %dma_start3A_135] : memref<10240x128xf32, #tpu.memory_space<vmem_shared>> -> memref<128x128xf32, #tpu.memory_space<vmem_shared>>
    tpu.enqueue_dma source(%dma_start3A_136 : memref<128x128xf32, #tpu.memory_space<vmem_shared>>) target(%arg10 : memref<128x128xf32, #tpu.memory_space<vmem>>) target_semaphore(%arg13 : memref<!tpu.dma_semaphore, #tpu.memory_space<semaphore_mem>>)
    %dma_wait3A_137 = arith.constant 0 : i32
    %dma_wait3A_138 = arith.constant 0 : i32
    %dma_wait3A_139 = tpu.memref_slice %arg12[%dma_wait3A_137, %dma_wait3A_138] : memref<10240x128xf32, #tpu.memory_space<vmem_shared>> -> memref<128x128xf32, #tpu.memory_space<vmem_shared>>
    %dma_wait3A_140 = arith.constant 0 : i32
    %dma_wait3A_141 = arith.constant 0 : i32
    %dma_wait3A_142 = tpu.memref_slice %arg12[%dma_wait3A_140, %dma_wait3A_141] : memref<10240x128xf32, #tpu.memory_space<vmem_shared>> -> memref<128x128xf32, #tpu.memory_space<vmem_shared>>
    tpu.wait_dma2 semaphore(%arg14 : memref<!tpu.dma_semaphore, #tpu.memory_space<semaphore_mem>>) src(%dma_wait3A_142 : memref<128x128xf32, #tpu.memory_space<vmem_shared>>) dst(%arg11 : memref<128x128xf32, #tpu.memory_space<vmem>>)
    %mul3A_143 = arith.constant 640 : i32
    %mul3A_144 = arith.muli %arg1, %mul3A_143 : i32
    %add3A_145 = arith.constant 128 : i32
    %add3A_146 = arith.addi %mul3A_144, %add3A_145 : i32
    %dma_start3A_147 = arith.constant 0 : i32
    %dma_start3A_148 = tpu.memref_slice %arg5[%arg0, %add3A_146, %dma_start3A_147] : memref<2x10240x128xf32, #tpu.memory_space<hbm>> -> memref<1x128x128xf32, #tpu.memory_space<hbm>>
    %dma_start3A_149 = tpu.memref_squeeze %dma_start3A_148 : memref<1x128x128xf32, #tpu.memory_space<hbm>> -> memref<128x128xf32, #tpu.memory_space<hbm>>
    %dma_start3A_150 = arith.constant 0 : i32
    %dma_start3A_151 = tpu.memref_slice %arg5[%arg0, %add3A_146, %dma_start3A_150] : memref<2x10240x128xf32, #tpu.memory_space<hbm>> -> memref<1x128x128xf32, #tpu.memory_space<hbm>>
    %dma_start3A_152 = tpu.memref_squeeze %dma_start3A_151 : memref<1x128x128xf32, #tpu.memory_space<hbm>> -> memref<128x128xf32, #tpu.memory_space<hbm>>
    tpu.enqueue_dma source(%arg11 : memref<128x128xf32, #tpu.memory_space<vmem>>) target(%dma_start3A_152 : memref<128x128xf32, #tpu.memory_space<hbm>>) target_semaphore(%arg16 : memref<!tpu.dma_semaphore, #tpu.memory_space<semaphore_mem>>)
    %dma_wait3A_153 = arith.constant 0 : i32
    %dma_wait3A_154 = arith.constant 0 : i32
    %dma_wait3A_155 = arith.constant 0 : i32
    %dma_wait3A_156 = tpu.memref_slice %arg5[%dma_wait3A_153, %dma_wait3A_154, %dma_wait3A_155] : memref<2x10240x128xf32, #tpu.memory_space<hbm>> -> memref<1x128x128xf32, #tpu.memory_space<hbm>>
    %dma_wait3A_157 = tpu.memref_squeeze %dma_wait3A_156 : memref<1x128x128xf32, #tpu.memory_space<hbm>> -> memref<128x128xf32, #tpu.memory_space<hbm>>
    %dma_wait3A_158 = arith.constant 0 : i32
    %dma_wait3A_159 = arith.constant 0 : i32
    %dma_wait3A_160 = tpu.memref_slice %arg5[%dma_wait3A_153, %dma_wait3A_158, %dma_wait3A_159] : memref<2x10240x128xf32, #tpu.memory_space<hbm>> -> memref<1x128x128xf32, #tpu.memory_space<hbm>>
    %dma_wait3A_161 = tpu.memref_squeeze %dma_wait3A_160 : memref<1x128x128xf32, #tpu.memory_space<hbm>> -> memref<128x128xf32, #tpu.memory_space<hbm>>
    tpu.wait_dma2 semaphore(%arg16 : memref<!tpu.dma_semaphore, #tpu.memory_space<semaphore_mem>>) src(%arg11 : memref<128x128xf32, #tpu.memory_space<vmem>>) dst(%dma_wait3A_161 : memref<128x128xf32, #tpu.memory_space<hbm>>)
    %mul3A_162 = arith.constant 640 : i32
    %mul3A_163 = arith.muli %arg1, %mul3A_162 : i32
    %add3A_164 = arith.constant 384 : i32
    %add3A_165 = arith.addi %mul3A_163, %add3A_164 : i32
    %dma_start3A_166 = arith.constant 0 : i32
    %dma_start3A_167 = tpu.memref_slice %arg12[%add3A_165, %dma_start3A_166] : memref<10240x128xf32, #tpu.memory_space<vmem_shared>> -> memref<128x128xf32, #tpu.memory_space<vmem_shared>>
    %dma_start3A_168 = arith.constant 0 : i32
    %dma_start3A_169 = tpu.memref_slice %arg12[%add3A_165, %dma_start3A_168] : memref<10240x128xf32, #tpu.memory_space<vmem_shared>> -> memref<128x128xf32, #tpu.memory_space<vmem_shared>>
    tpu.enqueue_dma source(%dma_start3A_169 : memref<128x128xf32, #tpu.memory_space<vmem_shared>>) target(%arg11 : memref<128x128xf32, #tpu.memory_space<vmem>>) target_semaphore(%arg14 : memref<!tpu.dma_semaphore, #tpu.memory_space<semaphore_mem>>)
    %dma_wait3A_170 = arith.constant 0 : i32
    %dma_wait3A_171 = arith.constant 0 : i32
    %dma_wait3A_172 = tpu.memref_slice %arg12[%dma_wait3A_170, %dma_wait3A_171] : memref<10240x128xf32, #tpu.memory_space<vmem_shared>> -> memref<128x128xf32, #tpu.memory_space<vmem_shared>>
    %dma_wait3A_173 = arith.constant 0 : i32
    %dma_wait3A_174 = arith.constant 0 : i32
    %dma_wait3A_175 = tpu.memref_slice %arg12[%dma_wait3A_173, %dma_wait3A_174] : memref<10240x128xf32, #tpu.memory_space<vmem_shared>> -> memref<128x128xf32, #tpu.memory_space<vmem_shared>>
    tpu.wait_dma2 semaphore(%arg13 : memref<!tpu.dma_semaphore, #tpu.memory_space<semaphore_mem>>) src(%dma_wait3A_175 : memref<128x128xf32, #tpu.memory_space<vmem_shared>>) dst(%arg10 : memref<128x128xf32, #tpu.memory_space<vmem>>)
    %mul3A_176 = arith.constant 640 : i32
    %mul3A_177 = arith.muli %arg1, %mul3A_176 : i32
    %add3A_178 = arith.constant 256 : i32
    %add3A_179 = arith.addi %mul3A_177, %add3A_178 : i32
    %dma_start3A_180 = arith.constant 0 : i32
    %dma_start3A_181 = tpu.memref_slice %arg5[%arg0, %add3A_179, %dma_start3A_180] : memref<2x10240x128xf32, #tpu.memory_space<hbm>> -> memref<1x128x128xf32, #tpu.memory_space<hbm>>
    %dma_start3A_182 = tpu.memref_squeeze %dma_start3A_181 : memref<1x128x128xf32, #tpu.memory_space<hbm>> -> memref<128x128xf32, #tpu.memory_space<hbm>>
    %dma_start3A_183 = arith.constant 0 : i32
    %dma_start3A_184 = tpu.memref_slice %arg5[%arg0, %add3A_179, %dma_start3A_183] : memref<2x10240x128xf32, #tpu.memory_space<hbm>> -> memref<1x128x128xf32, #tpu.memory_space<hbm>>
    %dma_start3A_185 = tpu.memref_squeeze %dma_start3A_184 : memref<1x128x128xf32, #tpu.memory_space<hbm>> -> memref<128x128xf32, #tpu.memory_space<hbm>>
    tpu.enqueue_dma source(%arg10 : memref<128x128xf32, #tpu.memory_space<vmem>>) target(%dma_start3A_185 : memref<128x128xf32, #tpu.memory_space<hbm>>) target_semaphore(%arg15 : memref<!tpu.dma_semaphore, #tpu.memory_space<semaphore_mem>>)
    %dma_wait3A_186 = arith.constant 0 : i32
    %dma_wait3A_187 = arith.constant 0 : i32
    %dma_wait3A_188 = arith.constant 0 : i32
    %dma_wait3A_189 = tpu.memref_slice %arg5[%dma_wait3A_186, %dma_wait3A_187, %dma_wait3A_188] : memref<2x10240x128xf32, #tpu.memory_space<hbm>> -> memref<1x128x128xf32, #tpu.memory_space<hbm>>
    %dma_wait3A_190 = tpu.memref_squeeze %dma_wait3A_189 : memref<1x128x128xf32, #tpu.memory_space<hbm>> -> memref<128x128xf32, #tpu.memory_space<hbm>>
    %dma_wait3A_191 = arith.constant 0 : i32
    %dma_wait3A_192 = arith.constant 0 : i32
    %dma_wait3A_193 = tpu.memref_slice %arg5[%dma_wait3A_186, %dma_wait3A_191, %dma_wait3A_192] : memref<2x10240x128xf32, #tpu.memory_space<hbm>> -> memref<1x128x128xf32, #tpu.memory_space<hbm>>
    %dma_wait3A_194 = tpu.memref_squeeze %dma_wait3A_193 : memref<1x128x128xf32, #tpu.memory_space<hbm>> -> memref<128x128xf32, #tpu.memory_space<hbm>>
    tpu.wait_dma2 semaphore(%arg15 : memref<!tpu.dma_semaphore, #tpu.memory_space<semaphore_mem>>) src(%arg10 : memref<128x128xf32, #tpu.memory_space<vmem>>) dst(%dma_wait3A_194 : memref<128x128xf32, #tpu.memory_space<hbm>>)
    %mul3A_195 = arith.constant 640 : i32
    %mul3A_196 = arith.muli %arg1, %mul3A_195 : i32
    %add3A_197 = arith.constant 512 : i32
    %add3A_198 = arith.addi %mul3A_196, %add3A_197 : i32
    %dma_start3A_199 = arith.constant 0 : i32
    %dma_start3A_200 = tpu.memref_slice %arg12[%add3A_198, %dma_start3A_199] : memref<10240x128xf32, #tpu.memory_space<vmem_shared>> -> memref<128x128xf32, #tpu.memory_space<vmem_shared>>
    %dma_start3A_201 = arith.constant 0 : i32
    %dma_start3A_202 = tpu.memref_slice %arg12[%add3A_198, %dma_start3A_201] : memref<10240x128xf32, #tpu.memory_space<vmem_shared>> -> memref<128x128xf32, #tpu.memory_space<vmem_shared>>
    tpu.enqueue_dma source(%dma_start3A_202 : memref<128x128xf32, #tpu.memory_space<vmem_shared>>) target(%arg10 : memref<128x128xf32, #tpu.memory_space<vmem>>) target_semaphore(%arg13 : memref<!tpu.dma_semaphore, #tpu.memory_space<semaphore_mem>>)
    %dma_wait3A_203 = arith.constant 0 : i32
    %dma_wait3A_204 = arith.constant 0 : i32
    %dma_wait3A_205 = tpu.memref_slice %arg12[%dma_wait3A_203, %dma_wait3A_204] : memref<10240x128xf32, #tpu.memory_space<vmem_shared>> -> memref<128x128xf32, #tpu.memory_space<vmem_shared>>
    %dma_wait3A_206 = arith.constant 0 : i32
    %dma_wait3A_207 = arith.constant 0 : i32
    %dma_wait3A_208 = tpu.memref_slice %arg12[%dma_wait3A_206, %dma_wait3A_207] : memref<10240x128xf32, #tpu.memory_space<vmem_shared>> -> memref<128x128xf32, #tpu.memory_space<vmem_shared>>
    tpu.wait_dma2 semaphore(%arg14 : memref<!tpu.dma_semaphore, #tpu.memory_space<semaphore_mem>>) src(%dma_wait3A_208 : memref<128x128xf32, #tpu.memory_space<vmem_shared>>) dst(%arg11 : memref<128x128xf32, #tpu.memory_space<vmem>>)
    %mul3A_209 = arith.constant 640 : i32
    %mul3A_210 = arith.muli %arg1, %mul3A_209 : i32
    %add3A_211 = arith.constant 384 : i32
    %add3A_212 = arith.addi %mul3A_210, %add3A_211 : i32
    %dma_start3A_213 = arith.constant 0 : i32
    %dma_start3A_214 = tpu.memref_slice %arg5[%arg0, %add3A_212, %dma_start3A_213] : memref<2x10240x128xf32, #tpu.memory_space<hbm>> -> memref<1x128x128xf32, #tpu.memory_space<hbm>>
    %dma_start3A_215 = tpu.memref_squeeze %dma_start3A_214 : memref<1x128x128xf32, #tpu.memory_space<hbm>> -> memref<128x128xf32, #tpu.memory_space<hbm>>
    %dma_start3A_216 = arith.constant 0 : i32
    %dma_start3A_217 = tpu.memref_slice %arg5[%arg0, %add3A_212, %dma_start3A_216] : memref<2x10240x128xf32, #tpu.memory_space<hbm>> -> memref<1x128x128xf32, #tpu.memory_space<hbm>>
    %dma_start3A_218 = tpu.memref_squeeze %dma_start3A_217 : memref<1x128x128xf32, #tpu.memory_space<hbm>> -> memref<128x128xf32, #tpu.memory_space<hbm>>
    tpu.enqueue_dma source(%arg11 : memref<128x128xf32, #tpu.memory_space<vmem>>) target(%dma_start3A_218 : memref<128x128xf32, #tpu.memory_space<hbm>>) target_semaphore(%arg16 : memref<!tpu.dma_semaphore, #tpu.memory_space<semaphore_mem>>)
    %dma_wait3A_219 = arith.constant 0 : i32
    %dma_wait3A_220 = arith.constant 0 : i32
    %dma_wait3A_221 = tpu.memref_slice %arg12[%dma_wait3A_219, %dma_wait3A_220] : memref<10240x128xf32, #tpu.memory_space<vmem_shared>> -> memref<128x128xf32, #tpu.memory_space<vmem_shared>>
    %dma_wait3A_222 = arith.constant 0 : i32
    %dma_wait3A_223 = arith.constant 0 : i32
    %dma_wait3A_224 = tpu.memref_slice %arg12[%dma_wait3A_222, %dma_wait3A_223] : memref<10240x128xf32, #tpu.memory_space<vmem_shared>> -> memref<128x128xf32, #tpu.memory_space<vmem_shared>>
    tpu.wait_dma2 semaphore(%arg13 : memref<!tpu.dma_semaphore, #tpu.memory_space<semaphore_mem>>) src(%dma_wait3A_224 : memref<128x128xf32, #tpu.memory_space<vmem_shared>>) dst(%arg10 : memref<128x128xf32, #tpu.memory_space<vmem>>)
    %mul3A_225 = arith.constant 640 : i32
    %mul3A_226 = arith.muli %arg1, %mul3A_225 : i32
    %add3A_227 = arith.constant 512 : i32
    %add3A_228 = arith.addi %mul3A_226, %add3A_227 : i32
    %dma_start3A_229 = arith.constant 0 : i32
    %dma_start3A_230 = tpu.memref_slice %arg5[%arg0, %add3A_228, %dma_start3A_229] : memref<2x10240x128xf32, #tpu.memory_space<hbm>> -> memref<1x128x128xf32, #tpu.memory_space<hbm>>
    %dma_start3A_231 = tpu.memref_squeeze %dma_start3A_230 : memref<1x128x128xf32, #tpu.memory_space<hbm>> -> memref<128x128xf32, #tpu.memory_space<hbm>>
    %dma_start3A_232 = arith.constant 0 : i32
    %dma_start3A_233 = tpu.memref_slice %arg5[%arg0, %add3A_228, %dma_start3A_232] : memref<2x10240x128xf32, #tpu.memory_space<hbm>> -> memref<1x128x128xf32, #tpu.memory_space<hbm>>
    %dma_start3A_234 = tpu.memref_squeeze %dma_start3A_233 : memref<1x128x128xf32, #tpu.memory_space<hbm>> -> memref<128x128xf32, #tpu.memory_space<hbm>>
    tpu.enqueue_dma source(%arg10 : memref<128x128xf32, #tpu.memory_space<vmem>>) target(%dma_start3A_234 : memref<128x128xf32, #tpu.memory_space<hbm>>) target_semaphore(%arg15 : memref<!tpu.dma_semaphore, #tpu.memory_space<semaphore_mem>>)
    %dma_wait3A_235 = arith.constant 0 : i32
    %dma_wait3A_236 = arith.constant 0 : i32
    %dma_wait3A_237 = arith.constant 0 : i32
    %dma_wait3A_238 = tpu.memref_slice %arg5[%dma_wait3A_235, %dma_wait3A_236, %dma_wait3A_237] : memref<2x10240x128xf32, #tpu.memory_space<hbm>> -> memref<1x128x128xf32, #tpu.memory_space<hbm>>
    %dma_wait3A_239 = tpu.memref_squeeze %dma_wait3A_238 : memref<1x128x128xf32, #tpu.memory_space<hbm>> -> memref<128x128xf32, #tpu.memory_space<hbm>>
    %dma_wait3A_240 = arith.constant 0 : i32
    %dma_wait3A_241 = arith.constant 0 : i32
    %dma_wait3A_242 = tpu.memref_slice %arg5[%dma_wait3A_235, %dma_wait3A_240, %dma_wait3A_241] : memref<2x10240x128xf32, #tpu.memory_space<hbm>> -> memref<1x128x128xf32, #tpu.memory_space<hbm>>
    %dma_wait3A_243 = tpu.memref_squeeze %dma_wait3A_242 : memref<1x128x128xf32, #tpu.memory_space<hbm>> -> memref<128x128xf32, #tpu.memory_space<hbm>>
    tpu.wait_dma2 semaphore(%arg15 : memref<!tpu.dma_semaphore, #tpu.memory_space<semaphore_mem>>) src(%arg10 : memref<128x128xf32, #tpu.memory_space<vmem>>) dst(%dma_wait3A_243 : memref<128x128xf32, #tpu.memory_space<hbm>>)
    %dma_wait3A_244 = arith.constant 0 : i32
    %dma_wait3A_245 = arith.constant 0 : i32
    %dma_wait3A_246 = arith.constant 0 : i32
    %dma_wait3A_247 = tpu.memref_slice %arg5[%dma_wait3A_244, %dma_wait3A_245, %dma_wait3A_246] : memref<2x10240x128xf32, #tpu.memory_space<hbm>> -> memref<1x128x128xf32, #tpu.memory_space<hbm>>
    %dma_wait3A_248 = tpu.memref_squeeze %dma_wait3A_247 : memref<1x128x128xf32, #tpu.memory_space<hbm>> -> memref<128x128xf32, #tpu.memory_space<hbm>>
    %dma_wait3A_249 = arith.constant 0 : i32
    %dma_wait3A_250 = arith.constant 0 : i32
    %dma_wait3A_251 = tpu.memref_slice %arg5[%dma_wait3A_244, %dma_wait3A_249, %dma_wait3A_250] : memref<2x10240x128xf32, #tpu.memory_space<hbm>> -> memref<1x128x128xf32, #tpu.memory_space<hbm>>
    %dma_wait3A_252 = tpu.memref_squeeze %dma_wait3A_251 : memref<1x128x128xf32, #tpu.memory_space<hbm>> -> memref<128x128xf32, #tpu.memory_space<hbm>>
    tpu.wait_dma2 semaphore(%arg16 : memref<!tpu.dma_semaphore, #tpu.memory_space<semaphore_mem>>) src(%arg11 : memref<128x128xf32, #tpu.memory_space<vmem>>) dst(%dma_wait3A_252 : memref<128x128xf32, #tpu.memory_space<hbm>>)
    return
  }
}

module attributes {stable_mosaic.version = 14 : i64} {
  func.func @_mm_scale_body(%arg0: i32, %arg1: memref<1024x128xf32, #tpu.memory_space<vmem>>, %arg2: memref<128x128xf32, #tpu.memory_space<vmem>>, %arg3: memref<1024x1xf32, #tpu.memory_space<vmem>>, %arg4: memref<1024x128xf32, #tpu.memory_space<vmem>>) attributes {dimension_semantics = [#tpu.dimension_semantics<arbitrary>], iteration_bounds = array<i64: 10>, scalar_prefetch = 0 : i64, scratch_operands = 0 : i64, tpu.core_type = #tpu.core_type<tc>, window_params = [{transform_indices = @transform_0, window_bounds = array<i64: 1024, 128>}, {pipeline_mode = #tpu.pipeline_mode<synchronous>, transform_indices = @transform_1, window_bounds = array<i64: 128, 128>}, {transform_indices = @transform_2, window_bounds = array<i64: 1024, 1>}, {transform_indices = @transform_3, window_bounds = array<i64: 1024, 128>}]} {
    %get3A = arith.constant 0 : index
    %get3A_0 = arith.constant 0 : index
    %get3A_1 = vector.load %arg3[%get3A, %get3A_0] : memref<1024x1xf32, #tpu.memory_space<vmem>>, vector<1024x1xf32>
    %get3A_2 = arith.constant 0 : index
    %get3A_3 = arith.constant 0 : index
    %get3A_4 = vector.load %arg1[%get3A_2, %get3A_3] : memref<1024x128xf32, #tpu.memory_space<vmem>>, vector<1024x128xf32>
    %get3A_5 = arith.constant 0 : index
    %get3A_6 = arith.constant 0 : index
    %get3A_7 = vector.load %arg2[%get3A_5, %get3A_6] : memref<128x128xf32, #tpu.memory_space<vmem>>, vector<128x128xf32>
    %dot_general3A = arith.constant dense<0.000000e+00> : vector<1024x128xf32>
    %dot_general3A_8 = tpu.matmul %get3A_4, %get3A_7, %dot_general3A {dimension_numbers = #tpu.dot_dimension_numbers<[1], [0], [0], [1], [0, 0, 1, 1], [], []>, transpose_lhs_hint = false} : vector<1024x128xf32>, vector<128x128xf32>, vector<1024x128xf32> -> vector<1024x128xf32>
    %mul3A = vector.broadcast %get3A_1 : vector<1024x1xf32> to vector<1024x128xf32>
    %mul3A_9 = arith.mulf %mul3A, %dot_general3A_8 : vector<1024x128xf32>
    %swap3A = arith.constant 0 : index
    %swap3A_10 = arith.constant 0 : index
    %swap3A_11 = vector.load %arg4[%swap3A, %swap3A_10] : memref<1024x128xf32, #tpu.memory_space<vmem>>, vector<1024x128xf32>
    tpu.vector_store %arg4[%swap3A, %swap3A_10], %mul3A_9 {strides = array<i32>} : memref<1024x128xf32, #tpu.memory_space<vmem>>, vector<1024x128xf32>,
    return
  }
  func.func @transform_0(%arg0: i32) -> (i32, i32) {
    %c0_i32 = arith.constant 0 : i32
    %c0_i32_0 = arith.constant 0 : i32
    return %arg0, %c0_i32 : i32, i32
  }
  func.func @transform_1(%arg0: i32) -> (i32, i32) {
    %c0_i32 = arith.constant 0 : i32
    %c0_i32_0 = arith.constant 0 : i32
    %c0_i32_1 = arith.constant 0 : i32
    return %c0_i32, %c0_i32_0 : i32, i32
  }
  func.func @transform_2(%arg0: i32) -> (i32, i32) {
    %c0_i32 = arith.constant 0 : i32
    %c0_i32_0 = arith.constant 0 : i32
    return %arg0, %c0_i32 : i32, i32
  }
  func.func @transform_3(%arg0: i32) -> (i32, i32) {
    %c0_i32 = arith.constant 0 : i32
    %c0_i32_0 = arith.constant 0 : i32
    return %arg0, %c0_i32 : i32, i32
  }
}

module attributes {stable_mosaic.version = 14 : i64} {
  func.func @_mid_body(%arg0: i32, %arg1: memref<1024x128xf32, #tpu.memory_space<vmem>>, %arg2: memref<1024x128xf32, #tpu.memory_space<vmem>>, %arg3: memref<1024x128xf32, #tpu.memory_space<vmem>>, %arg4: memref<1024x1xf32, #tpu.memory_space<vmem>>, %arg5: memref<1x128xf32, #tpu.memory_space<vmem>>, %arg6: memref<128x128xf32, #tpu.memory_space<vmem>>, %arg7: memref<1024x128xf32, #tpu.memory_space<vmem>>) attributes {dimension_semantics = [#tpu.dimension_semantics<arbitrary>], iteration_bounds = array<i64: 10>, scalar_prefetch = 0 : i64, scratch_operands = 0 : i64, tpu.core_type = #tpu.core_type<tc>, window_params = [{transform_indices = @transform_0, window_bounds = array<i64: 1024, 128>}, {transform_indices = @transform_1, window_bounds = array<i64: 1024, 128>}, {transform_indices = @transform_2, window_bounds = array<i64: 1024, 128>}, {transform_indices = @transform_3, window_bounds = array<i64: 1024, 1>}, {pipeline_mode = #tpu.pipeline_mode<synchronous>, transform_indices = @transform_4, window_bounds = array<i64: 1, 128>}, {pipeline_mode = #tpu.pipeline_mode<synchronous>, transform_indices = @transform_5, window_bounds = array<i64: 128, 128>}, {transform_indices = @transform_6, window_bounds = array<i64: 1024, 128>}]} {
    %get3A = arith.constant 0 : index
    %get3A_0 = arith.constant 0 : index
    %get3A_1 = vector.load %arg4[%get3A, %get3A_0] : memref<1024x1xf32, #tpu.memory_space<vmem>>, vector<1024x1xf32>
    %get3A_2 = arith.constant 0 : index
    %get3A_3 = arith.constant 0 : index
    %get3A_4 = vector.load %arg1[%get3A_2, %get3A_3] : memref<1024x128xf32, #tpu.memory_space<vmem>>, vector<1024x128xf32>
    %get3A_5 = arith.constant 0 : index
    %get3A_6 = arith.constant 0 : index
    %get3A_7 = vector.load %arg2[%get3A_5, %get3A_6] : memref<1024x128xf32, #tpu.memory_space<vmem>>, vector<1024x128xf32>
    %add3A = arith.addf %get3A_4, %get3A_7 : vector<1024x128xf32>
    %get3A_8 = arith.constant 0 : index
    %get3A_9 = arith.constant 0 : index
    %get3A_10 = vector.load %arg3[%get3A_8, %get3A_9] : memref<1024x128xf32, #tpu.memory_space<vmem>>, vector<1024x128xf32>
    %add3A_11 = arith.addf %add3A, %get3A_10 : vector<1024x128xf32>
    %mul3A = vector.broadcast %get3A_1 : vector<1024x1xf32> to vector<1024x128xf32>
    %mul3A_12 = arith.mulf %mul3A, %add3A_11 : vector<1024x128xf32>
    %get3A_13 = arith.constant 0 : index
    %get3A_14 = arith.constant 0 : index
    %get3A_15 = vector.load %arg5[%get3A_13, %get3A_14] : memref<1x128xf32, #tpu.memory_space<vmem>>, vector<1x128xf32>
    %add3A_16 = vector.broadcast %get3A_15 : vector<1x128xf32> to vector<1024x128xf32>
    %add3A_17 = arith.addf %mul3A_12, %add3A_16 : vector<1024x128xf32>
    %max3A = arith.constant 0.000000e+00 : f32
    %max3A_18 = vector.broadcast %max3A : f32 to vector<1024x128xf32>
    %max3A_19 = arith.maximumf %add3A_17, %max3A_18 : vector<1024x128xf32>
    %get3A_20 = arith.constant 0 : index
    %get3A_21 = arith.constant 0 : index
    %get3A_22 = vector.load %arg4[%get3A_20, %get3A_21] : memref<1024x1xf32, #tpu.memory_space<vmem>>, vector<1024x1xf32>
    %get3A_23 = arith.constant 0 : index
    %get3A_24 = arith.constant 0 : index
    %get3A_25 = vector.load %arg6[%get3A_23, %get3A_24] : memref<128x128xf32, #tpu.memory_space<vmem>>, vector<128x128xf32>
    %dot_general3A = arith.constant dense<0.000000e+00> : vector<1024x128xf32>
    %dot_general3A_26 = tpu.matmul %max3A_19, %get3A_25, %dot_general3A {dimension_numbers = #tpu.dot_dimension_numbers<[1], [0], [0], [1], [0, 0, 1, 1], [], []>, transpose_lhs_hint = false} : vector<1024x128xf32>, vector<128x128xf32>, vector<1024x128xf32> -> vector<1024x128xf32>
    %mul3A_27 = vector.broadcast %get3A_22 : vector<1024x1xf32> to vector<1024x128xf32>
    %mul3A_28 = arith.mulf %mul3A_27, %dot_general3A_26 : vector<1024x128xf32>
    %swap3A = arith.constant 0 : index
    %swap3A_29 = arith.constant 0 : index
    %swap3A_30 = vector.load %arg7[%swap3A, %swap3A_29] : memref<1024x128xf32, #tpu.memory_space<vmem>>, vector<1024x128xf32>
    tpu.vector_store %arg7[%swap3A, %swap3A_29], %mul3A_28 {strides = array<i32>} : memref<1024x128xf32, #tpu.memory_space<vmem>>, vector<1024x128xf32>,
    return
  }
  func.func @transform_0(%arg0: i32) -> (i32, i32) {
    %c0_i32 = arith.constant 0 : i32
    %c0_i32_0 = arith.constant 0 : i32
    return %arg0, %c0_i32 : i32, i32
  }
  func.func @transform_1(%arg0: i32) -> (i32, i32) {
    %c0_i32 = arith.constant 0 : i32
    %c0_i32_0 = arith.constant 0 : i32
    return %arg0, %c0_i32 : i32, i32
  }
  func.func @transform_2(%arg0: i32) -> (i32, i32) {
    %c0_i32 = arith.constant 0 : i32
    %c0_i32_0 = arith.constant 0 : i32
    return %arg0, %c0_i32 : i32, i32
  }
  func.func @transform_3(%arg0: i32) -> (i32, i32) {
    %c0_i32 = arith.constant 0 : i32
    %c0_i32_0 = arith.constant 0 : i32
    return %arg0, %c0_i32 : i32, i32
  }
  func.func @transform_4(%arg0: i32) -> (i32, i32) {
    %c0_i32 = arith.constant 0 : i32
    %c0_i32_0 = arith.constant 0 : i32
    %c0_i32_1 = arith.constant 0 : i32
    return %c0_i32, %c0_i32_0 : i32, i32
  }
  func.func @transform_5(%arg0: i32) -> (i32, i32) {
    %c0_i32 = arith.constant 0 : i32
    %c0_i32_0 = arith.constant 0 : i32
    %c0_i32_1 = arith.constant 0 : i32
    return %c0_i32, %c0_i32_0 : i32, i32
  }
  func.func @transform_6(%arg0: i32) -> (i32, i32) {
    %c0_i32 = arith.constant 0 : i32
    %c0_i32_0 = arith.constant 0 : i32
    return %arg0, %c0_i32 : i32, i32
  }
}

module attributes {stable_mosaic.version = 14 : i64} {
  func.func @_final_body(%arg0: i32, %arg1: memref<1024x128xf32, #tpu.memory_space<vmem>>, %arg2: memref<1024x128xf32, #tpu.memory_space<vmem>>, %arg3: memref<1024x128xf32, #tpu.memory_space<vmem>>, %arg4: memref<1024x1xf32, #tpu.memory_space<vmem>>, %arg5: memref<1x128xf32, #tpu.memory_space<vmem>>, %arg6: memref<1024x128xf32, #tpu.memory_space<vmem>>) attributes {dimension_semantics = [#tpu.dimension_semantics<arbitrary>], iteration_bounds = array<i64: 10>, scalar_prefetch = 0 : i64, scratch_operands = 0 : i64, tpu.core_type = #tpu.core_type<tc>, window_params = [{transform_indices = @transform_0, window_bounds = array<i64: 1024, 128>}, {transform_indices = @transform_1, window_bounds = array<i64: 1024, 128>}, {transform_indices = @transform_2, window_bounds = array<i64: 1024, 128>}, {transform_indices = @transform_3, window_bounds = array<i64: 1024, 1>}, {pipeline_mode = #tpu.pipeline_mode<synchronous>, transform_indices = @transform_4, window_bounds = array<i64: 1, 128>}, {transform_indices = @transform_5, window_bounds = array<i64: 1024, 128>}]} {
    %get3A = arith.constant 0 : index
    %get3A_0 = arith.constant 0 : index
    %get3A_1 = vector.load %arg4[%get3A, %get3A_0] : memref<1024x1xf32, #tpu.memory_space<vmem>>, vector<1024x1xf32>
    %get3A_2 = arith.constant 0 : index
    %get3A_3 = arith.constant 0 : index
    %get3A_4 = vector.load %arg1[%get3A_2, %get3A_3] : memref<1024x128xf32, #tpu.memory_space<vmem>>, vector<1024x128xf32>
    %get3A_5 = arith.constant 0 : index
    %get3A_6 = arith.constant 0 : index
    %get3A_7 = vector.load %arg2[%get3A_5, %get3A_6] : memref<1024x128xf32, #tpu.memory_space<vmem>>, vector<1024x128xf32>
    %add3A = arith.addf %get3A_4, %get3A_7 : vector<1024x128xf32>
    %get3A_8 = arith.constant 0 : index
    %get3A_9 = arith.constant 0 : index
    %get3A_10 = vector.load %arg3[%get3A_8, %get3A_9] : memref<1024x128xf32, #tpu.memory_space<vmem>>, vector<1024x128xf32>
    %add3A_11 = arith.addf %add3A, %get3A_10 : vector<1024x128xf32>
    %mul3A = vector.broadcast %get3A_1 : vector<1024x1xf32> to vector<1024x128xf32>
    %mul3A_12 = arith.mulf %mul3A, %add3A_11 : vector<1024x128xf32>
    %get3A_13 = arith.constant 0 : index
    %get3A_14 = arith.constant 0 : index
    %get3A_15 = vector.load %arg5[%get3A_13, %get3A_14] : memref<1x128xf32, #tpu.memory_space<vmem>>, vector<1x128xf32>
    %add3A_16 = vector.broadcast %get3A_15 : vector<1x128xf32> to vector<1024x128xf32>
    %add3A_17 = arith.addf %mul3A_12, %add3A_16 : vector<1024x128xf32>
    %swap3A = arith.constant 0 : index
    %swap3A_18 = arith.constant 0 : index
    %swap3A_19 = vector.load %arg6[%swap3A, %swap3A_18] : memref<1024x128xf32, #tpu.memory_space<vmem>>, vector<1024x128xf32>
    tpu.vector_store %arg6[%swap3A, %swap3A_18], %add3A_17 {strides = array<i32>} : memref<1024x128xf32, #tpu.memory_space<vmem>>, vector<1024x128xf32>,
    return
  }
  func.func @transform_0(%arg0: i32) -> (i32, i32) {
    %c0_i32 = arith.constant 0 : i32
    %c0_i32_0 = arith.constant 0 : i32
    return %arg0, %c0_i32 : i32, i32
  }
  func.func @transform_1(%arg0: i32) -> (i32, i32) {
    %c0_i32 = arith.constant 0 : i32
    %c0_i32_0 = arith.constant 0 : i32
    return %arg0, %c0_i32 : i32, i32
  }
  func.func @transform_2(%arg0: i32) -> (i32, i32) {
    %c0_i32 = arith.constant 0 : i32
    %c0_i32_0 = arith.constant 0 : i32
    return %arg0, %c0_i32 : i32, i32
  }
  func.func @transform_3(%arg0: i32) -> (i32, i32) {
    %c0_i32 = arith.constant 0 : i32
    %c0_i32_0 = arith.constant 0 : i32
    return %arg0, %c0_i32 : i32, i32
  }
  func.func @transform_4(%arg0: i32) -> (i32, i32) {
    %c0_i32 = arith.constant 0 : i32
    %c0_i32_0 = arith.constant 0 : i32
    %c0_i32_1 = arith.constant 0 : i32
    return %c0_i32, %c0_i32_0 : i32, i32
  }
  func.func @transform_5(%arg0: i32) -> (i32, i32) {
    %c0_i32 = arith.constant 0 : i32
    %c0_i32_0 = arith.constant 0 : i32
    return %arg0, %c0_i32 : i32, i32
  }
}

</mosaic_0001>

<sc_bundles>
// kernel: kernel.11.cloned.1.call-start
scs
__scs_entry_jumppad:
0x0: {  	(pc) =	sbr.rel $0x88, $3  }
0x1: {  	(tag) =	ssettag $0x0;
	lr =	simm.s32 $0x1  }
0x2: {  	[smem:$0x3F9B] =	sst lr;
	_ =	strace $0xD0000000  }
0x3: {  	_ = 	snop  }
0x4: {  	_ = 	snop  }
0x5: {  	_ = 	snop  }
0x6: {  	_ = 	snop  }
0x7: {  	_ = 	snop  }
__scs_overlays_trampoline_lowered:
0x8: {  	[smem:$0x3FAA] =	sst s0  }
0x9: {  	[smem:$0x3FAB] =	sst s1  }
0xa: {  	[smem:$0x3FAC] =	sst s2  }
0xb: {  	[smem:$0x3FAD] =	sst s3  }
0xc: {  	[smem:$0x3FAE] =	sst s4  }
0xd: {  	[smem:$0x3FAF] =	sst s5  }
0xe: {  	[smem:$0x3FB0] =	sst s6  }
0xf: {  	[smem:$0x3FB1] =	sst s7  }
0x10: {  	[smem:$0x3FB2] =	sst s8  }
0x11: {  	[smem:$0x3FB3] =	sst s9;
	s0 =	simm.s32 @!p0 $0x0  }
0x12: {  	s1 =	sld [smem:$0x3F99];
	s0 =	simm.s32 @p0 $0x1  }
0x13: {  	[smem:$0x3FB4] =	sst s0;
	s0 =	simm.s32 @!p1 $0x0  }
0x14: {  	s2 =	sld [smem:$0x3F98];
	s0 =	simm.s32 @p1 $0x1  }
0x15: {  	[smem:$0x3FB5] =	sst s0;
	s0 =	simm.s32 @!p2 $0x0  }
0x16: {  	s3 =	sld [smem:$0x3FDB];
	s0 =	simm.s32 @p2 $0x1  }
0x17: {  	s4 =	simm.s32 $0x1BF5;
	[smem:$0x3FB7] =	sst s0  }
0x18: {  	s0 =	sld [smem:$0x3F9A];
	_ =	swait.ge [sflag:s4], $0x0  }
0x19: {  	s7 =	sld [smem:$0x3F9B]  }
0x1a: {  	s8 =	sadd.s32 $0xFFFFE003, lr  }
0x1b: {  	s9 =	sadd.s32 $0xFFFFFEF7, lr;
	s5 =	simm.s32 $0xFFFFFFFF;
	p2 =	slt.u32 s8, $0xFFFFF086  }
0x1c: {  	p1 =	slt.u32 s9, $0xF7A;
	s5 =	simm.s32 @!p2 $0x0  }
0x1d: {  	s5 =	simm.s32 @p1 $0x1;
	p0 =	seq.s32 s7, s2  }
0x1e: {  	s7 =	smul.u32 @!p0 $0xF7A, s2;
	p2 =	seq.s32 @!p0 s5, $0x0  }
0x1f: {  	s9 =	smul.u32 $0xF7A, s1;
	s8 =	simm.s32 @!p0 $0x1BF5;
	p2 =	por !p2, p0  }
0x20: {  	[sflag:s8] =	ssyncset.s32 @!p0 $0xFFFFF086;
	s6 =	sadd.s32 @!p0 s3, s7;
	s7 =	simm.s32 @!p0 $0x108  }
0x21: {  	s3 =	sadd.s32 s3, s9;
	s6 =	sadd.s32 @!p0 $0x88, s6;
	s7 =	simm.s32 @p2 $0x1082  }
0x22: {  	[simem:s7], [sflag:s8] =	dma.local @!p0 [hbm:s6], $0xF7A  }
0x23: {  	s9 =	sor.u32 $0xD0000000, s2;
	s6 =	simm.s32 $0x108;
	_ =	swait.ge @!p0 [sflag:s8], $0x0  }
0x24: {  	s3 =	sadd.s32 $0x88, s3;
	s6 =	simm.s32 @!p1 $0x1082;
	[sflag:s4] =	ssyncset.s32 $0xFFFFF086  }
0x25: {  	[simem:s6], [sflag:s4] =	dma.local [hbm:s3], $0xF7A  }
0x26: {  	[smem:$0x3F9B] =	sst s1;
	(tag) =	ssettag s2;
	_ =	strace s9  }
0x27: {  	s1 =	sld [smem:$0x3FAB]  }
0x28: {  	s2 =	sld [smem:$0x3FAC]  }
0x29: {  	s4 =	sld [smem:$0x3FAE]  }
0x2a: {  	p0 =	seq.s32 s5, $0x0;
	s5 =	sld [smem:$0x3FAF]  }
0x2b: {  	s6 =	sld [smem:$0x3FB0]  }
0x2c: {  	s7 =	sld [smem:$0x3FB1]  }
0x2d: {  	s3 =	simm.s32 $0x108;
	s8 =	sld [smem:$0x3FB2]  }
0x2e: {  	s3 =	simm.s32 @!p0 $0x1082;
	s9 =	sld [smem:$0x3FB3]  }
0x2f: {  	lr =	sadd.s32 s0, s3;
	s0 =	sld [smem:$0x3FAA]  }
0x30: {  	s3 =	sld [smem:$0x3FAD]  }
0x31: {  	[smem:$0x3FB6] =	sst s10  }
0x32: {  	s10 =	sld [smem:$0x3FB4];
	_ =	sdelay $0x3  }
0x33: {  	p0 =	seq.s32 s10, $0x1;
	s10 =	sld [smem:$0x3FB6];
	_ =	sdelay $0x3  }
0x34: {  	[smem:$0x3FB6] =	sst s10  }
0x35: {  	s10 =	sld [smem:$0x3FB5];
	_ =	sdelay $0x3  }
0x36: {  	p1 =	seq.s32 s10, $0x1;
	s10 =	sld [smem:$0x3FB6];
	_ =	sdelay $0x3  }
0x37: {  	[smem:$0x3FB6] =	sst s10  }
0x38: {  	s10 =	sld [smem:$0x3FB7]  }
0x39: {  	_ = 	snop;
	(pc) =	sbr.ind lr, $3  }
0x3a: {  	_ = 	snop  }
0x3b: {  	_ = 	snop  }
0x3c: {  	p2 =	seq.s32 s10, $0x1;
	s10 =	sld [smem:$0x3FB6]  }
0x3d: {  	_ =	shalt  }
0x3e: {  	_ =	shalt  }
0x3f: {  	_ =	shalt  }
0x40: {  	_ =	shalt  }
0x41: {  	_ =	shalt  }
0x42: {  	_ =	shalt  }
0x43: {  	_ =	shalt  }
0x44: {  	_ =	shalt  }
0x45: {  	_ =	shalt  }
0x46: {  	_ =	shalt  }
0x47: {  	_ =	shalt  }
0x48: {  	_ =	shalt  }
0x49: {  	_ =	shalt  }
0x4a: {  	_ =	shalt  }
0x4b: {  	_ =	shalt  }
0x4c: {  	_ =	shalt  }
0x4d: {  	_ =	shalt  }
0x4e: {  	_ =	shalt  }
0x4f: {  	_ =	shalt  }
0x50: {  	_ =	shalt  }
0x51: {  	_ =	shalt  }
0x52: {  	_ =	shalt  }
0x53: {  	_ =	shalt  }
0x54: {  	_ =	shalt  }
0x55: {  	_ =	shalt  }
0x56: {  	_ =	shalt  }
0x57: {  	_ =	shalt  }
0x58: {  	_ =	shalt  }
0x59: {  	_ =	shalt  }
0x5a: {  	_ =	shalt  }
0x5b: {  	_ =	shalt  }
0x5c: {  	_ =	shalt  }
0x5d: {  	_ =	shalt  }
0x5e: {  	_ =	shalt  }
0x5f: {  	_ =	shalt  }
0x60: {  	_ =	shalt  }
0x61: {  	_ =	shalt  }
0x62: {  	_ =	shalt  }
0x63: {  	_ =	shalt  }
0x64: {  	_ =	shalt  }
0x65: {  	_ =	shalt  }
0x66: {  	_ =	shalt  }
0x67: {  	_ =	shalt  }
0x68: {  	_ =	shalt  }
0x69: {  	_ =	shalt  }
0x6a: {  	_ =	shalt  }
0x6b: {  	_ =	shalt  }
0x6c: {  	_ =	shalt  }
0x6d: {  	_ =	shalt  }
0x6e: {  	_ =	shalt  }
0x6f: {  	_ =	shalt  }
0x70: {  	_ =	shalt  }
0x71: {  	_ =	shalt  }
0x72: {  	_ =	shalt  }
0x73: {  	_ =	shalt  }
0x74: {  	_ =	shalt  }
0x75: {  	_ =	shalt  }
0x76: {  	_ =	shalt  }
0x77: {  	_ =	shalt  }
0x78: {  	_ =	shalt  }
0x79: {  	_ =	shalt  }
0x7a: {  	_ =	shalt  }
0x7b: {  	_ =	shalt  }
0x7c: {  	_ =	shalt  }
0x7d: {  	_ =	shalt  }
0x7e: {  	_ =	shalt  }
0x7f: {  	_ =	shalt  }
0x80: {  	_ =	shalt  }
0x81: {  	_ =	shalt  }
0x82: {  	_ =	shalt  }
0x83: {  	_ =	shalt  }
0x84: {  	_ =	shalt  }
0x85: {  	_ =	shalt  }
0x86: {  	_ =	shalt  }
0x87: {  	_ =	shalt  }
.Lfunc_end0:
.L_simem_size_0:
called_computation.1_lowered:
.L_overlay_start_0:
0x88: {  	s2 =	sld [smem:$0x3FD9]  }
0x89: {  	s3 =	sld [smem:$0x3FFE];
	_ =	sdelay $0x1  }
0x8a: {  	s1 =	srdreg.scid  }
0x8b: {  	s0 =	sand.u32 $0x1, s1  }
0x8c: {  	s17 =	sshll.u32 s0, $0xA;
	s2 =	sadd.s32 s3, s2  }
0x8d: {  	s2 =	sadd.s32 s2, s17  }
0x8e: {  	[smem:$0x3FC2] =	sst s2  }
0x8f: {  	_ = 	snop  }
0x90: {  	s2 =	sld [smem:$0x3FD0];
	(tm) =	ssettm $0x1  }
0x91: {  	s18 =	sld [smem:$0x3FFB];
	_ =	sdelay $0x3  }
0x92: {  	_ =	strace s18  }
0x93: {  	s3 =	sld [smem:$0x3FFC];
	_ =	sdelay $0x3  }
0x94: {  	_ =	strace s3  }
0x95: {  	s3 =	sld [smem:$0x3FFD];
	_ =	sdelay $0x3  }
0x96: {  	_ =	strace s3  }
0x97: {  	_ =	strace $0x8FFFFFFF  }
0x98: {  	s19 =	sld [smem:$0x3FDB];
	_ =	sdelay $0x1  }
0x99: {  	s4 =	simm.s32 $_scs_section_size  }
0x9a: {  	s5 =	simm.s32 $_size__tile_overlayer_lowered;
	s6 =	simm.s32 $_tile_overlayer_lowered  }
0x9b: {  	s22 =	simm.s32 $0x1BFF;
	s21 =	sshll.u32 s6, $0x1;
	s3 =	sadd.s32 s4, s19  }
0x9c: {  	s7 =	simm.s32 $0x0;
	s20 =	sshll.u32 s5, $0x1;
	s5 =	sadd.s32 s21, s3  }
0x9d: {  	[timem:s7], [sflag:s22] =	dma.local [hbm:s5], s20  }
0x9e: {  	_ =	swait.ge [sflag:s22], s20  }
0x9f: {  	s4 =	ssub.s32 $0x0, s20;
	[sflag:s22] =	ssyncset.done $0x0  }
0xa0: {  	[sflag:s22] =	ssyncadd.s32 s4;
	_ =	sdelay $0x1  }
0xa1: {  	s23 =	simm.s32 $0x1B8B  }
0xa2: {  	_ =	swait.ge [sflag:s23], $0x1  }
0xa3: {  	[sflag:s23] =	ssyncset.done $0x0  }
0xa4: {  	s25 =	simm.s32 $0x1B8E;
	s24 =	sld [smem:$0x3FFE];
	[sflag:s23] =	ssyncadd.s32 $0xFFFFFFFF  }
0xa5: {  	s26 =	simm.s32 $execute0_lowered;
	[smem:$0x3FD2] =	sst s25  }
0xa6: {  	s5 =	sshll.u32 s26, $0x1;
	_ =	strace $0x80000049;
	[dreg:$0x1] =	wrdreg $0xFFFFFFFF  }
0xa7: {  	s28 =	simm.s32 $_size_execute0_lowered;
	s3 =	sadd.s32 s3, s5;
	[dreg:$0x0] =	wrdreg $0x0  }
0xa8: {  	s5 =	sshll.u32 s28, $0x1;
	[dreg:$0x2] =	wrdreg s3  }
0xa9: {  	[dreg:$0x3] =	wrdreg s5  }
0xaa: {  	[dreg:$0x4] =	wrdreg $0xC0  }
0xab: {  	_ =	task [dreg:s7], $0x5FFFF  }
0xac: {  	[dreg:$0x1] =	wrdreg $0xFFFFFFFF  }
0xad: {  	[dreg:$0x0] =	wrdreg $0x60  }
0xae: {  	[dreg:$0x2] =	wrdreg s24  }
0xaf: {  	[dreg:$0x3] =	wrdreg s2  }
0xb0: {  	[dreg:$0x4] =	wrdreg $0x82000  }
0xb1: {  	[dreg:$0x5] =	wrdreg $0x9  }
0xb2: {  	_ =	task.clear_ibuf [dreg:s7], $0x6FFFF;
	_ =	strace $0x90000049  }
0xb3: {  	s29 =	simm.s32 $0x9;
	_ =	strace $0x8000004B  }
0xb4: {  	_ =	swait.ge [sflag:s29], $0x1  }
0xb5: {  	[sflag:s29] =	ssyncadd.s32 $0xFFFFFFFF  }
0xb6: {  	_ =	strace $0x9000004B  }
0xb7: {  	_ =	sfence  }
0xb8: {  	s30 =	sld [smem:$0x0];
	_ =	sdelay $0x2  }
0xb9: {  	s31 =	sshll.u32 s1, $0xD;
	s1 =	sshrl.u32 s1, $0x2  }
0xba: {  	s3 =	sand.u32 $0x4000, s31;
	s1 =	sadd.s32 s1, s30  }
0xbb: {  	s0 =	sor.u32 s3, s0;
	s1 =	sshll.u32 s1, $0x11  }
0xbc: {  	s0 =	sor.u32 s1, s0  }
0xbd: {  	s0 =	sadd.s32 $0x8F2B, s0  }
0xbe: {  	[sflag:s0] =	ssyncadd.remote.s32 $0x1  }
0xbf: {  	_ =	sfence.sel $0xFFFF  }
0xc0: {  	[dreg:$0x0] =	wrdreg $0xFFFFFFFF;
	(pc) =	sbr.abs _section_cstart, $3  }
0xc1: {  	[dreg:$0x1] =	wrdreg $0xFFFFFFFF  }
0xc2: {  	_ =	task.clear_ibuf [dreg:s7], $0x2FFFF;
	_ =	strace $0x9FFFFFFF  }
0xc3: {  	(tm) =	ssettm $0x7FFFFFFF  }
tec
execute0_lowered:
.L_overlay_start_1:
0x0: {  	(tag) =	ssettag $0x1  }
0x1: {  	s0 =	rddreg [dreg:$0x0]  }
0x2: {  	s2 =	rddreg [dreg:$0x1]  }
0x3: {  	s1 =	rddreg [dreg:$0x2]  }
0x4: {  	s3 =	simm.s32 $0x0;
	s4 =	srdreg.scid;
	s20 =	stileid.u32  }
0x5: {  	s28 =	simm.s32 $0x80;
	s29 =	simm.s32 $0x100;
	s30 =	simm.s32 $0x180  }
0x6: {  	s31 =	simm.s32 $0x4200;
	[smem:$0x7FF] =	sst s3;
	s10 =	sand.u32 $0x1, s4  }
0x7: {  	s4 =	sadd.s32 $0x35200, s0;
	s6 =	smul.u32 $0x50000, s20;
	s11 =	sadd.s32 $0x3200, s0  }
0x8: {  	s0 =	sadd.s32 $0x5D200, s0;
	s12 =	smul.u32 $0x14000, s20;
	_ =	strace $0x8000004A  }
0x9: {  	s5 =	ssub.s32 $0x2, s10;
	s8 =	sshll.u32 s10, $0x4;
	s19 =	smul.u32 $0x140000, s10  }
0xa: {  	s10 =	smul.u32 $0x28000, s10;
	s7 =	sshrl.u32 s5, $0x1;
	s6 =	sshrl.u32 s6, $0x2  }
0xb: {  	s24 =	sor.u32 s20, s8;
	s14 =	sadd.s32 $0x4000, s12;
	s16 =	sadd.s32 $0x8000, s12  }
0xc: {  	s17 =	sadd.s32 $0xC000, s12;
	s18 =	sadd.s32 $0x10000, s12;
	s20 =	smul.u32 $0x2800, s20  }
0xd: {  	s13 =	ssub.s32 s5, s7;
	s5 =	sadd.s32 s6, s1;
	s8 =	smul.u32 $0x2800, s24  }
0xe: {  	s6 =	sadd.s32 s14, s1;
	s7 =	sadd.s32 s16, s1;
	s9 =	sadd.s32 s18, s1  }
0xf: {  	s12 =	sadd.s32 s12, s19;
	s14 =	sadd.s32 s19, s14;
	s22 =	sadd.s32 s19, s17  }
0x10: {  	s24 =	sadd.s32 s19, s18;
	s12 =	sshrl.u32 s12, $0x3;
	s23 =	sshrl.u32 s22, $0x3  }
0x11: {  	s10 =	sadd.s32 s20, s10;
	s15 =	sshrl.u32 s8, $0x3;
	s12 =	sadd.s32 s0, s12  }
0x12: {  	s8 =	sadd.s32 s17, s1;
	s21 =	sadd.s32 s11, s15;
	[dreg:$0x8] =	wrdreg s12  }
0x13: {  	s25 =	sadd.s32 s2, s15;
	s15 =	sor.u32 $0x10, s15;
	[dreg:$0x4] =	wrdreg s21  }
0x14: {  	s17 =	sadd.s32 s0, s23;
	[dreg:$0x5] =	wrdreg s25;
	s26 =	sadd.s32 s11, s15  }
0x15: {  	s15 =	sadd.s32 s2, s15;
	s21 =	sadd.s32 s19, s16;
	s25 =	sshrl.u32 s24, $0x3  }
0x16: {  	s19 =	smax.u32 s13, $0x1;
	s24 =	simm.s32 $0x200;
	[dreg:$0x6] =	wrdreg s26  }
0x17: {  	[dreg:$0x7] =	wrdreg s15;
	s15 =	sshrl.u32 s14, $0x3;
	s18 =	sadd.s32 s0, s25  }
0x18: {  	s26 =	sor.u32 $0x180, s10;
	s10 =	sor.u32 $0x100, s10;
	s12 =	sadd.s32 s0, s15  }
0x19: {  	s25 =	simm.s32 $0x3;
	s10 =	sshrl.u32 s10, $0x3;
	[dreg:$0x9] =	wrdreg s12  }
0x1a: {  	s12 =	sshrl.u32 s21, $0x3;
	s22 =	sadd.s32 s10, s2;
	s23 =	sadd.s32 s10, s11  }
0x1b: {  	s10 =	simm.s32 $0x4;
	s16 =	sadd.s32 s0, s12;
	s0 =	sshrl.u32 s26, $0x3  }
0x1c: {  	s26 =	simm.s32 $0x5;
	s20 =	sadd.s32 s0, s2;
	s21 =	sadd.s32 s0, s11  }
0x1d: {  	v0 =	vimm.f32 $0.0e+00;
	s0 =	simm.s32 $0x1;
	s2 =	simm.s32 $0x2;
	s11 =	simm.s32 $0x0  }
.LBB2_1:
0x1e: {  	s12 =	sand.u32 $0xFE00, s3  }
0x1f: {  	s13 =	sand.u32 $0x70, s3;
	s14 =	sshrl.u32 s12, $0x2  }
0x20: {  	s12 =	simm.s32 $0x40;
	s14 =	sor.u32 s13, s14;
	s13 =	simm.s32 $0x0  }
.LBB2_2:
0x21: {  	p0 =	sne.s32 s12, $0xFFC0  }
0x22: {  	[tilespmem:s14+$0x200] =	vst v0;
	s13 =	sadd.s32 $0x10, s13;
	s14 =	smov.u32 s12;
	s12 =	sadd.s32 $0x40, s12  }
.Ltmp0:
0x23: {  	(pc) =	sbr.rel @p0 .LBB2_2-.Ltmp0, $4  }
0x24: {  	_ = 	snop  }
0x25: {  	s14 =	sand.u32 $0xFE00, s14  }
0x26: {  	s15 =	sand.u32 $0x70, s13;
	s14 =	sshrl.u32 s14, $0x2  }
0x27: {  	s14 =	sor.u32 s15, s14  }
0x28: {  	[tilespmem:s14+$0x200] =	vst v0  }
0x29: {  	[spmem:s5] =	stream.linear.scatter [tilespmem:s24], [sflag:$0x3], $0x4000, $0x38;
	[tilespmem:$0x1C200] =	vst v63  }
0x2a: {  	_ = 	snop  }
0x2b: {  	[spmem:s6] =	stream.linear.scatter [tilespmem:s24], [sflag:$0x3], $0x4000, $0x38;
	[tilespmem:$0x1C200] =	vst v63  }
0x2c: {  	_ = 	snop  }
0x2d: {  	[spmem:s7] =	stream.linear.scatter [tilespmem:s24], [sflag:$0x3], $0x4000, $0x38;
	[tilespmem:$0x1C200] =	vst v63  }
0x2e: {  	_ = 	snop  }
0x2f: {  	[spmem:s8] =	stream.linear.scatter [tilespmem:s24], [sflag:$0x3], $0x4000, $0x38;
	[tilespmem:$0x1C200] =	vst v63  }
0x30: {  	_ = 	snop  }
0x31: {  	[spmem:s9] =	stream.linear.scatter [tilespmem:s24], [sflag:$0x3], $0x4000, $0x38;
	[tilespmem:$0x1C200] =	vst v63  }
0x32: {  	_ =	swait.ge [sflag:s25], $0x4000  }
0x33: {  	[sflag:s25] =	ssyncset.done $0x0  }
0x34: {  	[sflag:s25] =	ssyncadd.s32 $0xFFFFC000  }
0x35: {  	_ =	swait.ge [sflag:s25], $0x4000  }
0x36: {  	[sflag:s25] =	ssyncset.done $0x0  }
0x37: {  	[sflag:s25] =	ssyncadd.s32 $0xFFFFC000  }
0x38: {  	_ =	swait.ge [sflag:s25], $0x4000  }
0x39: {  	[sflag:s25] =	ssyncset.done $0x0  }
0x3a: {  	[sflag:s25] =	ssyncadd.s32 $0xFFFFC000  }
0x3b: {  	_ =	swait.ge [sflag:s25], $0x4000  }
0x3c: {  	[sflag:s25] =	ssyncset.done $0x0  }
0x3d: {  	[sflag:s25] =	ssyncadd.s32 $0xFFFFC000  }
0x3e: {  	_ =	swait.ge [sflag:s25], $0x4000  }
0x3f: {  	[sflag:s25] =	ssyncset.done $0x0  }
0x40: {  	[sflag:s25] =	ssyncadd.s32 $0xFFFFC000  }
0x41: {  	[bflag:$0x0] =	sbarrier.arrive $0xFFFF  }
0x42: {  	s12 =	simm.s32 $0x0;
	s13 =	rddreg [dreg:$0x4]  }
0x43: {  	[tilespmem:s12], [sflag:$0x5] =	stream.linear.gather [hbm4b:s13+s12], $0x80, $0x38;
	[tilespmem:$0x1C200] =	vst v63  }
0x44: {  	_ =	swait.ge [sflag:s26], $0x80  }
0x45: {  	[sflag:s26] =	ssyncset.done $0x0  }
0x46: {  	s14 =	rddreg [dreg:$0x5];
	[sflag:s26] =	ssyncadd.s32 $0xFFFFFF80  }
0x47: {  	[tilespmem:s28], [sflag:$0x5] =	stream.linear.gather [hbm4b:s14+s12], $0x80, $0x38;
	[tilespmem:$0x1C200] =	vst v63  }
0x48: {  	_ =	swait.ge [sflag:s26], $0x80  }
0x49: {  	[sflag:s26] =	ssyncset.done $0x0  }
0x4a: {  	[sflag:s26] =	ssyncadd.s32 $0xFFFFFF80  }
0x4b: {  	[tilespmem:s24], [sflag:$0x1] =	stream.indirect.gather [hbm4b:s4+s28], $0x80, s12, s28, $0xb8;
	[tilespmem:$0x1C200] =	vst v63  }
0x4c: {  	s15 =	rddreg [dreg:$0x6]  }
0x4d: {  	[tilespmem:s29], [sflag:$0x5] =	stream.linear.gather [hbm4b:s15+s12], $0x80, $0x38;
	[tilespmem:$0x1C200] =	vst v63  }
0x4e: {  	_ =	swait.ge [sflag:s26], $0x80  }
0x4f: {  	[sflag:s26] =	ssyncset.done $0x0  }
0x50: {  	s14 =	rddreg [dreg:$0x7];
	[sflag:s26] =	ssyncadd.s32 $0xFFFFFF80  }
0x51: {  	[tilespmem:s30], [sflag:$0x5] =	stream.linear.gather [hbm4b:s14+s12], $0x80, $0x38;
	[tilespmem:$0x1C200] =	vst v63  }
0x52: {  	_ =	swait.ge [sflag:s26], $0x80  }
0x53: {  	[sflag:s26] =	ssyncset.done $0x0  }
0x54: {  	[sflag:s26] =	ssyncadd.s32 $0xFFFFFF80  }
0x55: {  	[tilespmem:s31], [sflag:$0x2] =	stream.indirect.gather [hbm4b:s4+s28], $0x80, s29, s28, $0xb8;
	[tilespmem:$0x1C200] =	vst v63  }
0x56: {  	_ =	swait.ge [sflag:s0], $0x4000  }
0x57: {  	[sflag:s0] =	ssyncset.done $0x0  }
0x58: {  	[sflag:s0] =	ssyncadd.s32 $0xFFFFC000  }
0x59: {  	[spmem:s1] =	stream.indirect.scatter.add.f32 [tilespmem:s24], [sflag:$0x3], $0x80, s28, s28, $0xb8;
	[tilespmem:$0x1C200] =	vst v63  }
0x5a: {  	s15 =	sadd.s32 $0x0, s23  }
0x5b: {  	[tilespmem:s3], [sflag:$0x5] =	stream.linear.gather [hbm4b:s15+s3], $0x80, $0x38;
	[tilespmem:$0x1C200] =	vst v63  }
0x5c: {  	_ =	swait.ge [sflag:s26], $0x80  }
0x5d: {  	[sflag:s26] =	ssyncset.done $0x0  }
0x5e: {  	[sflag:s26] =	ssyncadd.s32 $0xFFFFFF80  }
0x5f: {  	_ =	swait.ge [sflag:s25], $0x4000  }
0x60: {  	[sflag:s25] =	ssyncset.done $0x0  }
0x61: {  	s13 =	sadd.s32 $0x0, s22;
	[sflag:s25] =	ssyncadd.s32 $0xFFFFC000  }
0x62: {  	[tilespmem:s28], [sflag:$0x5] =	stream.linear.gather [hbm4b:s13+s3], $0x80, $0x38;
	[tilespmem:$0x1C200] =	vst v63  }
0x63: {  	_ =	swait.ge [sflag:s26], $0x80  }
0x64: {  	[sflag:s26] =	ssyncset.done $0x0  }
0x65: {  	[sflag:s26] =	ssyncadd.s32 $0xFFFFFF80  }
0x66: {  	[tilespmem:s24], [sflag:$0x1] =	stream.indirect.gather [hbm4b:s4+s28], $0x80, s3, s28, $0xb8;
	[tilespmem:$0x1C200] =	vst v63  }
0x67: {  	_ =	swait.ge [sflag:s2], $0x4000  }
0x68: {  	[sflag:s2] =	ssyncset.done $0x0  }
0x69: {  	[sflag:s2] =	ssyncadd.s32 $0xFFFFC000  }
0x6a: {  	[spmem:s1] =	stream.indirect.scatter.add.f32 [tilespmem:s31], [sflag:$0x4], $0x80, s30, s28, $0xb8;
	[tilespmem:$0x1C200] =	vst v63  }
0x6b: {  	s14 =	sadd.s32 $0x0, s21  }
0x6c: {  	[tilespmem:s29], [sflag:$0x5] =	stream.linear.gather [hbm4b:s14+s3], $0x80, $0x38;
	[tilespmem:$0x1C200] =	vst v63  }
0x6d: {  	_ =	swait.ge [sflag:s26], $0x80  }
0x6e: {  	[sflag:s26] =	ssyncset.done $0x0  }
0x6f: {  	[sflag:s26] =	ssyncadd.s32 $0xFFFFFF80  }
0x70: {  	_ =	swait.ge [sflag:s10], $0x4000  }
0x71: {  	[sflag:s10] =	ssyncset.done $0x0  }
0x72: {  	s15 =	sadd.s32 $0x0, s20;
	[sflag:s10] =	ssyncadd.s32 $0xFFFFC000  }
0x73: {  	[tilespmem:s30], [sflag:$0x5] =	stream.linear.gather [hbm4b:s15+s3], $0x80, $0x38;
	[tilespmem:$0x1C200] =	vst v63  }
0x74: {  	_ =	swait.ge [sflag:s26], $0x80  }
0x75: {  	s12 =	simm.s32 $0x20;
	[sflag:s26] =	ssyncset.done $0x0  }
.LBB2_4:
0x76: {  	p0 =	sne.s32 s12, $0x4C0  }
0x77: {  	[sflag:s26] =	ssyncadd.s32 $0xFFFFFF80;
	s13 =	smov.u32 s12;
	s12 =	sadd.s32 $0x20, s12  }
0x78: {  	[tilespmem:s31], [sflag:$0x2] =	stream.indirect.gather [hbm4b:s4+s28], $0x80, s29, s28, $0xb8;
	[tilespmem:$0x1C200] =	vst v63  }
0x79: {  	_ =	swait.ge [sflag:s0], $0x4000  }
0x7a: {  	[sflag:s0] =	ssyncset.done $0x0  }
0x7b: {  	[sflag:s0] =	ssyncadd.s32 $0xFFFFC000  }
0x7c: {  	[spmem:s1] =	stream.indirect.scatter.add.f32 [tilespmem:s24], [sflag:$0x3], $0x80, s28, s28, $0xb8;
	[tilespmem:$0x1C200] =	vst v63  }
0x7d: {  	s14 =	sadd.s32 s13, s23  }
0x7e: {  	[tilespmem:s3], [sflag:$0x5] =	stream.linear.gather [hbm4b:s14+s3], $0x80, $0x38;
	[tilespmem:$0x1C200] =	vst v63  }
0x7f: {  	_ =	swait.ge [sflag:s26], $0x80  }
0x80: {  	[sflag:s26] =	ssyncset.done $0x0  }
0x81: {  	[sflag:s26] =	ssyncadd.s32 $0xFFFFFF80  }
0x82: {  	_ =	swait.ge [sflag:s25], $0x4000  }
0x83: {  	[sflag:s25] =	ssyncset.done $0x0  }
0x84: {  	s14 =	sadd.s32 s13, s22;
	[sflag:s25] =	ssyncadd.s32 $0xFFFFC000  }
0x85: {  	[tilespmem:s28], [sflag:$0x5] =	stream.linear.gather [hbm4b:s14+s3], $0x80, $0x38;
	[tilespmem:$0x1C200] =	vst v63  }
0x86: {  	_ =	swait.ge [sflag:s26], $0x80  }
0x87: {  	[sflag:s26] =	ssyncset.done $0x0  }
0x88: {  	[sflag:s26] =	ssyncadd.s32 $0xFFFFFF80  }
0x89: {  	[tilespmem:s24], [sflag:$0x1] =	stream.indirect.gather [hbm4b:s4+s28], $0x80, s3, s28, $0xb8;
	[tilespmem:$0x1C200] =	vst v63  }
0x8a: {  	_ =	swait.ge [sflag:s2], $0x4000  }
0x8b: {  	[sflag:s2] =	ssyncset.done $0x0  }
0x8c: {  	[sflag:s2] =	ssyncadd.s32 $0xFFFFC000  }
0x8d: {  	[spmem:s1] =	stream.indirect.scatter.add.f32 [tilespmem:s31], [sflag:$0x4], $0x80, s30, s28, $0xb8;
	[tilespmem:$0x1C200] =	vst v63  }
0x8e: {  	s14 =	sadd.s32 s13, s21  }
0x8f: {  	[tilespmem:s29], [sflag:$0x5] =	stream.linear.gather [hbm4b:s14+s3], $0x80, $0x38;
	[tilespmem:$0x1C200] =	vst v63  }
0x90: {  	_ =	swait.ge [sflag:s26], $0x80  }
0x91: {  	[sflag:s26] =	ssyncset.done $0x0  }
0x92: {  	[sflag:s26] =	ssyncadd.s32 $0xFFFFFF80  }
0x93: {  	_ =	swait.ge [sflag:s10], $0x4000  }
.Ltmp1:
0x94: {  	[sflag:s10] =	ssyncset.done $0x0;
	(pc) =	sbr.rel @p0 .LBB2_4-.Ltmp1, $4  }
0x95: {  	s13 =	sadd.s32 s13, s20;
	[sflag:s10] =	ssyncadd.s32 $0xFFFFC000  }
0x96: {  	[tilespmem:s30], [sflag:$0x5] =	stream.linear.gather [hbm4b:s13+s3], $0x80, $0x38;
	[tilespmem:$0x1C200] =	vst v63  }
0x97: {  	_ =	swait.ge [sflag:s26], $0x80  }
0x98: {  	[sflag:s26] =	ssyncset.done $0x0  }
0x99: {  	[sflag:s26] =	ssyncadd.s32 $0xFFFFFF80  }
0x9a: {  	[tilespmem:s31], [sflag:$0x2] =	stream.indirect.gather [hbm4b:s4+s28], $0x80, s29, s28, $0xb8;
	[tilespmem:$0x1C200] =	vst v63  }
0x9b: {  	_ =	swait.ge [sflag:s0], $0x4000  }
0x9c: {  	[sflag:s0] =	ssyncset.done $0x0  }
0x9d: {  	[sflag:s0] =	ssyncadd.s32 $0xFFFFC000  }
0x9e: {  	[spmem:s1] =	stream.indirect.scatter.add.f32 [tilespmem:s24], [sflag:$0x3], $0x80, s28, s28, $0xb8;
	[tilespmem:$0x1C200] =	vst v63  }
0x9f: {  	_ =	swait.ge [sflag:s25], $0x4000  }
0xa0: {  	[sflag:s25] =	ssyncset.done $0x0  }
0xa1: {  	[sflag:s25] =	ssyncadd.s32 $0xFFFFC000  }
0xa2: {  	_ =	swait.ge [sflag:s2], $0x4000  }
0xa3: {  	[sflag:s2] =	ssyncset.done $0x0  }
0xa4: {  	[sflag:s2] =	ssyncadd.s32 $0xFFFFC000  }
0xa5: {  	[spmem:s1] =	stream.indirect.scatter.add.f32 [tilespmem:s31], [sflag:$0x4], $0x80, s30, s28, $0xb8;
	[tilespmem:$0x1C200] =	vst v63  }
0xa6: {  	_ =	swait.ge [sflag:s10], $0x4000  }
0xa7: {  	[sflag:s10] =	ssyncset.done $0x0  }
0xa8: {  	[sflag:s10] =	ssyncadd.s32 $0xFFFFC000  }
0xa9: {  	[bflag:$0x0] =	sbarrier.arrive $0xFFFF  }
0xaa: {  	[tilespmem:s24], [sflag:$0x1] =	stream.linear.gather [spmem:s5], $0x4000, $0x38;
	[tilespmem:$0x1C200] =	vst v63  }
0xab: {  	_ = 	snop  }
0xac: {  	[tilespmem:s31], [sflag:$0x2] =	stream.linear.gather [spmem:s6], $0x4000, $0x38;
	[tilespmem:$0x1C200] =	vst v63  }
0xad: {  	_ =	swait.ge [sflag:s0], $0x4000  }
0xae: {  	[sflag:s0] =	ssyncset.done $0x0  }
0xaf: {  	s12 =	rddreg [dreg:$0x8];
	[sflag:s0] =	ssyncadd.s32 $0xFFFFC000  }
0xb0: {  	[hbm4b:s12+s3] =	stream.linear.scatter [tilespmem:s24], [sflag:$0x3], $0x4000, $0x38;
	[tilespmem:$0x1C200] =	vst v63  }
0xb1: {  	_ =	swait.ge [sflag:s25], $0x4000  }
0xb2: {  	[sflag:s25] =	ssyncset.done $0x0  }
0xb3: {  	[sflag:s25] =	ssyncadd.s32 $0xFFFFC000  }
0xb4: {  	[tilespmem:s24], [sflag:$0x1] =	stream.linear.gather [spmem:s7], $0x4000, $0x38;
	[tilespmem:$0x1C200] =	vst v63  }
0xb5: {  	_ =	swait.ge [sflag:s2], $0x4000  }
0xb6: {  	[sflag:s2] =	ssyncset.done $0x0  }
0xb7: {  	s15 =	rddreg [dreg:$0x9];
	[sflag:s2] =	ssyncadd.s32 $0xFFFFC000  }
0xb8: {  	[hbm4b:s15+s3] =	stream.linear.scatter [tilespmem:s31], [sflag:$0x4], $0x4000, $0x38;
	[tilespmem:$0x1C200] =	vst v63  }
0xb9: {  	_ =	swait.ge [sflag:s10], $0x4000  }
0xba: {  	[sflag:s10] =	ssyncset.done $0x0  }
0xbb: {  	[sflag:s10] =	ssyncadd.s32 $0xFFFFC000  }
0xbc: {  	[tilespmem:s31], [sflag:$0x2] =	stream.linear.gather [spmem:s8], $0x4000, $0x38;
	[tilespmem:$0x1C200] =	vst v63  }
0xbd: {  	_ =	swait.ge [sflag:s0], $0x4000  }
0xbe: {  	[sflag:s0] =	ssyncset.done $0x0  }
0xbf: {  	[sflag:s0] =	ssyncadd.s32 $0xFFFFC000  }
0xc0: {  	[hbm4b:s16+s3] =	stream.linear.scatter [tilespmem:s24], [sflag:$0x3], $0x4000, $0x38;
	[tilespmem:$0x1C200] =	vst v63  }
0xc1: {  	_ =	swait.ge [sflag:s25], $0x4000  }
0xc2: {  	[sflag:s25] =	ssyncset.done $0x0  }
0xc3: {  	[sflag:s25] =	ssyncadd.s32 $0xFFFFC000  }
0xc4: {  	[tilespmem:s24], [sflag:$0x1] =	stream.linear.gather [spmem:s9], $0x4000, $0x38;
	[tilespmem:$0x1C200] =	vst v63  }
0xc5: {  	_ =	swait.ge [sflag:s2], $0x4000  }
0xc6: {  	[sflag:s2] =	ssyncset.done $0x0  }
0xc7: {  	[sflag:s2] =	ssyncadd.s32 $0xFFFFC000  }
0xc8: {  	[hbm4b:s17+s3] =	stream.linear.scatter [tilespmem:s31], [sflag:$0x4], $0x4000, $0x38;
	[tilespmem:$0x1C200] =	vst v63  }
0xc9: {  	_ =	swait.ge [sflag:s0], $0x4000  }
0xca: {  	[sflag:s0] =	ssyncset.done $0x0  }
0xcb: {  	s11 =	sadd.s32 $0x1, s11;
	[sflag:s0] =	ssyncadd.s32 $0xFFFFC000  }
0xcc: {  	[hbm4b:s18+s3] =	stream.linear.scatter [tilespmem:s24], [sflag:$0x3], $0x4000, $0x38;
	[tilespmem:$0x1C200] =	vst v63  }
0xcd: {  	p0 =	sne.s32 s11, s19;
	_ =	swait.ge [sflag:s25], $0x4000  }
.Ltmp2:
0xce: {  	[sflag:s25] =	ssyncset.done $0x0;
	(pc) =	sbr.rel @p0 .LBB2_1-.Ltmp2, $4  }
0xcf: {  	[sflag:s25] =	ssyncadd.s32 $0xFFFFC000  }
0xd0: {  	_ =	swait.ge [sflag:s10], $0x4000  }
0xd1: {  	[sflag:s10] =	ssyncset.done $0x0  }
0xd2: {  	[sflag:s10] =	ssyncadd.s32 $0xFFFFC000  }
0xd3: {  	_ =	sfence.sel $0x180000  }
0xd4: {  	[bflag:$0x0] =	sbarrier.arrive $0xFFFF  }
0xd5: {  	_ =	strace $0x9000004A  }
0xd6: {  	s0 =	stileid.u32;
	[bflag:$0x2] =	sbarrier.arrive $0xFFFF  }
0xd7: {  	p0 =	sne.s32 s0, $0x0;
	s0 =	rddreg [dreg:$0x3]  }
0xd8: {  	s0 =	sadd.s32 @!p0 $0x100000, s0  }
0xd9: {  	[sflag:s0] =	ssyncadd.tile.s32 @!p0 $0x1;
	_ =	shalt  }
.Lfunc_end2:
_tile_overlayer_lowered:
.L_overlay_start_2:
0xda: {  	(tag) =	ssettag $0x2  }
0xdb: {  	s0 =	rddreg [dreg:$0x0];
	s2 =	stileid.u32  }
0xdc: {  	s1 =	rddreg [dreg:$0x1];
	p0 =	sne.s32 s2, $0x0  }
0xdd: {  	s3 =	rddreg [dreg:$0x2];
	[bflag:$0x3] =	sbarrier.arrive $0xFFFF;
	s2 =	simm.s32 @!p0 $0x1C05  }
0xde: {  	[timem:s3], [sflag:s2] =	dma.local @!p0 [hbm:s0], s1  }
0xdf: {  	s0 =	simm.s32 @!p0 $0x5  }
0xe0: {  	_ =	swait.ge @!p0 [sflag:s0], s1  }
0xe1: {  	s1 =	ssub.s32 @!p0 $0x0, s1;
	[sflag:s0] =	ssyncset.done @!p0 $0x0  }
0xe2: {  	[sflag:s0] =	ssyncadd.s32 @!p0 s1  }
0xe3: {  	[bflag:$0x3] =	sbarrier.arrive $0xFFFF  }
0xe4: {  	_ =	shalt  }

// kernel: kernel.14.cloned.1.call-start
scs
__scs_entry_jumppad:
0x0: {  	(pc) =	sbr.rel $0x88, $3  }
0x1: {  	(tag) =	ssettag $0x0;
	lr =	simm.s32 $0x1  }
0x2: {  	[smem:$0x3F9B] =	sst lr;
	_ =	strace $0xD0000000  }
0x3: {  	_ = 	snop  }
0x4: {  	_ = 	snop  }
0x5: {  	_ = 	snop  }
0x6: {  	_ = 	snop  }
0x7: {  	_ = 	snop  }
__scs_overlays_trampoline_lowered:
0x8: {  	[smem:$0x3FAA] =	sst s0  }
0x9: {  	[smem:$0x3FAB] =	sst s1  }
0xa: {  	[smem:$0x3FAC] =	sst s2  }
0xb: {  	[smem:$0x3FAD] =	sst s3  }
0xc: {  	[smem:$0x3FAE] =	sst s4  }
0xd: {  	[smem:$0x3FAF] =	sst s5  }
0xe: {  	[smem:$0x3FB0] =	sst s6  }
0xf: {  	[smem:$0x3FB1] =	sst s7  }
0x10: {  	[smem:$0x3FB2] =	sst s8  }
0x11: {  	[smem:$0x3FB3] =	sst s9;
	s0 =	simm.s32 @!p0 $0x0  }
0x12: {  	s1 =	sld [smem:$0x3F99];
	s0 =	simm.s32 @p0 $0x1  }
0x13: {  	[smem:$0x3FB4] =	sst s0;
	s0 =	simm.s32 @!p1 $0x0  }
0x14: {  	s2 =	sld [smem:$0x3F98];
	s0 =	simm.s32 @p1 $0x1  }
0x15: {  	[smem:$0x3FB5] =	sst s0;
	s0 =	simm.s32 @!p2 $0x0  }
0x16: {  	s3 =	sld [smem:$0x3FDB];
	s0 =	simm.s32 @p2 $0x1  }
0x17: {  	s4 =	simm.s32 $0x1BF5;
	[smem:$0x3FB7] =	sst s0  }
0x18: {  	s0 =	sld [smem:$0x3F9A];
	_ =	swait.ge [sflag:s4], $0x0  }
0x19: {  	s7 =	sld [smem:$0x3F9B]  }
0x1a: {  	s8 =	sadd.s32 $0xFFFFE003, lr  }
0x1b: {  	s9 =	sadd.s32 $0xFFFFFEF7, lr;
	s5 =	simm.s32 $0xFFFFFFFF;
	p2 =	slt.u32 s8, $0xFFFFF086  }
0x1c: {  	p1 =	slt.u32 s9, $0xF7A;
	s5 =	simm.s32 @!p2 $0x0  }
0x1d: {  	s5 =	simm.s32 @p1 $0x1;
	p0 =	seq.s32 s7, s2  }
0x1e: {  	s7 =	smul.u32 @!p0 $0xF7A, s2;
	p2 =	seq.s32 @!p0 s5, $0x0  }
0x1f: {  	s9 =	smul.u32 $0xF7A, s1;
	s8 =	simm.s32 @!p0 $0x1BF5;
	p2 =	por !p2, p0  }
0x20: {  	[sflag:s8] =	ssyncset.s32 @!p0 $0xFFFFF086;
	s6 =	sadd.s32 @!p0 s3, s7;
	s7 =	simm.s32 @!p0 $0x108  }
0x21: {  	s3 =	sadd.s32 s3, s9;
	s6 =	sadd.s32 @!p0 $0x88, s6;
	s7 =	simm.s32 @p2 $0x1082  }
0x22: {  	[simem:s7], [sflag:s8] =	dma.local @!p0 [hbm:s6], $0xF7A  }
0x23: {  	s9 =	sor.u32 $0xD0000000, s2;
	s6 =	simm.s32 $0x108;
	_ =	swait.ge @!p0 [sflag:s8], $0x0  }
0x24: {  	s3 =	sadd.s32 $0x88, s3;
	s6 =	simm.s32 @!p1 $0x1082;
	[sflag:s4] =	ssyncset.s32 $0xFFFFF086  }
0x25: {  	[simem:s6], [sflag:s4] =	dma.local [hbm:s3], $0xF7A  }
0x26: {  	[smem:$0x3F9B] =	sst s1;
	(tag) =	ssettag s2;
	_ =	strace s9  }
0x27: {  	s1 =	sld [smem:$0x3FAB]  }
0x28: {  	s2 =	sld [smem:$0x3FAC]  }
0x29: {  	s4 =	sld [smem:$0x3FAE]  }
0x2a: {  	p0 =	seq.s32 s5, $0x0;
	s5 =	sld [smem:$0x3FAF]  }
0x2b: {  	s6 =	sld [smem:$0x3FB0]  }
0x2c: {  	s7 =	sld [smem:$0x3FB1]  }
0x2d: {  	s3 =	simm.s32 $0x108;
	s8 =	sld [smem:$0x3FB2]  }
0x2e: {  	s3 =	simm.s32 @!p0 $0x1082;
	s9 =	sld [smem:$0x3FB3]  }
0x2f: {  	lr =	sadd.s32 s0, s3;
	s0 =	sld [smem:$0x3FAA]  }
0x30: {  	s3 =	sld [smem:$0x3FAD]  }
0x31: {  	[smem:$0x3FB6] =	sst s10  }
0x32: {  	s10 =	sld [smem:$0x3FB4];
	_ =	sdelay $0x3  }
0x33: {  	p0 =	seq.s32 s10, $0x1;
	s10 =	sld [smem:$0x3FB6];
	_ =	sdelay $0x3  }
0x34: {  	[smem:$0x3FB6] =	sst s10  }
0x35: {  	s10 =	sld [smem:$0x3FB5];
	_ =	sdelay $0x3  }
0x36: {  	p1 =	seq.s32 s10, $0x1;
	s10 =	sld [smem:$0x3FB6];
	_ =	sdelay $0x3  }
0x37: {  	[smem:$0x3FB6] =	sst s10  }
0x38: {  	s10 =	sld [smem:$0x3FB7]  }
0x39: {  	_ = 	snop;
	(pc) =	sbr.ind lr, $3  }
0x3a: {  	_ = 	snop  }
0x3b: {  	_ = 	snop  }
0x3c: {  	p2 =	seq.s32 s10, $0x1;
	s10 =	sld [smem:$0x3FB6]  }
0x3d: {  	_ =	shalt  }
0x3e: {  	_ =	shalt  }
0x3f: {  	_ =	shalt  }
0x40: {  	_ =	shalt  }
0x41: {  	_ =	shalt  }
0x42: {  	_ =	shalt  }
0x43: {  	_ =	shalt  }
0x44: {  	_ =	shalt  }
0x45: {  	_ =	shalt  }
0x46: {  	_ =	shalt  }
0x47: {  	_ =	shalt  }
0x48: {  	_ =	shalt  }
0x49: {  	_ =	shalt  }
0x4a: {  	_ =	shalt  }
0x4b: {  	_ =	shalt  }
0x4c: {  	_ =	shalt  }
0x4d: {  	_ =	shalt  }
0x4e: {  	_ =	shalt  }
0x4f: {  	_ =	shalt  }
0x50: {  	_ =	shalt  }
0x51: {  	_ =	shalt  }
0x52: {  	_ =	shalt  }
0x53: {  	_ =	shalt  }
0x54: {  	_ =	shalt  }
0x55: {  	_ =	shalt  }
0x56: {  	_ =	shalt  }
0x57: {  	_ =	shalt  }
0x58: {  	_ =	shalt  }
0x59: {  	_ =	shalt  }
0x5a: {  	_ =	shalt  }
0x5b: {  	_ =	shalt  }
0x5c: {  	_ =	shalt  }
0x5d: {  	_ =	shalt  }
0x5e: {  	_ =	shalt  }
0x5f: {  	_ =	shalt  }
0x60: {  	_ =	shalt  }
0x61: {  	_ =	shalt  }
0x62: {  	_ =	shalt  }
0x63: {  	_ =	shalt  }
0x64: {  	_ =	shalt  }
0x65: {  	_ =	shalt  }
0x66: {  	_ =	shalt  }
0x67: {  	_ =	shalt  }
0x68: {  	_ =	shalt  }
0x69: {  	_ =	shalt  }
0x6a: {  	_ =	shalt  }
0x6b: {  	_ =	shalt  }
0x6c: {  	_ =	shalt  }
0x6d: {  	_ =	shalt  }
0x6e: {  	_ =	shalt  }
0x6f: {  	_ =	shalt  }
0x70: {  	_ =	shalt  }
0x71: {  	_ =	shalt  }
0x72: {  	_ =	shalt  }
0x73: {  	_ =	shalt  }
0x74: {  	_ =	shalt  }
0x75: {  	_ =	shalt  }
0x76: {  	_ =	shalt  }
0x77: {  	_ =	shalt  }
0x78: {  	_ =	shalt  }
0x79: {  	_ =	shalt  }
0x7a: {  	_ =	shalt  }
0x7b: {  	_ =	shalt  }
0x7c: {  	_ =	shalt  }
0x7d: {  	_ =	shalt  }
0x7e: {  	_ =	shalt  }
0x7f: {  	_ =	shalt  }
0x80: {  	_ =	shalt  }
0x81: {  	_ =	shalt  }
0x82: {  	_ =	shalt  }
0x83: {  	_ =	shalt  }
0x84: {  	_ =	shalt  }
0x85: {  	_ =	shalt  }
0x86: {  	_ =	shalt  }
0x87: {  	_ =	shalt  }
.Lfunc_end0:
.L_simem_size_0:
called_computation.2_lowered:
.L_overlay_start_0:
0x88: {  	s2 =	sld [smem:$0x3FD9]  }
0x89: {  	s3 =	sld [smem:$0x3FFE];
	_ =	sdelay $0x1  }
0x8a: {  	s1 =	srdreg.scid  }
0x8b: {  	s0 =	sand.u32 $0x1, s1  }
0x8c: {  	s17 =	sshll.u32 s0, $0xA;
	s2 =	sadd.s32 s3, s2  }
0x8d: {  	s2 =	sadd.s32 s2, s17  }
0x8e: {  	[smem:$0x3FC2] =	sst s2  }
0x8f: {  	_ = 	snop  }
0x90: {  	s2 =	sld [smem:$0x3FD0];
	(tm) =	ssettm $0x1  }
0x91: {  	s18 =	sld [smem:$0x3FFB];
	_ =	sdelay $0x3  }
0x92: {  	_ =	strace s18  }
0x93: {  	s3 =	sld [smem:$0x3FFC];
	_ =	sdelay $0x3  }
0x94: {  	_ =	strace s3  }
0x95: {  	s3 =	sld [smem:$0x3FFD];
	_ =	sdelay $0x3  }
0x96: {  	_ =	strace s3  }
0x97: {  	_ =	strace $0x8FFFFFFF  }
0x98: {  	s19 =	sld [smem:$0x3FDB];
	_ =	sdelay $0x1  }
0x99: {  	s4 =	simm.s32 $_scs_section_size  }
0x9a: {  	s5 =	simm.s32 $_size__tile_overlayer_lowered;
	s6 =	simm.s32 $_tile_overlayer_lowered  }
0x9b: {  	s22 =	simm.s32 $0x1BFF;
	s21 =	sshll.u32 s6, $0x1;
	s3 =	sadd.s32 s4, s19  }
0x9c: {  	s7 =	simm.s32 $0x0;
	s20 =	sshll.u32 s5, $0x1;
	s5 =	sadd.s32 s21, s3  }
0x9d: {  	[timem:s7], [sflag:s22] =	dma.local [hbm:s5], s20  }
0x9e: {  	_ =	swait.ge [sflag:s22], s20  }
0x9f: {  	s4 =	ssub.s32 $0x0, s20;
	[sflag:s22] =	ssyncset.done $0x0  }
0xa0: {  	[sflag:s22] =	ssyncadd.s32 s4;
	_ =	sdelay $0x1  }
0xa1: {  	s23 =	simm.s32 $0x1B8B  }
0xa2: {  	_ =	swait.ge [sflag:s23], $0x1  }
0xa3: {  	[sflag:s23] =	ssyncset.done $0x0  }
0xa4: {  	s25 =	simm.s32 $0x1B8E;
	s24 =	sld [smem:$0x3FFE];
	[sflag:s23] =	ssyncadd.s32 $0xFFFFFFFF  }
0xa5: {  	s26 =	simm.s32 $execute0_lowered;
	[smem:$0x3FD2] =	sst s25  }
0xa6: {  	s5 =	sshll.u32 s26, $0x1;
	_ =	strace $0x8000004C;
	[dreg:$0x1] =	wrdreg $0xFFFFFFFF  }
0xa7: {  	s28 =	simm.s32 $_size_execute0_lowered;
	s3 =	sadd.s32 s3, s5;
	[dreg:$0x0] =	wrdreg $0x0  }
0xa8: {  	s5 =	sshll.u32 s28, $0x1;
	[dreg:$0x2] =	wrdreg s3  }
0xa9: {  	[dreg:$0x3] =	wrdreg s5  }
0xaa: {  	[dreg:$0x4] =	wrdreg $0xC0  }
0xab: {  	_ =	task [dreg:s7], $0x5FFFF  }
0xac: {  	[dreg:$0x1] =	wrdreg $0xFFFFFFFF  }
0xad: {  	[dreg:$0x0] =	wrdreg $0x60  }
0xae: {  	[dreg:$0x2] =	wrdreg s24  }
0xaf: {  	[dreg:$0x3] =	wrdreg s2  }
0xb0: {  	[dreg:$0x4] =	wrdreg $0x82000  }
0xb1: {  	[dreg:$0x5] =	wrdreg $0x9  }
0xb2: {  	_ =	task.clear_ibuf [dreg:s7], $0x6FFFF;
	_ =	strace $0x9000004C  }
0xb3: {  	s29 =	simm.s32 $0x9;
	_ =	strace $0x8000004E  }
0xb4: {  	_ =	swait.ge [sflag:s29], $0x1  }
0xb5: {  	[sflag:s29] =	ssyncadd.s32 $0xFFFFFFFF  }
0xb6: {  	_ =	strace $0x9000004E  }
0xb7: {  	_ =	sfence  }
0xb8: {  	s30 =	sld [smem:$0x0];
	_ =	sdelay $0x2  }
0xb9: {  	s31 =	sshll.u32 s1, $0xD;
	s1 =	sshrl.u32 s1, $0x2  }
0xba: {  	s3 =	sand.u32 $0x4000, s31;
	s1 =	sadd.s32 s1, s30  }
0xbb: {  	s0 =	sor.u32 s3, s0;
	s1 =	sshll.u32 s1, $0x11  }
0xbc: {  	s0 =	sor.u32 s1, s0  }
0xbd: {  	s0 =	sadd.s32 $0x8F2B, s0  }
0xbe: {  	[sflag:s0] =	ssyncadd.remote.s32 $0x1  }
0xbf: {  	_ =	sfence.sel $0xFFFF  }
0xc0: {  	[dreg:$0x0] =	wrdreg $0xFFFFFFFF;
	(pc) =	sbr.abs _section_cstart, $3  }
0xc1: {  	[dreg:$0x1] =	wrdreg $0xFFFFFFFF  }
0xc2: {  	_ =	task.clear_ibuf [dreg:s7], $0x2FFFF;
	_ =	strace $0x9FFFFFFF  }
0xc3: {  	(tm) =	ssettm $0x7FFFFFFF  }
tec
execute0_lowered:
.L_overlay_start_1:
0x0: {  	(tag) =	ssettag $0x1  }
0x1: {  	s0 =	rddreg [dreg:$0x0]  }
0x2: {  	s2 =	rddreg [dreg:$0x1]  }
0x3: {  	s1 =	rddreg [dreg:$0x2]  }
0x4: {  	s3 =	simm.s32 $0x0;
	s4 =	srdreg.scid;
	s20 =	stileid.u32  }
0x5: {  	s28 =	simm.s32 $0x80;
	s29 =	simm.s32 $0x100;
	s30 =	simm.s32 $0x180  }
0x6: {  	s31 =	simm.s32 $0x4200;
	[smem:$0x7FF] =	sst s3;
	s10 =	sand.u32 $0x1, s4  }
0x7: {  	s4 =	sadd.s32 $0x35200, s0;
	s6 =	smul.u32 $0x50000, s20;
	s11 =	sadd.s32 $0x3200, s0  }
0x8: {  	s0 =	sadd.s32 $0x5D200, s0;
	s12 =	smul.u32 $0x14000, s20;
	_ =	strace $0x8000004D  }
0x9: {  	s5 =	ssub.s32 $0x2, s10;
	s8 =	sshll.u32 s10, $0x4;
	s19 =	smul.u32 $0x140000, s10  }
0xa: {  	s10 =	smul.u32 $0x28000, s10;
	s7 =	sshrl.u32 s5, $0x1;
	s6 =	sshrl.u32 s6, $0x2  }
0xb: {  	s24 =	sor.u32 s20, s8;
	s14 =	sadd.s32 $0x4000, s12;
	s16 =	sadd.s32 $0x8000, s12  }
0xc: {  	s17 =	sadd.s32 $0xC000, s12;
	s18 =	sadd.s32 $0x10000, s12;
	s20 =	smul.u32 $0x2800, s20  }
0xd: {  	s13 =	ssub.s32 s5, s7;
	s5 =	sadd.s32 s6, s1;
	s8 =	smul.u32 $0x2800, s24  }
0xe: {  	s6 =	sadd.s32 s14, s1;
	s7 =	sadd.s32 s16, s1;
	s9 =	sadd.s32 s18, s1  }
0xf: {  	s12 =	sadd.s32 s12, s19;
	s14 =	sadd.s32 s19, s14;
	s22 =	sadd.s32 s19, s17  }
0x10: {  	s24 =	sadd.s32 s19, s18;
	s12 =	sshrl.u32 s12, $0x3;
	s23 =	sshrl.u32 s22, $0x3  }
0x11: {  	s10 =	sadd.s32 s20, s10;
	s15 =	sshrl.u32 s8, $0x3;
	s12 =	sadd.s32 s0, s12  }
0x12: {  	s8 =	sadd.s32 s17, s1;
	s21 =	sadd.s32 s11, s15;
	[dreg:$0x8] =	wrdreg s12  }
0x13: {  	s25 =	sadd.s32 s2, s15;
	s15 =	sor.u32 $0x10, s15;
	[dreg:$0x4] =	wrdreg s21  }
0x14: {  	s17 =	sadd.s32 s0, s23;
	[dreg:$0x5] =	wrdreg s25;
	s26 =	sadd.s32 s11, s15  }
0x15: {  	s15 =	sadd.s32 s2, s15;
	s21 =	sadd.s32 s19, s16;
	s25 =	sshrl.u32 s24, $0x3  }
0x16: {  	s19 =	smax.u32 s13, $0x1;
	s24 =	simm.s32 $0x200;
	[dreg:$0x6] =	wrdreg s26  }
0x17: {  	[dreg:$0x7] =	wrdreg s15;
	s15 =	sshrl.u32 s14, $0x3;
	s18 =	sadd.s32 s0, s25  }
0x18: {  	s26 =	sor.u32 $0x180, s10;
	s10 =	sor.u32 $0x100, s10;
	s12 =	sadd.s32 s0, s15  }
0x19: {  	s25 =	simm.s32 $0x3;
	s10 =	sshrl.u32 s10, $0x3;
	[dreg:$0x9] =	wrdreg s12  }
0x1a: {  	s12 =	sshrl.u32 s21, $0x3;
	s22 =	sadd.s32 s10, s2;
	s23 =	sadd.s32 s10, s11  }
0x1b: {  	s10 =	simm.s32 $0x4;
	s16 =	sadd.s32 s0, s12;
	s0 =	sshrl.u32 s26, $0x3  }
0x1c: {  	s26 =	simm.s32 $0x5;
	s20 =	sadd.s32 s0, s2;
	s21 =	sadd.s32 s0, s11  }
0x1d: {  	v0 =	vimm.f32 $0.0e+00;
	s0 =	simm.s32 $0x1;
	s2 =	simm.s32 $0x2;
	s11 =	simm.s32 $0x0  }
.LBB2_1:
0x1e: {  	s12 =	sand.u32 $0xFE00, s3  }
0x1f: {  	s13 =	sand.u32 $0x70, s3;
	s14 =	sshrl.u32 s12, $0x2  }
0x20: {  	s12 =	simm.s32 $0x40;
	s14 =	sor.u32 s13, s14;
	s13 =	simm.s32 $0x0  }
.LBB2_2:
0x21: {  	p0 =	sne.s32 s12, $0xFFC0  }
0x22: {  	[tilespmem:s14+$0x200] =	vst v0;
	s13 =	sadd.s32 $0x10, s13;
	s14 =	smov.u32 s12;
	s12 =	sadd.s32 $0x40, s12  }
.Ltmp0:
0x23: {  	(pc) =	sbr.rel @p0 .LBB2_2-.Ltmp0, $4  }
0x24: {  	_ = 	snop  }
0x25: {  	s14 =	sand.u32 $0xFE00, s14  }
0x26: {  	s15 =	sand.u32 $0x70, s13;
	s14 =	sshrl.u32 s14, $0x2  }
0x27: {  	s14 =	sor.u32 s15, s14  }
0x28: {  	[tilespmem:s14+$0x200] =	vst v0  }
0x29: {  	[spmem:s5] =	stream.linear.scatter [tilespmem:s24], [sflag:$0x3], $0x4000, $0x38;
	[tilespmem:$0x1C200] =	vst v63  }
0x2a: {  	_ = 	snop  }
0x2b: {  	[spmem:s6] =	stream.linear.scatter [tilespmem:s24], [sflag:$0x3], $0x4000, $0x38;
	[tilespmem:$0x1C200] =	vst v63  }
0x2c: {  	_ = 	snop  }
0x2d: {  	[spmem:s7] =	stream.linear.scatter [tilespmem:s24], [sflag:$0x3], $0x4000, $0x38;
	[tilespmem:$0x1C200] =	vst v63  }
0x2e: {  	_ = 	snop  }
0x2f: {  	[spmem:s8] =	stream.linear.scatter [tilespmem:s24], [sflag:$0x3], $0x4000, $0x38;
	[tilespmem:$0x1C200] =	vst v63  }
0x30: {  	_ = 	snop  }
0x31: {  	[spmem:s9] =	stream.linear.scatter [tilespmem:s24], [sflag:$0x3], $0x4000, $0x38;
	[tilespmem:$0x1C200] =	vst v63  }
0x32: {  	_ =	swait.ge [sflag:s25], $0x4000  }
0x33: {  	[sflag:s25] =	ssyncset.done $0x0  }
0x34: {  	[sflag:s25] =	ssyncadd.s32 $0xFFFFC000  }
0x35: {  	_ =	swait.ge [sflag:s25], $0x4000  }
0x36: {  	[sflag:s25] =	ssyncset.done $0x0  }
0x37: {  	[sflag:s25] =	ssyncadd.s32 $0xFFFFC000  }
0x38: {  	_ =	swait.ge [sflag:s25], $0x4000  }
0x39: {  	[sflag:s25] =	ssyncset.done $0x0  }
0x3a: {  	[sflag:s25] =	ssyncadd.s32 $0xFFFFC000  }
0x3b: {  	_ =	swait.ge [sflag:s25], $0x4000  }
0x3c: {  	[sflag:s25] =	ssyncset.done $0x0  }
0x3d: {  	[sflag:s25] =	ssyncadd.s32 $0xFFFFC000  }
0x3e: {  	_ =	swait.ge [sflag:s25], $0x4000  }
0x3f: {  	[sflag:s25] =	ssyncset.done $0x0  }
0x40: {  	[sflag:s25] =	ssyncadd.s32 $0xFFFFC000  }
0x41: {  	[bflag:$0x0] =	sbarrier.arrive $0xFFFF  }
0x42: {  	s12 =	simm.s32 $0x0;
	s13 =	rddreg [dreg:$0x4]  }
0x43: {  	[tilespmem:s12], [sflag:$0x5] =	stream.linear.gather [hbm4b:s13+s12], $0x80, $0x38;
	[tilespmem:$0x1C200] =	vst v63  }
0x44: {  	_ =	swait.ge [sflag:s26], $0x80  }
0x45: {  	[sflag:s26] =	ssyncset.done $0x0  }
0x46: {  	s14 =	rddreg [dreg:$0x5];
	[sflag:s26] =	ssyncadd.s32 $0xFFFFFF80  }
0x47: {  	[tilespmem:s28], [sflag:$0x5] =	stream.linear.gather [hbm4b:s14+s12], $0x80, $0x38;
	[tilespmem:$0x1C200] =	vst v63  }
0x48: {  	_ =	swait.ge [sflag:s26], $0x80  }
0x49: {  	[sflag:s26] =	ssyncset.done $0x0  }
0x4a: {  	[sflag:s26] =	ssyncadd.s32 $0xFFFFFF80  }
0x4b: {  	[tilespmem:s24], [sflag:$0x1] =	stream.indirect.gather [hbm4b:s4+s28], $0x80, s12, s28, $0xb8;
	[tilespmem:$0x1C200] =	vst v63  }
0x4c: {  	s15 =	rddreg [dreg:$0x6]  }
0x4d: {  	[tilespmem:s29], [sflag:$0x5] =	stream.linear.gather [hbm4b:s15+s12], $0x80, $0x38;
	[tilespmem:$0x1C200] =	vst v63  }
0x4e: {  	_ =	swait.ge [sflag:s26], $0x80  }
0x4f: {  	[sflag:s26] =	ssyncset.done $0x0  }
0x50: {  	s14 =	rddreg [dreg:$0x7];
	[sflag:s26] =	ssyncadd.s32 $0xFFFFFF80  }
0x51: {  	[tilespmem:s30], [sflag:$0x5] =	stream.linear.gather [hbm4b:s14+s12], $0x80, $0x38;
	[tilespmem:$0x1C200] =	vst v63  }
0x52: {  	_ =	swait.ge [sflag:s26], $0x80  }
0x53: {  	[sflag:s26] =	ssyncset.done $0x0  }
0x54: {  	[sflag:s26] =	ssyncadd.s32 $0xFFFFFF80  }
0x55: {  	[tilespmem:s31], [sflag:$0x2] =	stream.indirect.gather [hbm4b:s4+s28], $0x80, s29, s28, $0xb8;
	[tilespmem:$0x1C200] =	vst v63  }
0x56: {  	_ =	swait.ge [sflag:s0], $0x4000  }
0x57: {  	[sflag:s0] =	ssyncset.done $0x0  }
0x58: {  	[sflag:s0] =	ssyncadd.s32 $0xFFFFC000  }
0x59: {  	[spmem:s1] =	stream.indirect.scatter.add.f32 [tilespmem:s24], [sflag:$0x3], $0x80, s28, s28, $0xb8;
	[tilespmem:$0x1C200] =	vst v63  }
0x5a: {  	s15 =	sadd.s32 $0x0, s23  }
0x5b: {  	[tilespmem:s3], [sflag:$0x5] =	stream.linear.gather [hbm4b:s15+s3], $0x80, $0x38;
	[tilespmem:$0x1C200] =	vst v63  }
0x5c: {  	_ =	swait.ge [sflag:s26], $0x80  }
0x5d: {  	[sflag:s26] =	ssyncset.done $0x0  }
0x5e: {  	[sflag:s26] =	ssyncadd.s32 $0xFFFFFF80  }
0x5f: {  	_ =	swait.ge [sflag:s25], $0x4000  }
0x60: {  	[sflag:s25] =	ssyncset.done $0x0  }
0x61: {  	s13 =	sadd.s32 $0x0, s22;
	[sflag:s25] =	ssyncadd.s32 $0xFFFFC000  }
0x62: {  	[tilespmem:s28], [sflag:$0x5] =	stream.linear.gather [hbm4b:s13+s3], $0x80, $0x38;
	[tilespmem:$0x1C200] =	vst v63  }
0x63: {  	_ =	swait.ge [sflag:s26], $0x80  }
0x64: {  	[sflag:s26] =	ssyncset.done $0x0  }
0x65: {  	[sflag:s26] =	ssyncadd.s32 $0xFFFFFF80  }
0x66: {  	[tilespmem:s24], [sflag:$0x1] =	stream.indirect.gather [hbm4b:s4+s28], $0x80, s3, s28, $0xb8;
	[tilespmem:$0x1C200] =	vst v63  }
0x67: {  	_ =	swait.ge [sflag:s2], $0x4000  }
0x68: {  	[sflag:s2] =	ssyncset.done $0x0  }
0x69: {  	[sflag:s2] =	ssyncadd.s32 $0xFFFFC000  }
0x6a: {  	[spmem:s1] =	stream.indirect.scatter.add.f32 [tilespmem:s31], [sflag:$0x4], $0x80, s30, s28, $0xb8;
	[tilespmem:$0x1C200] =	vst v63  }
0x6b: {  	s14 =	sadd.s32 $0x0, s21  }
0x6c: {  	[tilespmem:s29], [sflag:$0x5] =	stream.linear.gather [hbm4b:s14+s3], $0x80, $0x38;
	[tilespmem:$0x1C200] =	vst v63  }
0x6d: {  	_ =	swait.ge [sflag:s26], $0x80  }
0x6e: {  	[sflag:s26] =	ssyncset.done $0x0  }
0x6f: {  	[sflag:s26] =	ssyncadd.s32 $0xFFFFFF80  }
0x70: {  	_ =	swait.ge [sflag:s10], $0x4000  }
0x71: {  	[sflag:s10] =	ssyncset.done $0x0  }
0x72: {  	s15 =	sadd.s32 $0x0, s20;
	[sflag:s10] =	ssyncadd.s32 $0xFFFFC000  }
0x73: {  	[tilespmem:s30], [sflag:$0x5] =	stream.linear.gather [hbm4b:s15+s3], $0x80, $0x38;
	[tilespmem:$0x1C200] =	vst v63  }
0x74: {  	_ =	swait.ge [sflag:s26], $0x80  }
0x75: {  	s12 =	simm.s32 $0x20;
	[sflag:s26] =	ssyncset.done $0x0  }
.LBB2_4:
0x76: {  	p0 =	sne.s32 s12, $0x4C0  }
0x77: {  	[sflag:s26] =	ssyncadd.s32 $0xFFFFFF80;
	s13 =	smov.u32 s12;
	s12 =	sadd.s32 $0x20, s12  }
0x78: {  	[tilespmem:s31], [sflag:$0x2] =	stream.indirect.gather [hbm4b:s4+s28], $0x80, s29, s28, $0xb8;
	[tilespmem:$0x1C200] =	vst v63  }
0x79: {  	_ =	swait.ge [sflag:s0], $0x4000  }
0x7a: {  	[sflag:s0] =	ssyncset.done $0x0  }
0x7b: {  	[sflag:s0] =	ssyncadd.s32 $0xFFFFC000  }
0x7c: {  	[spmem:s1] =	stream.indirect.scatter.add.f32 [tilespmem:s24], [sflag:$0x3], $0x80, s28, s28, $0xb8;
	[tilespmem:$0x1C200] =	vst v63  }
0x7d: {  	s14 =	sadd.s32 s13, s23  }
0x7e: {  	[tilespmem:s3], [sflag:$0x5] =	stream.linear.gather [hbm4b:s14+s3], $0x80, $0x38;
	[tilespmem:$0x1C200] =	vst v63  }
0x7f: {  	_ =	swait.ge [sflag:s26], $0x80  }
0x80: {  	[sflag:s26] =	ssyncset.done $0x0  }
0x81: {  	[sflag:s26] =	ssyncadd.s32 $0xFFFFFF80  }
0x82: {  	_ =	swait.ge [sflag:s25], $0x4000  }
0x83: {  	[sflag:s25] =	ssyncset.done $0x0  }
0x84: {  	s14 =	sadd.s32 s13, s22;
	[sflag:s25] =	ssyncadd.s32 $0xFFFFC000  }
0x85: {  	[tilespmem:s28], [sflag:$0x5] =	stream.linear.gather [hbm4b:s14+s3], $0x80, $0x38;
	[tilespmem:$0x1C200] =	vst v63  }
0x86: {  	_ =	swait.ge [sflag:s26], $0x80  }
0x87: {  	[sflag:s26] =	ssyncset.done $0x0  }
0x88: {  	[sflag:s26] =	ssyncadd.s32 $0xFFFFFF80  }
0x89: {  	[tilespmem:s24], [sflag:$0x1] =	stream.indirect.gather [hbm4b:s4+s28], $0x80, s3, s28, $0xb8;
	[tilespmem:$0x1C200] =	vst v63  }
0x8a: {  	_ =	swait.ge [sflag:s2], $0x4000  }
0x8b: {  	[sflag:s2] =	ssyncset.done $0x0  }
0x8c: {  	[sflag:s2] =	ssyncadd.s32 $0xFFFFC000  }
0x8d: {  	[spmem:s1] =	stream.indirect.scatter.add.f32 [tilespmem:s31], [sflag:$0x4], $0x80, s30, s28, $0xb8;
	[tilespmem:$0x1C200] =	vst v63  }
0x8e: {  	s14 =	sadd.s32 s13, s21  }
0x8f: {  	[tilespmem:s29], [sflag:$0x5] =	stream.linear.gather [hbm4b:s14+s3], $0x80, $0x38;
	[tilespmem:$0x1C200] =	vst v63  }
0x90: {  	_ =	swait.ge [sflag:s26], $0x80  }
0x91: {  	[sflag:s26] =	ssyncset.done $0x0  }
0x92: {  	[sflag:s26] =	ssyncadd.s32 $0xFFFFFF80  }
0x93: {  	_ =	swait.ge [sflag:s10], $0x4000  }
.Ltmp1:
0x94: {  	[sflag:s10] =	ssyncset.done $0x0;
	(pc) =	sbr.rel @p0 .LBB2_4-.Ltmp1, $4  }
0x95: {  	s13 =	sadd.s32 s13, s20;
	[sflag:s10] =	ssyncadd.s32 $0xFFFFC000  }
0x96: {  	[tilespmem:s30], [sflag:$0x5] =	stream.linear.gather [hbm4b:s13+s3], $0x80, $0x38;
	[tilespmem:$0x1C200] =	vst v63  }
0x97: {  	_ =	swait.ge [sflag:s26], $0x80  }
0x98: {  	[sflag:s26] =	ssyncset.done $0x0  }
0x99: {  	[sflag:s26] =	ssyncadd.s32 $0xFFFFFF80  }
0x9a: {  	[tilespmem:s31], [sflag:$0x2] =	stream.indirect.gather [hbm4b:s4+s28], $0x80, s29, s28, $0xb8;
	[tilespmem:$0x1C200] =	vst v63  }
0x9b: {  	_ =	swait.ge [sflag:s0], $0x4000  }
0x9c: {  	[sflag:s0] =	ssyncset.done $0x0  }
0x9d: {  	[sflag:s0] =	ssyncadd.s32 $0xFFFFC000  }
0x9e: {  	[spmem:s1] =	stream.indirect.scatter.add.f32 [tilespmem:s24], [sflag:$0x3], $0x80, s28, s28, $0xb8;
	[tilespmem:$0x1C200] =	vst v63  }
0x9f: {  	_ =	swait.ge [sflag:s25], $0x4000  }
0xa0: {  	[sflag:s25] =	ssyncset.done $0x0  }
0xa1: {  	[sflag:s25] =	ssyncadd.s32 $0xFFFFC000  }
0xa2: {  	_ =	swait.ge [sflag:s2], $0x4000  }
0xa3: {  	[sflag:s2] =	ssyncset.done $0x0  }
0xa4: {  	[sflag:s2] =	ssyncadd.s32 $0xFFFFC000  }
0xa5: {  	[spmem:s1] =	stream.indirect.scatter.add.f32 [tilespmem:s31], [sflag:$0x4], $0x80, s30, s28, $0xb8;
	[tilespmem:$0x1C200] =	vst v63  }
0xa6: {  	_ =	swait.ge [sflag:s10], $0x4000  }
0xa7: {  	[sflag:s10] =	ssyncset.done $0x0  }
0xa8: {  	[sflag:s10] =	ssyncadd.s32 $0xFFFFC000  }
0xa9: {  	[bflag:$0x0] =	sbarrier.arrive $0xFFFF  }
0xaa: {  	[tilespmem:s24], [sflag:$0x1] =	stream.linear.gather [spmem:s5], $0x4000, $0x38;
	[tilespmem:$0x1C200] =	vst v63  }
0xab: {  	_ = 	snop  }
0xac: {  	[tilespmem:s31], [sflag:$0x2] =	stream.linear.gather [spmem:s6], $0x4000, $0x38;
	[tilespmem:$0x1C200] =	vst v63  }
0xad: {  	_ =	swait.ge [sflag:s0], $0x4000  }
0xae: {  	[sflag:s0] =	ssyncset.done $0x0  }
0xaf: {  	s12 =	rddreg [dreg:$0x8];
	[sflag:s0] =	ssyncadd.s32 $0xFFFFC000  }
0xb0: {  	[hbm4b:s12+s3] =	stream.linear.scatter [tilespmem:s24], [sflag:$0x3], $0x4000, $0x38;
	[tilespmem:$0x1C200] =	vst v63  }
0xb1: {  	_ =	swait.ge [sflag:s25], $0x4000  }
0xb2: {  	[sflag:s25] =	ssyncset.done $0x0  }
0xb3: {  	[sflag:s25] =	ssyncadd.s32 $0xFFFFC000  }
0xb4: {  	[tilespmem:s24], [sflag:$0x1] =	stream.linear.gather [spmem:s7], $0x4000, $0x38;
	[tilespmem:$0x1C200] =	vst v63  }
0xb5: {  	_ =	swait.ge [sflag:s2], $0x4000  }
0xb6: {  	[sflag:s2] =	ssyncset.done $0x0  }
0xb7: {  	s15 =	rddreg [dreg:$0x9];
	[sflag:s2] =	ssyncadd.s32 $0xFFFFC000  }
0xb8: {  	[hbm4b:s15+s3] =	stream.linear.scatter [tilespmem:s31], [sflag:$0x4], $0x4000, $0x38;
	[tilespmem:$0x1C200] =	vst v63  }
0xb9: {  	_ =	swait.ge [sflag:s10], $0x4000  }
0xba: {  	[sflag:s10] =	ssyncset.done $0x0  }
0xbb: {  	[sflag:s10] =	ssyncadd.s32 $0xFFFFC000  }
0xbc: {  	[tilespmem:s31], [sflag:$0x2] =	stream.linear.gather [spmem:s8], $0x4000, $0x38;
	[tilespmem:$0x1C200] =	vst v63  }
0xbd: {  	_ =	swait.ge [sflag:s0], $0x4000  }
0xbe: {  	[sflag:s0] =	ssyncset.done $0x0  }
0xbf: {  	[sflag:s0] =	ssyncadd.s32 $0xFFFFC000  }
0xc0: {  	[hbm4b:s16+s3] =	stream.linear.scatter [tilespmem:s24], [sflag:$0x3], $0x4000, $0x38;
	[tilespmem:$0x1C200] =	vst v63  }
0xc1: {  	_ =	swait.ge [sflag:s25], $0x4000  }
0xc2: {  	[sflag:s25] =	ssyncset.done $0x0  }
0xc3: {  	[sflag:s25] =	ssyncadd.s32 $0xFFFFC000  }
0xc4: {  	[tilespmem:s24], [sflag:$0x1] =	stream.linear.gather [spmem:s9], $0x4000, $0x38;
	[tilespmem:$0x1C200] =	vst v63  }
0xc5: {  	_ =	swait.ge [sflag:s2], $0x4000  }
0xc6: {  	[sflag:s2] =	ssyncset.done $0x0  }
0xc7: {  	[sflag:s2] =	ssyncadd.s32 $0xFFFFC000  }
0xc8: {  	[hbm4b:s17+s3] =	stream.linear.scatter [tilespmem:s31], [sflag:$0x4], $0x4000, $0x38;
	[tilespmem:$0x1C200] =	vst v63  }
0xc9: {  	_ =	swait.ge [sflag:s0], $0x4000  }
0xca: {  	[sflag:s0] =	ssyncset.done $0x0  }
0xcb: {  	s11 =	sadd.s32 $0x1, s11;
	[sflag:s0] =	ssyncadd.s32 $0xFFFFC000  }
0xcc: {  	[hbm4b:s18+s3] =	stream.linear.scatter [tilespmem:s24], [sflag:$0x3], $0x4000, $0x38;
	[tilespmem:$0x1C200] =	vst v63  }
0xcd: {  	p0 =	sne.s32 s11, s19;
	_ =	swait.ge [sflag:s25], $0x4000  }
.Ltmp2:
0xce: {  	[sflag:s25] =	ssyncset.done $0x0;
	(pc) =	sbr.rel @p0 .LBB2_1-.Ltmp2, $4  }
0xcf: {  	[sflag:s25] =	ssyncadd.s32 $0xFFFFC000  }
0xd0: {  	_ =	swait.ge [sflag:s10], $0x4000  }
0xd1: {  	[sflag:s10] =	ssyncset.done $0x0  }
0xd2: {  	[sflag:s10] =	ssyncadd.s32 $0xFFFFC000  }
0xd3: {  	_ =	sfence.sel $0x180000  }
0xd4: {  	[bflag:$0x0] =	sbarrier.arrive $0xFFFF  }
0xd5: {  	_ =	strace $0x9000004D  }
0xd6: {  	s0 =	stileid.u32;
	[bflag:$0x2] =	sbarrier.arrive $0xFFFF  }
0xd7: {  	p0 =	sne.s32 s0, $0x0;
	s0 =	rddreg [dreg:$0x3]  }
0xd8: {  	s0 =	sadd.s32 @!p0 $0x100000, s0  }
0xd9: {  	[sflag:s0] =	ssyncadd.tile.s32 @!p0 $0x1;
	_ =	shalt  }
.Lfunc_end2:
_tile_overlayer_lowered:
.L_overlay_start_2:
0xda: {  	(tag) =	ssettag $0x2  }
0xdb: {  	s0 =	rddreg [dreg:$0x0];
	s2 =	stileid.u32  }
0xdc: {  	s1 =	rddreg [dreg:$0x1];
	p0 =	sne.s32 s2, $0x0  }
0xdd: {  	s3 =	rddreg [dreg:$0x2];
	[bflag:$0x3] =	sbarrier.arrive $0xFFFF;
	s2 =	simm.s32 @!p0 $0x1C05  }
0xde: {  	[timem:s3], [sflag:s2] =	dma.local @!p0 [hbm:s0], s1  }
0xdf: {  	s0 =	simm.s32 @!p0 $0x5  }
0xe0: {  	_ =	swait.ge @!p0 [sflag:s0], s1  }
0xe1: {  	s1 =	ssub.s32 @!p0 $0x0, s1;
	[sflag:s0] =	ssyncset.done @!p0 $0x0  }
0xe2: {  	[sflag:s0] =	ssyncadd.s32 @!p0 s1  }
0xe3: {  	[bflag:$0x3] =	sbarrier.arrive $0xFFFF  }
0xe4: {  	_ =	shalt  }

// kernel: kernel.8.cloned.1.call-start
scs
__scs_entry_jumppad:
0x0: {  	(pc) =	sbr.rel $0x88, $3  }
0x1: {  	(tag) =	ssettag $0x0;
	lr =	simm.s32 $0x1  }
0x2: {  	[smem:$0x3F9B] =	sst lr;
	_ =	strace $0xD0000000  }
0x3: {  	_ = 	snop  }
0x4: {  	_ = 	snop  }
0x5: {  	_ = 	snop  }
0x6: {  	_ = 	snop  }
0x7: {  	_ = 	snop  }
__scs_overlays_trampoline_lowered:
0x8: {  	[smem:$0x3FAA] =	sst s0  }
0x9: {  	[smem:$0x3FAB] =	sst s1  }
0xa: {  	[smem:$0x3FAC] =	sst s2  }
0xb: {  	[smem:$0x3FAD] =	sst s3  }
0xc: {  	[smem:$0x3FAE] =	sst s4  }
0xd: {  	[smem:$0x3FAF] =	sst s5  }
0xe: {  	[smem:$0x3FB0] =	sst s6  }
0xf: {  	[smem:$0x3FB1] =	sst s7  }
0x10: {  	[smem:$0x3FB2] =	sst s8  }
0x11: {  	[smem:$0x3FB3] =	sst s9;
	s0 =	simm.s32 @!p0 $0x0  }
0x12: {  	s1 =	sld [smem:$0x3F99];
	s0 =	simm.s32 @p0 $0x1  }
0x13: {  	[smem:$0x3FB4] =	sst s0;
	s0 =	simm.s32 @!p1 $0x0  }
0x14: {  	s2 =	sld [smem:$0x3F98];
	s0 =	simm.s32 @p1 $0x1  }
0x15: {  	[smem:$0x3FB5] =	sst s0;
	s0 =	simm.s32 @!p2 $0x0  }
0x16: {  	s3 =	sld [smem:$0x3FDB];
	s0 =	simm.s32 @p2 $0x1  }
0x17: {  	s4 =	simm.s32 $0x1BF5;
	[smem:$0x3FB7] =	sst s0  }
0x18: {  	s0 =	sld [smem:$0x3F9A];
	_ =	swait.ge [sflag:s4], $0x0  }
0x19: {  	s7 =	sld [smem:$0x3F9B]  }
0x1a: {  	s8 =	sadd.s32 $0xFFFFE003, lr  }
0x1b: {  	s9 =	sadd.s32 $0xFFFFFEF7, lr;
	s5 =	simm.s32 $0xFFFFFFFF;
	p2 =	slt.u32 s8, $0xFFFFF086  }
0x1c: {  	p1 =	slt.u32 s9, $0xF7A;
	s5 =	simm.s32 @!p2 $0x0  }
0x1d: {  	s5 =	simm.s32 @p1 $0x1;
	p0 =	seq.s32 s7, s2  }
0x1e: {  	s7 =	smul.u32 @!p0 $0xF7A, s2;
	p2 =	seq.s32 @!p0 s5, $0x0  }
0x1f: {  	s9 =	smul.u32 $0xF7A, s1;
	s8 =	simm.s32 @!p0 $0x1BF5;
	p2 =	por !p2, p0  }
0x20: {  	[sflag:s8] =	ssyncset.s32 @!p0 $0xFFFFF086;
	s6 =	sadd.s32 @!p0 s3, s7;
	s7 =	simm.s32 @!p0 $0x108  }
0x21: {  	s3 =	sadd.s32 s3, s9;
	s6 =	sadd.s32 @!p0 $0x88, s6;
	s7 =	simm.s32 @p2 $0x1082  }
0x22: {  	[simem:s7], [sflag:s8] =	dma.local @!p0 [hbm:s6], $0xF7A  }
0x23: {  	s9 =	sor.u32 $0xD0000000, s2;
	s6 =	simm.s32 $0x108;
	_ =	swait.ge @!p0 [sflag:s8], $0x0  }
0x24: {  	s3 =	sadd.s32 $0x88, s3;
	s6 =	simm.s32 @!p1 $0x1082;
	[sflag:s4] =	ssyncset.s32 $0xFFFFF086  }
0x25: {  	[simem:s6], [sflag:s4] =	dma.local [hbm:s3], $0xF7A  }
0x26: {  	[smem:$0x3F9B] =	sst s1;
	(tag) =	ssettag s2;
	_ =	strace s9  }
0x27: {  	s1 =	sld [smem:$0x3FAB]  }
0x28: {  	s2 =	sld [smem:$0x3FAC]  }
0x29: {  	s4 =	sld [smem:$0x3FAE]  }
0x2a: {  	p0 =	seq.s32 s5, $0x0;
	s5 =	sld [smem:$0x3FAF]  }
0x2b: {  	s6 =	sld [smem:$0x3FB0]  }
0x2c: {  	s7 =	sld [smem:$0x3FB1]  }
0x2d: {  	s3 =	simm.s32 $0x108;
	s8 =	sld [smem:$0x3FB2]  }
0x2e: {  	s3 =	simm.s32 @!p0 $0x1082;
	s9 =	sld [smem:$0x3FB3]  }
0x2f: {  	lr =	sadd.s32 s0, s3;
	s0 =	sld [smem:$0x3FAA]  }
0x30: {  	s3 =	sld [smem:$0x3FAD]  }
0x31: {  	[smem:$0x3FB6] =	sst s10  }
0x32: {  	s10 =	sld [smem:$0x3FB4];
	_ =	sdelay $0x3  }
0x33: {  	p0 =	seq.s32 s10, $0x1;
	s10 =	sld [smem:$0x3FB6];
	_ =	sdelay $0x3  }
0x34: {  	[smem:$0x3FB6] =	sst s10  }
0x35: {  	s10 =	sld [smem:$0x3FB5];
	_ =	sdelay $0x3  }
0x36: {  	p1 =	seq.s32 s10, $0x1;
	s10 =	sld [smem:$0x3FB6];
	_ =	sdelay $0x3  }
0x37: {  	[smem:$0x3FB6] =	sst s10  }
0x38: {  	s10 =	sld [smem:$0x3FB7]  }
0x39: {  	_ = 	snop;
	(pc) =	sbr.ind lr, $3  }
0x3a: {  	_ = 	snop  }
0x3b: {  	_ = 	snop  }
0x3c: {  	p2 =	seq.s32 s10, $0x1;
	s10 =	sld [smem:$0x3FB6]  }
0x3d: {  	_ =	shalt  }
0x3e: {  	_ =	shalt  }
0x3f: {  	_ =	shalt  }
0x40: {  	_ =	shalt  }
0x41: {  	_ =	shalt  }
0x42: {  	_ =	shalt  }
0x43: {  	_ =	shalt  }
0x44: {  	_ =	shalt  }
0x45: {  	_ =	shalt  }
0x46: {  	_ =	shalt  }
0x47: {  	_ =	shalt  }
0x48: {  	_ =	shalt  }
0x49: {  	_ =	shalt  }
0x4a: {  	_ =	shalt  }
0x4b: {  	_ =	shalt  }
0x4c: {  	_ =	shalt  }
0x4d: {  	_ =	shalt  }
0x4e: {  	_ =	shalt  }
0x4f: {  	_ =	shalt  }
0x50: {  	_ =	shalt  }
0x51: {  	_ =	shalt  }
0x52: {  	_ =	shalt  }
0x53: {  	_ =	shalt  }
0x54: {  	_ =	shalt  }
0x55: {  	_ =	shalt  }
0x56: {  	_ =	shalt  }
0x57: {  	_ =	shalt  }
0x58: {  	_ =	shalt  }
0x59: {  	_ =	shalt  }
0x5a: {  	_ =	shalt  }
0x5b: {  	_ =	shalt  }
0x5c: {  	_ =	shalt  }
0x5d: {  	_ =	shalt  }
0x5e: {  	_ =	shalt  }
0x5f: {  	_ =	shalt  }
0x60: {  	_ =	shalt  }
0x61: {  	_ =	shalt  }
0x62: {  	_ =	shalt  }
0x63: {  	_ =	shalt  }
0x64: {  	_ =	shalt  }
0x65: {  	_ =	shalt  }
0x66: {  	_ =	shalt  }
0x67: {  	_ =	shalt  }
0x68: {  	_ =	shalt  }
0x69: {  	_ =	shalt  }
0x6a: {  	_ =	shalt  }
0x6b: {  	_ =	shalt  }
0x6c: {  	_ =	shalt  }
0x6d: {  	_ =	shalt  }
0x6e: {  	_ =	shalt  }
0x6f: {  	_ =	shalt  }
0x70: {  	_ =	shalt  }
0x71: {  	_ =	shalt  }
0x72: {  	_ =	shalt  }
0x73: {  	_ =	shalt  }
0x74: {  	_ =	shalt  }
0x75: {  	_ =	shalt  }
0x76: {  	_ =	shalt  }
0x77: {  	_ =	shalt  }
0x78: {  	_ =	shalt  }
0x79: {  	_ =	shalt  }
0x7a: {  	_ =	shalt  }
0x7b: {  	_ =	shalt  }
0x7c: {  	_ =	shalt  }
0x7d: {  	_ =	shalt  }
0x7e: {  	_ =	shalt  }
0x7f: {  	_ =	shalt  }
0x80: {  	_ =	shalt  }
0x81: {  	_ =	shalt  }
0x82: {  	_ =	shalt  }
0x83: {  	_ =	shalt  }
0x84: {  	_ =	shalt  }
0x85: {  	_ =	shalt  }
0x86: {  	_ =	shalt  }
0x87: {  	_ =	shalt  }
.Lfunc_end0:
.L_simem_size_0:
called_computation_lowered:
.L_overlay_start_0:
0x88: {  	s2 =	sld [smem:$0x3FD9]  }
0x89: {  	s3 =	sld [smem:$0x3FFE];
	_ =	sdelay $0x1  }
0x8a: {  	s1 =	srdreg.scid  }
0x8b: {  	s0 =	sand.u32 $0x1, s1  }
0x8c: {  	s17 =	sshll.u32 s0, $0xA;
	s2 =	sadd.s32 s3, s2  }
0x8d: {  	s2 =	sadd.s32 s2, s17  }
0x8e: {  	[smem:$0x3FC2] =	sst s2  }
0x8f: {  	_ = 	snop  }
0x90: {  	s2 =	sld [smem:$0x3FD0];
	(tm) =	ssettm $0x1  }
0x91: {  	s18 =	sld [smem:$0x3FFB];
	_ =	sdelay $0x3  }
0x92: {  	_ =	strace s18  }
0x93: {  	s3 =	sld [smem:$0x3FFC];
	_ =	sdelay $0x3  }
0x94: {  	_ =	strace s3  }
0x95: {  	s3 =	sld [smem:$0x3FFD];
	_ =	sdelay $0x3  }
0x96: {  	_ =	strace s3  }
0x97: {  	_ =	strace $0x8FFFFFFF  }
0x98: {  	s19 =	sld [smem:$0x3FDB];
	_ =	sdelay $0x1  }
0x99: {  	s4 =	simm.s32 $_scs_section_size  }
0x9a: {  	s5 =	simm.s32 $_size__tile_overlayer_lowered;
	s6 =	simm.s32 $_tile_overlayer_lowered  }
0x9b: {  	s22 =	simm.s32 $0x1BFF;
	s21 =	sshll.u32 s6, $0x1;
	s3 =	sadd.s32 s4, s19  }
0x9c: {  	s7 =	simm.s32 $0x0;
	s20 =	sshll.u32 s5, $0x1;
	s5 =	sadd.s32 s21, s3  }
0x9d: {  	[timem:s7], [sflag:s22] =	dma.local [hbm:s5], s20  }
0x9e: {  	_ =	swait.ge [sflag:s22], s20  }
0x9f: {  	s4 =	ssub.s32 $0x0, s20;
	[sflag:s22] =	ssyncset.done $0x0  }
0xa0: {  	[sflag:s22] =	ssyncadd.s32 s4;
	_ =	sdelay $0x1  }
0xa1: {  	s23 =	simm.s32 $0x1B8B  }
0xa2: {  	_ =	swait.ge [sflag:s23], $0x1  }
0xa3: {  	[sflag:s23] =	ssyncset.done $0x0  }
0xa4: {  	s25 =	simm.s32 $0x1B8E;
	s24 =	sld [smem:$0x3FFE];
	[sflag:s23] =	ssyncadd.s32 $0xFFFFFFFF  }
0xa5: {  	s26 =	simm.s32 $execute0_lowered;
	[smem:$0x3FD2] =	sst s25  }
0xa6: {  	s5 =	sshll.u32 s26, $0x1;
	_ =	strace $0x80000046;
	[dreg:$0x1] =	wrdreg $0xFFFFFFFF  }
0xa7: {  	s28 =	simm.s32 $_size_execute0_lowered;
	s3 =	sadd.s32 s3, s5;
	[dreg:$0x0] =	wrdreg $0x0  }
0xa8: {  	s5 =	sshll.u32 s28, $0x1;
	[dreg:$0x2] =	wrdreg s3  }
0xa9: {  	[dreg:$0x3] =	wrdreg s5  }
0xaa: {  	[dreg:$0x4] =	wrdreg $0xC0  }
0xab: {  	_ =	task [dreg:s7], $0x5FFFF  }
0xac: {  	[dreg:$0x1] =	wrdreg $0xFFFFFFFF  }
0xad: {  	[dreg:$0x0] =	wrdreg $0x60  }
0xae: {  	[dreg:$0x2] =	wrdreg s2  }
0xaf: {  	[dreg:$0x3] =	wrdreg s24  }
0xb0: {  	[dreg:$0x4] =	wrdreg $0x2D000  }
0xb1: {  	[dreg:$0x5] =	wrdreg $0x9  }
0xb2: {  	_ =	task.clear_ibuf [dreg:s7], $0x6FFFF;
	_ =	strace $0x90000046  }
0xb3: {  	s29 =	simm.s32 $0x9;
	_ =	strace $0x80000048  }
0xb4: {  	_ =	swait.ge [sflag:s29], $0x1  }
0xb5: {  	[sflag:s29] =	ssyncadd.s32 $0xFFFFFFFF  }
0xb6: {  	_ =	strace $0x90000048  }
0xb7: {  	_ =	sfence  }
0xb8: {  	s30 =	sld [smem:$0x0];
	_ =	sdelay $0x2  }
0xb9: {  	s31 =	sshll.u32 s1, $0xD;
	s1 =	sshrl.u32 s1, $0x2  }
0xba: {  	s3 =	sand.u32 $0x4000, s31;
	s1 =	sadd.s32 s1, s30  }
0xbb: {  	s0 =	sor.u32 s3, s0;
	s1 =	sshll.u32 s1, $0x11  }
0xbc: {  	s0 =	sor.u32 s1, s0  }
0xbd: {  	s0 =	sadd.s32 $0x8F2B, s0  }
0xbe: {  	[sflag:s0] =	ssyncadd.remote.s32 $0x1  }
0xbf: {  	_ =	sfence.sel $0xFFFF  }
0xc0: {  	[dreg:$0x0] =	wrdreg $0xFFFFFFFF;
	(pc) =	sbr.abs _section_cstart, $3  }
0xc1: {  	[dreg:$0x1] =	wrdreg $0xFFFFFFFF  }
0xc2: {  	_ =	task.clear_ibuf [dreg:s7], $0x2FFFF;
	_ =	strace $0x9FFFFFFF  }
0xc3: {  	(tm) =	ssettm $0x7FFFFFFF  }
tec
execute0_lowered:
.L_overlay_start_1:
0x0: {  	(tag) =	ssettag $0x1  }
0x1: {  	s5 =	rddreg [dreg:$0x0]  }
0x2: {  	s4 =	rddreg [dreg:$0x1]  }
0x3: {  	s2 =	rddreg [dreg:$0x2]  }
0x4: {  	s0 =	rddreg [dreg:$0x3];
	s3 =	simm.s32 $0x0;
	s6 =	srdreg.scid  }
0x5: {  	s1 =	stileid.u32;
	s11 =	simm.s32 $0x80;
	s12 =	simm.s32 $0x2A00  }
0x6: {  	s13 =	simm.s32 $0x100;
	s14 =	simm.s32 $0x180;
	s15 =	simm.s32 $0x1  }
0x7: {  	s16 =	simm.s32 $0x2;
	s17 =	simm.s32 $0x3;
	s18 =	simm.s32 $0x4  }
0x8: {  	s19 =	simm.s32 $0x0;
	[smem:$0x7FF] =	sst s3;
	s7 =	smul.u32 $0x500, s1  }
0x9: {  	s6 =	sand.u32 $0x1, s6;
	s9 =	smul.u32 $0xA00, s1;
	_ =	strace $0x80000047  }
0xa: {  	s8 =	sshll.u32 s6, $0x7;
	s31 =	sshll.u32 s6, $0x4;
	s6 =	ssub.s32 $0x2, s6  }
0xb: {  	s7 =	sor.u32 s8, s7;
	s8 =	sor.u32 s1, s31;
	s10 =	sshrl.u32 s6, $0x1  }
0xc: {  	s9 =	sshrl.u32 s9, $0x2;
	s7 =	sshrl.u32 s7, $0x3;
	s8 =	smul.u32 $0x500, s8  }
0xd: {  	s10 =	ssub.s32 s6, s10;
	s7 =	sadd.s32 s7, s4;
	s4 =	sadd.s32 s9, s2  }
0xe: {  	s9 =	simm.s32 $0x5;
	s5 =	sadd.s32 s5, s8;
	s6 =	sadd.s32 $0xD200, s7  }
0xf: {  	v0 =	vimm.f32 $1.000000000e+00;
	v1 =	vimm.f32 $0.0e+00;
	s7 =	smax.u32 s10, $0x1;
	s8 =	simm.s32 $0x2A80;
	s10 =	simm.s32 $0x200  }
.LBB2_1:
0x10: {  	[tilespmem:$0x2A00] =	vst v0  }
0x11: {  	[tilespmem:$0x2A10] =	vst v0  }
0x12: {  	[tilespmem:$0x2A20] =	vst v0  }
0x13: {  	[tilespmem:$0x2A30] =	vst v0  }
0x14: {  	[tilespmem:$0x2A40] =	vst v0  }
0x15: {  	[tilespmem:$0x2A50] =	vst v0  }
0x16: {  	[tilespmem:$0x2A60] =	vst v0  }
0x17: {  	[tilespmem:$0x2A70] =	vst v0  }
0x18: {  	[tilespmem:$0x2A80] =	vst v1  }
0x19: {  	[tilespmem:$0x2A90] =	vst v1  }
0x1a: {  	[tilespmem:$0x2AA0] =	vst v1  }
0x1b: {  	[tilespmem:$0x2AB0] =	vst v1  }
0x1c: {  	[tilespmem:$0x2AC0] =	vst v1  }
0x1d: {  	[tilespmem:$0x2AD0] =	vst v1  }
0x1e: {  	[tilespmem:$0x2AE0] =	vst v1  }
0x1f: {  	[tilespmem:$0x2AF0] =	vst v1  }
0x20: {  	[tilespmem:$0x2B00] =	vst v1  }
0x21: {  	[tilespmem:$0x2B10] =	vst v1  }
0x22: {  	[tilespmem:$0x2B20] =	vst v1  }
0x23: {  	[tilespmem:$0x2B30] =	vst v1  }
0x24: {  	[tilespmem:$0x2B40] =	vst v1  }
0x25: {  	[tilespmem:$0x2B50] =	vst v1  }
0x26: {  	[tilespmem:$0x2B60] =	vst v1  }
0x27: {  	[tilespmem:$0x2B70] =	vst v1  }
0x28: {  	[tilespmem:$0x2B80] =	vst v1  }
0x29: {  	[tilespmem:$0x2B90] =	vst v1  }
0x2a: {  	[tilespmem:$0x2BA0] =	vst v1  }
0x2b: {  	[tilespmem:$0x2BB0] =	vst v1  }
0x2c: {  	[tilespmem:$0x2BC0] =	vst v1  }
0x2d: {  	[tilespmem:$0x2BD0] =	vst v1  }
0x2e: {  	[tilespmem:$0x2BE0] =	vst v1  }
0x2f: {  	[tilespmem:$0x2BF0] =	vst v1  }
0x30: {  	[tilespmem:$0x2C00] =	vst v1  }
0x31: {  	[tilespmem:$0x2C10] =	vst v1  }
0x32: {  	[tilespmem:$0x2C20] =	vst v1  }
0x33: {  	[tilespmem:$0x2C30] =	vst v1  }
0x34: {  	[tilespmem:$0x2C40] =	vst v1  }
0x35: {  	[tilespmem:$0x2C50] =	vst v1  }
0x36: {  	[tilespmem:$0x2C60] =	vst v1  }
0x37: {  	[tilespmem:$0x2C70] =	vst v1  }
0x38: {  	[tilespmem:$0x2C80] =	vst v1  }
0x39: {  	[tilespmem:$0x2C90] =	vst v1  }
0x3a: {  	[tilespmem:$0x2CA0] =	vst v1  }
0x3b: {  	[tilespmem:$0x2CB0] =	vst v1  }
0x3c: {  	[tilespmem:$0x2CC0] =	vst v1  }
0x3d: {  	[tilespmem:$0x2CD0] =	vst v1  }
0x3e: {  	[tilespmem:$0x2CE0] =	vst v1  }
0x3f: {  	[tilespmem:$0x2CF0] =	vst v1  }
0x40: {  	[spmem:s4] =	stream.linear.scatter [tilespmem:s8], [sflag:$0x5], $0x280, $0x38;
	[tilespmem:$0x2F80] =	vst v63  }
0x41: {  	_ =	swait.ge [sflag:s9], $0x280  }
0x42: {  	[sflag:s9] =	ssyncset.done $0x0  }
0x43: {  	[sflag:s9] =	ssyncadd.s32 $0xFFFFFD80  }
0x44: {  	[bflag:$0x0] =	sbarrier.arrive $0xFFFF  }
0x45: {  	[tilespmem:s10], [sflag:$0x5] =	stream.linear.gather [hbm4b:s5+s3], $0x2800, $0x38;
	[tilespmem:$0x2F80] =	vst v63  }
0x46: {  	_ =	swait.ge [sflag:s9], $0x2800  }
0x47: {  	[sflag:s9] =	ssyncset.done $0x0  }
0x48: {  	[sflag:s9] =	ssyncadd.s32 $0xFFFFD800  }
0x49: {  	v2 =	vld [tilespmem:$0x200]  }
0x4a: {  	v3 =	vld [tilespmem:$0x210]  }
0x4b: {  	v4 =	vld [tilespmem:$0x220]  }
0x4c: {  	v5 =	vld [tilespmem:$0x230]  }
0x4d: {  	v6 =	vld [tilespmem:$0x240]  }
0x4e: {  	v51 =	vld [tilespmem:$0x270];
	[tilespmem:$0x0] =	vst v2  }
0x4f: {  	v2 =	vld [tilespmem:$0x250];
	[tilespmem:$0x10] =	vst v3  }
0x50: {  	v3 =	vld [tilespmem:$0x260];
	[tilespmem:$0x20] =	vst v4  }
0x51: {  	[tilespmem:$0x30] =	vst v5  }
0x52: {  	[tilespmem:$0x40] =	vst v6  }
0x53: {  	[tilespmem:$0x70] =	vst v51  }
0x54: {  	[tilespmem:$0x50] =	vst v2  }
0x55: {  	[tilespmem:$0x60] =	vst v3  }
0x56: {  	[spmem:s2] =	stream.indirect.scatter.add.f32 [tilespmem:s12], [sflag:$0x1], $0x1, s3, s11, $0xb8;
	[tilespmem:$0x2F80] =	vst v63  }
0x57: {  	v2 =	vld [tilespmem:$0x280]  }
0x58: {  	v3 =	vld [tilespmem:$0x290]  }
0x59: {  	v52 =	vld [tilespmem:$0x2A0]  }
0x5a: {  	v53 =	vld [tilespmem:$0x2B0]  }
0x5b: {  	v54 =	vld [tilespmem:$0x2C0]  }
0x5c: {  	v55 =	vld [tilespmem:$0x2F0];
	[tilespmem:$0x80] =	vst v2  }
0x5d: {  	v2 =	vld [tilespmem:$0x2D0];
	[tilespmem:$0x90] =	vst v3  }
0x5e: {  	v3 =	vld [tilespmem:$0x2E0];
	[tilespmem:$0xA0] =	vst v52  }
0x5f: {  	[tilespmem:$0xB0] =	vst v53  }
0x60: {  	[tilespmem:$0xC0] =	vst v54  }
0x61: {  	[tilespmem:$0xF0] =	vst v55  }
0x62: {  	[tilespmem:$0xD0] =	vst v2  }
0x63: {  	[tilespmem:$0xE0] =	vst v3  }
0x64: {  	[spmem:s2] =	stream.indirect.scatter.add.f32 [tilespmem:s12], [sflag:$0x2], $0x1, s11, s11, $0xb8;
	[tilespmem:$0x2F80] =	vst v63  }
0x65: {  	v2 =	vld [tilespmem:$0x300]  }
0x66: {  	v3 =	vld [tilespmem:$0x310]  }
0x67: {  	v56 =	vld [tilespmem:$0x320]  }
0x68: {  	v57 =	vld [tilespmem:$0x330]  }
0x69: {  	v58 =	vld [tilespmem:$0x340]  }
0x6a: {  	v59 =	vld [tilespmem:$0x370];
	[tilespmem:$0x100] =	vst v2  }
0x6b: {  	v2 =	vld [tilespmem:$0x350];
	[tilespmem:$0x110] =	vst v3  }
0x6c: {  	v3 =	vld [tilespmem:$0x360];
	[tilespmem:$0x120] =	vst v56  }
0x6d: {  	[tilespmem:$0x130] =	vst v57  }
0x6e: {  	[tilespmem:$0x140] =	vst v58  }
0x6f: {  	[tilespmem:$0x170] =	vst v59  }
0x70: {  	[tilespmem:$0x150] =	vst v2  }
0x71: {  	[tilespmem:$0x160] =	vst v3  }
0x72: {  	[spmem:s2] =	stream.indirect.scatter.add.f32 [tilespmem:s12], [sflag:$0x3], $0x1, s13, s11, $0xb8;
	[tilespmem:$0x2F80] =	vst v63  }
0x73: {  	v2 =	vld [tilespmem:$0x380]  }
0x74: {  	v3 =	vld [tilespmem:$0x390]  }
0x75: {  	v60 =	vld [tilespmem:$0x3A0]  }
0x76: {  	v61 =	vld [tilespmem:$0x3B0]  }
0x77: {  	v62 =	vld [tilespmem:$0x3C0]  }
0x78: {  	v63 =	vld [tilespmem:$0x3F0];
	[tilespmem:$0x180] =	vst v2  }
0x79: {  	v2 =	vld [tilespmem:$0x3D0];
	[tilespmem:$0x190] =	vst v3  }
0x7a: {  	v3 =	vld [tilespmem:$0x3E0];
	[tilespmem:$0x1A0] =	vst v60  }
0x7b: {  	[tilespmem:$0x1B0] =	vst v61  }
0x7c: {  	[tilespmem:$0x1C0] =	vst v62  }
0x7d: {  	[tilespmem:$0x1F0] =	vst v63  }
0x7e: {  	[tilespmem:$0x1D0] =	vst v2  }
0x7f: {  	[tilespmem:$0x1E0] =	vst v3  }
0x80: {  	[spmem:s2] =	stream.indirect.scatter.add.f32 [tilespmem:s12], [sflag:$0x4], $0x1, s14, s11, $0xb8;
	[tilespmem:$0x2F80] =	vst v63  }
0x81: {  	_ =	swait.ge [sflag:s15], $0x80  }
0x82: {  	[sflag:s15] =	ssyncset.done $0x0  }
0x83: {  	s20 =	simm.s32 $0x0;
	[sflag:s15] =	ssyncadd.s32 $0xFFFFFF80  }
0x84: {  	v2 =	vld [tilespmem:s20+$0x400];
	_ =	sdelay $0x4  }
0x85: {  	[tilespmem:$0x0] =	vst v2  }
0x86: {  	v2 =	vld [tilespmem:s20+$0x410];
	_ =	sdelay $0x4  }
0x87: {  	[tilespmem:$0x10] =	vst v2  }
0x88: {  	v2 =	vld [tilespmem:s20+$0x420];
	_ =	sdelay $0x4  }
0x89: {  	[tilespmem:$0x20] =	vst v2  }
0x8a: {  	v2 =	vld [tilespmem:s20+$0x430];
	_ =	sdelay $0x4  }
0x8b: {  	[tilespmem:$0x30] =	vst v2  }
0x8c: {  	v2 =	vld [tilespmem:s20+$0x440];
	_ =	sdelay $0x4  }
0x8d: {  	[tilespmem:$0x40] =	vst v2  }
0x8e: {  	v2 =	vld [tilespmem:s20+$0x450];
	_ =	sdelay $0x4  }
0x8f: {  	[tilespmem:$0x50] =	vst v2  }
0x90: {  	v2 =	vld [tilespmem:s20+$0x460];
	_ =	sdelay $0x4  }
0x91: {  	[tilespmem:$0x60] =	vst v2  }
0x92: {  	v2 =	vld [tilespmem:s20+$0x470];
	_ =	sdelay $0x4  }
0x93: {  	[tilespmem:$0x70] =	vst v2  }
0x94: {  	[spmem:s2] =	stream.indirect.scatter.add.f32 [tilespmem:s12], [sflag:$0x1], $0x1, s3, s11, $0xb8;
	[tilespmem:$0x2F80] =	vst v63  }
0x95: {  	_ =	swait.ge [sflag:s16], $0x80  }
0x96: {  	[sflag:s16] =	ssyncset.done $0x0  }
0x97: {  	[sflag:s16] =	ssyncadd.s32 $0xFFFFFF80  }
0x98: {  	v2 =	vld [tilespmem:s20+$0x480];
	_ =	sdelay $0x4  }
0x99: {  	[tilespmem:$0x80] =	vst v2  }
0x9a: {  	v2 =	vld [tilespmem:s20+$0x490];
	_ =	sdelay $0x4  }
0x9b: {  	[tilespmem:$0x90] =	vst v2  }
0x9c: {  	v2 =	vld [tilespmem:s20+$0x4A0];
	_ =	sdelay $0x4  }
0x9d: {  	[tilespmem:$0xA0] =	vst v2  }
0x9e: {  	v2 =	vld [tilespmem:s20+$0x4B0];
	_ =	sdelay $0x4  }
0x9f: {  	[tilespmem:$0xB0] =	vst v2  }
0xa0: {  	v2 =	vld [tilespmem:s20+$0x4C0];
	_ =	sdelay $0x4  }
0xa1: {  	[tilespmem:$0xC0] =	vst v2  }
0xa2: {  	v2 =	vld [tilespmem:s20+$0x4D0];
	_ =	sdelay $0x4  }
0xa3: {  	[tilespmem:$0xD0] =	vst v2  }
0xa4: {  	v2 =	vld [tilespmem:s20+$0x4E0];
	_ =	sdelay $0x4  }
0xa5: {  	[tilespmem:$0xE0] =	vst v2  }
0xa6: {  	v2 =	vld [tilespmem:s20+$0x4F0];
	_ =	sdelay $0x4  }
0xa7: {  	[tilespmem:$0xF0] =	vst v2  }
0xa8: {  	[spmem:s2] =	stream.indirect.scatter.add.f32 [tilespmem:s12], [sflag:$0x2], $0x1, s11, s11, $0xb8;
	[tilespmem:$0x2F80] =	vst v63  }
0xa9: {  	_ =	swait.ge [sflag:s17], $0x80  }
0xaa: {  	[sflag:s17] =	ssyncset.done $0x0  }
0xab: {  	[sflag:s17] =	ssyncadd.s32 $0xFFFFFF80  }
0xac: {  	v2 =	vld [tilespmem:s20+$0x500];
	_ =	sdelay $0x4  }
0xad: {  	[tilespmem:$0x100] =	vst v2  }
0xae: {  	v2 =	vld [tilespmem:s20+$0x510];
	_ =	sdelay $0x4  }
0xaf: {  	[tilespmem:$0x110] =	vst v2  }
0xb0: {  	v2 =	vld [tilespmem:s20+$0x520];
	_ =	sdelay $0x4  }
0xb1: {  	[tilespmem:$0x120] =	vst v2  }
0xb2: {  	v2 =	vld [tilespmem:s20+$0x530];
	_ =	sdelay $0x4  }
0xb3: {  	[tilespmem:$0x130] =	vst v2  }
0xb4: {  	v2 =	vld [tilespmem:s20+$0x540];
	_ =	sdelay $0x4  }
0xb5: {  	[tilespmem:$0x140] =	vst v2  }
0xb6: {  	v2 =	vld [tilespmem:s20+$0x550];
	_ =	sdelay $0x4  }
0xb7: {  	[tilespmem:$0x150] =	vst v2  }
0xb8: {  	v2 =	vld [tilespmem:s20+$0x560];
	_ =	sdelay $0x4  }
0xb9: {  	[tilespmem:$0x160] =	vst v2  }
0xba: {  	v2 =	vld [tilespmem:s20+$0x570];
	_ =	sdelay $0x4  }
0xbb: {  	[tilespmem:$0x170] =	vst v2  }
0xbc: {  	[spmem:s2] =	stream.indirect.scatter.add.f32 [tilespmem:s12], [sflag:$0x3], $0x1, s13, s11, $0xb8;
	[tilespmem:$0x2F80] =	vst v63  }
0xbd: {  	_ =	swait.ge [sflag:s18], $0x80  }
0xbe: {  	[sflag:s18] =	ssyncset.done $0x0  }
0xbf: {  	[sflag:s18] =	ssyncadd.s32 $0xFFFFFF80  }
0xc0: {  	v2 =	vld [tilespmem:s20+$0x580];
	_ =	sdelay $0x4  }
0xc1: {  	[tilespmem:$0x180] =	vst v2  }
0xc2: {  	v2 =	vld [tilespmem:s20+$0x590];
	_ =	sdelay $0x4  }
0xc3: {  	[tilespmem:$0x190] =	vst v2  }
0xc4: {  	v2 =	vld [tilespmem:s20+$0x5A0];
	_ =	sdelay $0x4  }
0xc5: {  	[tilespmem:$0x1A0] =	vst v2  }
0xc6: {  	v2 =	vld [tilespmem:s20+$0x5B0];
	_ =	sdelay $0x4  }
0xc7: {  	[tilespmem:$0x1B0] =	vst v2  }
0xc8: {  	v2 =	vld [tilespmem:s20+$0x5C0];
	_ =	sdelay $0x4  }
0xc9: {  	[tilespmem:$0x1C0] =	vst v2  }
0xca: {  	v2 =	vld [tilespmem:s20+$0x5D0];
	_ =	sdelay $0x4  }
0xcb: {  	[tilespmem:$0x1D0] =	vst v2  }
0xcc: {  	v2 =	vld [tilespmem:s20+$0x5E0];
	_ =	sdelay $0x4  }
0xcd: {  	[tilespmem:$0x1E0] =	vst v2  }
0xce: {  	v2 =	vld [tilespmem:s20+$0x5F0];
	_ =	sdelay $0x4  }
0xcf: {  	[tilespmem:$0x1F0] =	vst v2  }
0xd0: {  	[spmem:s2] =	stream.indirect.scatter.add.f32 [tilespmem:s12], [sflag:$0x4], $0x1, s14, s11, $0xb8;
	[tilespmem:$0x2F80] =	vst v63  }
0xd1: {  	_ =	swait.ge [sflag:s15], $0x80  }
0xd2: {  	s23 =	simm.s32 $0x1000;
	s20 =	simm.s32 $0x800;
	[sflag:s15] =	ssyncset.done $0x0  }
.LBB2_2:
0xd3: {  	s22 =	sshra.s32 s20, $0x2  }
0xd4: {  	[sflag:s15] =	ssyncadd.s32 $0xFFFFFF80;
	s20 =	smov.u32 s23;
	s21 =	sadd.s32 $0x800, s23  }
0xd5: {  	p0 =	sne.s32 s23, $0x9000;
	v2 =	vld [tilespmem:s22+$0x400];
	_ =	sdelay $0x4  }
0xd6: {  	[tilespmem:$0x0] =	vst v2  }
0xd7: {  	v2 =	vld [tilespmem:s22+$0x410];
	_ =	sdelay $0x4  }
0xd8: {  	[tilespmem:$0x10] =	vst v2  }
0xd9: {  	v2 =	vld [tilespmem:s22+$0x420];
	_ =	sdelay $0x4  }
0xda: {  	[tilespmem:$0x20] =	vst v2  }
0xdb: {  	v2 =	vld [tilespmem:s22+$0x430];
	_ =	sdelay $0x4  }
0xdc: {  	[tilespmem:$0x30] =	vst v2  }
0xdd: {  	v2 =	vld [tilespmem:s22+$0x440];
	_ =	sdelay $0x4  }
0xde: {  	[tilespmem:$0x40] =	vst v2  }
0xdf: {  	v2 =	vld [tilespmem:s22+$0x450];
	_ =	sdelay $0x4  }
0xe0: {  	[tilespmem:$0x50] =	vst v2  }
0xe1: {  	v2 =	vld [tilespmem:s22+$0x460];
	_ =	sdelay $0x4  }
0xe2: {  	[tilespmem:$0x60] =	vst v2  }
0xe3: {  	v2 =	vld [tilespmem:s22+$0x470];
	_ =	sdelay $0x4  }
0xe4: {  	[tilespmem:$0x70] =	vst v2  }
0xe5: {  	[spmem:s2] =	stream.indirect.scatter.add.f32 [tilespmem:s12], [sflag:$0x1], $0x1, s3, s11, $0xb8;
	[tilespmem:$0x2F80] =	vst v63  }
0xe6: {  	_ =	swait.ge [sflag:s16], $0x80  }
0xe7: {  	[sflag:s16] =	ssyncset.done $0x0  }
0xe8: {  	[sflag:s16] =	ssyncadd.s32 $0xFFFFFF80  }
0xe9: {  	v2 =	vld [tilespmem:s22+$0x480];
	_ =	sdelay $0x4  }
0xea: {  	[tilespmem:$0x80] =	vst v2  }
0xeb: {  	v2 =	vld [tilespmem:s22+$0x490];
	_ =	sdelay $0x4  }
0xec: {  	[tilespmem:$0x90] =	vst v2  }
0xed: {  	v2 =	vld [tilespmem:s22+$0x4A0];
	_ =	sdelay $0x4  }
0xee: {  	[tilespmem:$0xA0] =	vst v2  }
0xef: {  	v2 =	vld [tilespmem:s22+$0x4B0];
	_ =	sdelay $0x4  }
0xf0: {  	[tilespmem:$0xB0] =	vst v2  }
0xf1: {  	v2 =	vld [tilespmem:s22+$0x4C0];
	_ =	sdelay $0x4  }
0xf2: {  	[tilespmem:$0xC0] =	vst v2  }
0xf3: {  	v2 =	vld [tilespmem:s22+$0x4D0];
	_ =	sdelay $0x4  }
0xf4: {  	[tilespmem:$0xD0] =	vst v2  }
0xf5: {  	v2 =	vld [tilespmem:s22+$0x4E0];
	_ =	sdelay $0x4  }
0xf6: {  	[tilespmem:$0xE0] =	vst v2  }
0xf7: {  	v2 =	vld [tilespmem:s22+$0x4F0];
	_ =	sdelay $0x4  }
0xf8: {  	[tilespmem:$0xF0] =	vst v2  }
0xf9: {  	[spmem:s2] =	stream.indirect.scatter.add.f32 [tilespmem:s12], [sflag:$0x2], $0x1, s11, s11, $0xb8;
	[tilespmem:$0x2F80] =	vst v63  }
0xfa: {  	_ =	swait.ge [sflag:s17], $0x80  }
0xfb: {  	[sflag:s17] =	ssyncset.done $0x0  }
0xfc: {  	[sflag:s17] =	ssyncadd.s32 $0xFFFFFF80  }
0xfd: {  	v2 =	vld [tilespmem:s22+$0x500];
	_ =	sdelay $0x4  }
0xfe: {  	[tilespmem:$0x100] =	vst v2  }
0xff: {  	v2 =	vld [tilespmem:s22+$0x510];
	_ =	sdelay $0x4  }
0x100: {  	[tilespmem:$0x110] =	vst v2  }
0x101: {  	v2 =	vld [tilespmem:s22+$0x520];
	_ =	sdelay $0x4  }
0x102: {  	[tilespmem:$0x120] =	vst v2  }
0x103: {  	v2 =	vld [tilespmem:s22+$0x530];
	_ =	sdelay $0x4  }
0x104: {  	[tilespmem:$0x130] =	vst v2  }
0x105: {  	v2 =	vld [tilespmem:s22+$0x540];
	_ =	sdelay $0x4  }
0x106: {  	[tilespmem:$0x140] =	vst v2  }
0x107: {  	v2 =	vld [tilespmem:s22+$0x550];
	_ =	sdelay $0x4  }
0x108: {  	[tilespmem:$0x150] =	vst v2  }
0x109: {  	v2 =	vld [tilespmem:s22+$0x560];
	_ =	sdelay $0x4  }
0x10a: {  	[tilespmem:$0x160] =	vst v2  }
0x10b: {  	v2 =	vld [tilespmem:s22+$0x570];
	_ =	sdelay $0x4  }
0x10c: {  	[tilespmem:$0x170] =	vst v2  }
0x10d: {  	[spmem:s2] =	stream.indirect.scatter.add.f32 [tilespmem:s12], [sflag:$0x3], $0x1, s13, s11, $0xb8;
	[tilespmem:$0x2F80] =	vst v63  }
0x10e: {  	_ =	swait.ge [sflag:s18], $0x80  }
0x10f: {  	[sflag:s18] =	ssyncset.done $0x0  }
0x110: {  	[sflag:s18] =	ssyncadd.s32 $0xFFFFFF80  }
0x111: {  	v2 =	vld [tilespmem:s22+$0x580];
	_ =	sdelay $0x4  }
0x112: {  	[tilespmem:$0x180] =	vst v2  }
0x113: {  	v2 =	vld [tilespmem:s22+$0x590];
	_ =	sdelay $0x4  }
0x114: {  	[tilespmem:$0x190] =	vst v2  }
0x115: {  	v2 =	vld [tilespmem:s22+$0x5A0];
	_ =	sdelay $0x4  }
0x116: {  	[tilespmem:$0x1A0] =	vst v2  }
0x117: {  	v2 =	vld [tilespmem:s22+$0x5B0];
	_ =	sdelay $0x4  }
0x118: {  	[tilespmem:$0x1B0] =	vst v2  }
0x119: {  	v2 =	vld [tilespmem:s22+$0x5C0];
	_ =	sdelay $0x4  }
0x11a: {  	[tilespmem:$0x1C0] =	vst v2  }
0x11b: {  	v2 =	vld [tilespmem:s22+$0x5D0];
	_ =	sdelay $0x4  }
0x11c: {  	[tilespmem:$0x1D0] =	vst v2  }
0x11d: {  	v2 =	vld [tilespmem:s22+$0x5E0];
	_ =	sdelay $0x4  }
0x11e: {  	[tilespmem:$0x1E0] =	vst v2  }
0x11f: {  	v2 =	vld [tilespmem:s22+$0x5F0];
	_ =	sdelay $0x3  }
.Ltmp0:
0x120: {  	(pc) =	sbr.rel @p0 .LBB2_2-.Ltmp0, $4  }
0x121: {  	[tilespmem:$0x1F0] =	vst v2  }
0x122: {  	[spmem:s2] =	stream.indirect.scatter.add.f32 [tilespmem:s12], [sflag:$0x4], $0x1, s14, s11, $0xb8;
	[tilespmem:$0x2F80] =	vst v63  }
0x123: {  	_ =	swait.ge [sflag:s15], $0x80  }
0x124: {  	s23 =	smov.u32 s21;
	[sflag:s15] =	ssyncset.done $0x0  }
0x125: {  	s20 =	sshra.s32 s20, $0x2;
	[sflag:s15] =	ssyncadd.s32 $0xFFFFFF80  }
0x126: {  	v2 =	vld [tilespmem:s20+$0x400];
	_ =	sdelay $0x4  }
0x127: {  	[tilespmem:$0x0] =	vst v2  }
0x128: {  	v2 =	vld [tilespmem:s20+$0x410];
	_ =	sdelay $0x4  }
0x129: {  	[tilespmem:$0x10] =	vst v2  }
0x12a: {  	v2 =	vld [tilespmem:s20+$0x420];
	_ =	sdelay $0x4  }
0x12b: {  	[tilespmem:$0x20] =	vst v2  }
0x12c: {  	v2 =	vld [tilespmem:s20+$0x430];
	_ =	sdelay $0x4  }
0x12d: {  	[tilespmem:$0x30] =	vst v2  }
0x12e: {  	v2 =	vld [tilespmem:s20+$0x440];
	_ =	sdelay $0x4  }
0x12f: {  	[tilespmem:$0x40] =	vst v2  }
0x130: {  	v2 =	vld [tilespmem:s20+$0x450];
	_ =	sdelay $0x4  }
0x131: {  	[tilespmem:$0x50] =	vst v2  }
0x132: {  	v2 =	vld [tilespmem:s20+$0x460];
	_ =	sdelay $0x4  }
0x133: {  	[tilespmem:$0x60] =	vst v2  }
0x134: {  	v2 =	vld [tilespmem:s20+$0x470];
	_ =	sdelay $0x4  }
0x135: {  	[tilespmem:$0x70] =	vst v2  }
0x136: {  	[spmem:s2] =	stream.indirect.scatter.add.f32 [tilespmem:s12], [sflag:$0x1], $0x1, s3, s11, $0xb8;
	[tilespmem:$0x2F80] =	vst v63  }
0x137: {  	_ =	swait.ge [sflag:s16], $0x80  }
0x138: {  	[sflag:s16] =	ssyncset.done $0x0  }
0x139: {  	[sflag:s16] =	ssyncadd.s32 $0xFFFFFF80  }
0x13a: {  	v2 =	vld [tilespmem:s20+$0x480];
	_ =	sdelay $0x4  }
0x13b: {  	[tilespmem:$0x80] =	vst v2  }
0x13c: {  	v2 =	vld [tilespmem:s20+$0x490];
	_ =	sdelay $0x4  }
0x13d: {  	[tilespmem:$0x90] =	vst v2  }
0x13e: {  	v2 =	vld [tilespmem:s20+$0x4A0];
	_ =	sdelay $0x4  }
0x13f: {  	[tilespmem:$0xA0] =	vst v2  }
0x140: {  	v2 =	vld [tilespmem:s20+$0x4B0];
	_ =	sdelay $0x4  }
0x141: {  	[tilespmem:$0xB0] =	vst v2  }
0x142: {  	v2 =	vld [tilespmem:s20+$0x4C0];
	_ =	sdelay $0x4  }
0x143: {  	[tilespmem:$0xC0] =	vst v2  }
0x144: {  	v2 =	vld [tilespmem:s20+$0x4D0];
	_ =	sdelay $0x4  }
0x145: {  	[tilespmem:$0xD0] =	vst v2  }
0x146: {  	v2 =	vld [tilespmem:s20+$0x4E0];
	_ =	sdelay $0x4  }
0x147: {  	[tilespmem:$0xE0] =	vst v2  }
0x148: {  	v2 =	vld [tilespmem:s20+$0x4F0];
	_ =	sdelay $0x4  }
0x149: {  	[tilespmem:$0xF0] =	vst v2  }
0x14a: {  	[spmem:s2] =	stream.indirect.scatter.add.f32 [tilespmem:s12], [sflag:$0x2], $0x1, s11, s11, $0xb8;
	[tilespmem:$0x2F80] =	vst v63  }
0x14b: {  	_ =	swait.ge [sflag:s17], $0x80  }
0x14c: {  	[sflag:s17] =	ssyncset.done $0x0  }
0x14d: {  	[sflag:s17] =	ssyncadd.s32 $0xFFFFFF80  }
0x14e: {  	v2 =	vld [tilespmem:s20+$0x500];
	_ =	sdelay $0x4  }
0x14f: {  	[tilespmem:$0x100] =	vst v2  }
0x150: {  	v2 =	vld [tilespmem:s20+$0x510];
	_ =	sdelay $0x4  }
0x151: {  	[tilespmem:$0x110] =	vst v2  }
0x152: {  	v2 =	vld [tilespmem:s20+$0x520];
	_ =	sdelay $0x4  }
0x153: {  	[tilespmem:$0x120] =	vst v2  }
0x154: {  	v2 =	vld [tilespmem:s20+$0x530];
	_ =	sdelay $0x4  }
0x155: {  	[tilespmem:$0x130] =	vst v2  }
0x156: {  	v2 =	vld [tilespmem:s20+$0x540];
	_ =	sdelay $0x4  }
0x157: {  	[tilespmem:$0x140] =	vst v2  }
0x158: {  	v2 =	vld [tilespmem:s20+$0x550];
	_ =	sdelay $0x4  }
0x159: {  	[tilespmem:$0x150] =	vst v2  }
0x15a: {  	v2 =	vld [tilespmem:s20+$0x560];
	_ =	sdelay $0x4  }
0x15b: {  	[tilespmem:$0x160] =	vst v2  }
0x15c: {  	v2 =	vld [tilespmem:s20+$0x570];
	_ =	sdelay $0x4  }
0x15d: {  	[tilespmem:$0x170] =	vst v2  }
0x15e: {  	[spmem:s2] =	stream.indirect.scatter.add.f32 [tilespmem:s12], [sflag:$0x3], $0x1, s13, s11, $0xb8;
	[tilespmem:$0x2F80] =	vst v63  }
0x15f: {  	_ =	swait.ge [sflag:s18], $0x80  }
0x160: {  	[sflag:s18] =	ssyncset.done $0x0  }
0x161: {  	[sflag:s18] =	ssyncadd.s32 $0xFFFFFF80  }
0x162: {  	v2 =	vld [tilespmem:s20+$0x580];
	_ =	sdelay $0x4  }
0x163: {  	[tilespmem:$0x180] =	vst v2  }
0x164: {  	v2 =	vld [tilespmem:s20+$0x590];
	_ =	sdelay $0x4  }
0x165: {  	[tilespmem:$0x190] =	vst v2  }
0x166: {  	v2 =	vld [tilespmem:s20+$0x5A0];
	_ =	sdelay $0x4  }
0x167: {  	[tilespmem:$0x1A0] =	vst v2  }
0x168: {  	v2 =	vld [tilespmem:s20+$0x5B0];
	_ =	sdelay $0x4  }
0x169: {  	[tilespmem:$0x1B0] =	vst v2  }
0x16a: {  	v2 =	vld [tilespmem:s20+$0x5C0];
	_ =	sdelay $0x4  }
0x16b: {  	[tilespmem:$0x1C0] =	vst v2  }
0x16c: {  	v2 =	vld [tilespmem:s20+$0x5D0];
	_ =	sdelay $0x4  }
0x16d: {  	[tilespmem:$0x1D0] =	vst v2  }
0x16e: {  	v2 =	vld [tilespmem:s20+$0x5E0];
	_ =	sdelay $0x4  }
0x16f: {  	[tilespmem:$0x1E0] =	vst v2  }
0x170: {  	v2 =	vld [tilespmem:s20+$0x5F0];
	_ =	sdelay $0x4  }
0x171: {  	[tilespmem:$0x1F0] =	vst v2  }
0x172: {  	[spmem:s2] =	stream.indirect.scatter.add.f32 [tilespmem:s12], [sflag:$0x4], $0x1, s14, s11, $0xb8;
	[tilespmem:$0x2F80] =	vst v63  }
0x173: {  	_ =	swait.ge [sflag:s15], $0x80  }
0x174: {  	[sflag:s15] =	ssyncset.done $0x0  }
0x175: {  	[sflag:s15] =	ssyncadd.s32 $0xFFFFFF80  }
0x176: {  	_ =	swait.ge [sflag:s16], $0x80  }
0x177: {  	[sflag:s16] =	ssyncset.done $0x0  }
0x178: {  	[sflag:s16] =	ssyncadd.s32 $0xFFFFFF80  }
0x179: {  	_ =	swait.ge [sflag:s17], $0x80  }
0x17a: {  	[sflag:s17] =	ssyncset.done $0x0  }
0x17b: {  	[sflag:s17] =	ssyncadd.s32 $0xFFFFFF80  }
0x17c: {  	_ =	swait.ge [sflag:s18], $0x80  }
0x17d: {  	[sflag:s18] =	ssyncset.done $0x0  }
0x17e: {  	[sflag:s18] =	ssyncadd.s32 $0xFFFFFF80  }
0x17f: {  	[bflag:$0x0] =	sbarrier.arrive $0xFFFF  }
0x180: {  	[tilespmem:s8], [sflag:$0x5] =	stream.linear.gather [spmem:s4], $0x280, $0x38;
	[tilespmem:$0x2F80] =	vst v63  }
0x181: {  	s19 =	sadd.s32 $0x1, s19;
	_ =	swait.ge [sflag:s9], $0x280  }
0x182: {  	p0 =	sne.s32 s19, s7;
	[sflag:s9] =	ssyncset.done $0x0  }
.Ltmp1:
0x183: {  	[sflag:s9] =	ssyncadd.s32 $0xFFFFFD80;
	(pc) =	sbr.rel @p0 .LBB2_1-.Ltmp1, $4  }
0x184: {  	[hbm4b:s6+s11] =	stream.strided.scatter [tilespmem:s8], [sflag:$0x5], $0x280, s13, s11, $0x38;
	[tilespmem:$0x2F80] =	vst v63  }
0x185: {  	_ =	swait.ge [sflag:s9], $0x280  }
0x186: {  	[sflag:s9] =	ssyncset.done $0x0  }
0x187: {  	[sflag:s9] =	ssyncadd.s32 $0xFFFFFD80  }
0x188: {  	_ =	sfence.sel $0x180000  }
0x189: {  	[bflag:$0x0] =	sbarrier.arrive $0xFFFF  }
0x18a: {  	p0 =	sne.s32 s1, $0x0;
	_ =	strace $0x90000047  }
0x18b: {  	s0 =	sadd.s32 @!p0 $0x100000, s0;
	[bflag:$0x2] =	sbarrier.arrive $0xFFFF  }
0x18c: {  	[sflag:s0] =	ssyncadd.tile.s32 @!p0 $0x1;
	_ =	shalt  }
.Lfunc_end2:
_tile_overlayer_lowered:
.L_overlay_start_2:
0x18d: {  	(tag) =	ssettag $0x2  }
0x18e: {  	s0 =	rddreg [dreg:$0x0];
	s2 =	stileid.u32  }
0x18f: {  	s1 =	rddreg [dreg:$0x1];
	p0 =	sne.s32 s2, $0x0  }
0x190: {  	s3 =	rddreg [dreg:$0x2];
	[bflag:$0x3] =	sbarrier.arrive $0xFFFF;
	s2 =	simm.s32 @!p0 $0x1C05  }
0x191: {  	[timem:s3], [sflag:s2] =	dma.local @!p0 [hbm:s0], s1  }
0x192: {  	s0 =	simm.s32 @!p0 $0x5  }
0x193: {  	_ =	swait.ge @!p0 [sflag:s0], s1  }
0x194: {  	s1 =	ssub.s32 @!p0 $0x0, s1;
	[sflag:s0] =	ssyncset.done @!p0 $0x0  }
0x195: {  	[sflag:s0] =	ssyncadd.s32 @!p0 s1  }
0x196: {  	[bflag:$0x3] =	sbarrier.arrive $0xFFFF  }
0x197: {  	_ =	shalt  }

</sc_bundles>
